<compile_context>
chip_gen: v7x
topology: tpu7x:2x2x1
jax: 0.10.2.dev20260603
libtpu: 0.0.44.dev20260713+nightly
codegen_flags: <defaults>
</compile_context>

<pallas_src>
import functools

import jax
import jax.numpy as jnp
from jax import lax
from jax.experimental import pallas as pl
from jax.experimental.pallas import tpu as pltpu
from jax.experimental.pallas import tpu_sc as plsc

N = 10000
E = 320000
N_PAD = 10240
N_TILES = 16
RPT = N_PAD // N_TILES
EPT = E // N_TILES
CH = 80
NCH = EPT // CH
RB = 80
NRB = RPT // RB

_mesh = plsc.VectorSubcoreMesh(core_axis_name="c", subcore_axis_name="s")
_sc_params = pltpu.CompilerParams(use_tc_tiling_on_sc=False)



@functools.partial(
    pl.kernel,
    out_type=[jax.ShapeDtypeStruct((N_PAD, 16), jnp.float32),
              jax.ShapeDtypeStruct((N_PAD, 16), jnp.float32)],
    mesh=_mesh,
    scratch_types=[pltpu.VMEM_SHARED((N_PAD, 16), jnp.float32),
                   pltpu.VMEM((CH,), jnp.int32),
                   pltpu.VMEM((RB, 16), jnp.float32)],
    compiler_params=_sc_params,
)
def _sc_degrees(pdst_hbm, ndst_hbm, cntp_hbm, cntn_hbm, acc_sh, didx_v, buf_v):
    c = lax.axis_index("c")
    s = lax.axis_index("s")
    r0 = s * RPT

    def run(dst_hbm, out_hbm):
        @pl.loop(0, RB)
        def _(i):
            buf_v[i, :] = jnp.zeros((16,), jnp.float32)

        @pl.loop(0, NRB)
        def _(j):
            pltpu.sync_copy(buf_v, acc_sh.at[pl.ds(r0 + j * RB, RB)])

        plsc.subcore_barrier()

        @pl.loop(0, RB)
        def _(i):
            buf_v[i, :] = jnp.ones((16,), jnp.float32)

        base = s * EPT

        @pl.loop(0, NCH)
        def _(g):
            pltpu.sync_copy(dst_hbm.at[pl.ds(base + g * CH, CH)], didx_v)
            pltpu.sync_copy(buf_v, acc_sh.at[didx_v], add=True)

        plsc.subcore_barrier()

        @pl.loop(0, NRB)
        def _(j):
            pltpu.sync_copy(acc_sh.at[pl.ds(r0 + j * RB, RB)], buf_v)
            pltpu.sync_copy(buf_v, out_hbm.at[pl.ds(r0 + j * RB, RB)])

    @pl.when(c == 0)
    def _():
        run(pdst_hbm, cntp_hbm)

    @pl.when(c == 1)
    def _():
        run(ndst_hbm, cntn_hbm)



def _make_msgpass(D):
    @functools.partial(
        pl.kernel,
        out_type=[jax.ShapeDtypeStruct((N_PAD, D), jnp.float32),
                  jax.ShapeDtypeStruct((N_PAD, D), jnp.float32)],
        mesh=_mesh,
        scratch_types=[pltpu.VMEM_SHARED((N_PAD, D), jnp.float32),
                       pltpu.VMEM((CH,), jnp.int32),
                       pltpu.VMEM((CH,), jnp.int32),
                       pltpu.VMEM((CH, D), jnp.float32)],
        compiler_params=_sc_params,
    )
    def msgpass(tabp_hbm, tabn_hbm, psrc_hbm, pdst_hbm, nsrc_hbm, ndst_hbm,
                outp_hbm, outn_hbm, acc_sh, sidx_v, didx_v, rows_v):
        c = lax.axis_index("c")
        s = lax.axis_index("s")
        r0 = s * RPT

        def run(tab_hbm, src_hbm, dst_hbm, out_hbm):
            @pl.loop(0, NRB)
            def _(j):
                pltpu.sync_copy(tab_hbm.at[pl.ds(r0 + j * RB, RB)], rows_v)
                pltpu.sync_copy(rows_v, acc_sh.at[pl.ds(r0 + j * RB, RB)])

            plsc.subcore_barrier()

            base = s * EPT

            @pl.loop(0, NCH)
            def _(g):
                off = base + g * CH
                pltpu.sync_copy(src_hbm.at[pl.ds(off, CH)], sidx_v)
                pltpu.sync_copy(dst_hbm.at[pl.ds(off, CH)], didx_v)
                pltpu.sync_copy(tab_hbm.at[sidx_v], rows_v)
                pltpu.sync_copy(rows_v, acc_sh.at[didx_v], add=True)

            plsc.subcore_barrier()

            @pl.loop(0, NRB)
            def _(j):
                pltpu.sync_copy(acc_sh.at[pl.ds(r0 + j * RB, RB)], rows_v)
                pltpu.sync_copy(rows_v, out_hbm.at[pl.ds(r0 + j * RB, RB)])

        @pl.when(c == 0)
        def _():
            run(tabp_hbm, psrc_hbm, pdst_hbm, outp_hbm)

        @pl.when(c == 1)
        def _():
            run(tabn_hbm, nsrc_hbm, ndst_hbm, outn_hbm)

    return msgpass


_sc_msgpass_128 = _make_msgpass(128)
_sc_msgpass_64 = _make_msgpass(64)



BLK = 1280
GRID = N_PAD // BLK


def _dinv(cnt_blk):
    return lax.rsqrt(cnt_blk[:, 0:1] + 1.0)


def _tc_a_body(x_ref, cntp_ref, cntn_ref, wp_ref, wn_ref, bp_ref, bn_ref,
               tp_ref, tn_ref):
    dp = _dinv(cntp_ref[...])
    dn = _dinv(cntn_ref[...])
    x = x_ref[...]
    tp_ref[...] = (jnp.dot(x, wp_ref[...], preferred_element_type=jnp.float32)
                   + bp_ref[...]) * dp
    tn_ref[...] = (jnp.dot(x, wn_ref[...], preferred_element_type=jnp.float32)
                   + bn_ref[...]) * dn


_tc_a = pl.pallas_call(
    _tc_a_body,
    grid=(GRID,),
    in_specs=[pl.BlockSpec((BLK, 128), lambda i: (i, 0)),
              pl.BlockSpec((BLK, 16), lambda i: (i, 0)),
              pl.BlockSpec((BLK, 16), lambda i: (i, 0)),
              pl.BlockSpec((128, 128), lambda i: (0, 0)),
              pl.BlockSpec((128, 128), lambda i: (0, 0)),
              pl.BlockSpec((1, 128), lambda i: (0, 0)),
              pl.BlockSpec((1, 128), lambda i: (0, 0))],
    out_specs=[pl.BlockSpec((BLK, 128), lambda i: (i, 0)),
               pl.BlockSpec((BLK, 128), lambda i: (i, 0))],
    out_shape=[jax.ShapeDtypeStruct((N_PAD, 128), jnp.float32),
               jax.ShapeDtypeStruct((N_PAD, 128), jnp.float32)],
)


def _tc_b_body(accp_ref, accn_ref, cntp_ref, cntn_ref, wp_ref, wn_ref,
               bp_ref, bn_ref, tp_ref, tn_ref):
    dp = _dinv(cntp_ref[...])
    dn = _dinv(cntn_ref[...])
    h = jnp.maximum(accp_ref[...] * dp - accn_ref[...] * dn, 0.0)
    tp_ref[...] = (jnp.dot(h, wp_ref[...], preferred_element_type=jnp.float32)
                   + bp_ref[...]) * dp
    tn_ref[...] = (jnp.dot(h, wn_ref[...], preferred_element_type=jnp.float32)
                   + bn_ref[...]) * dn


_tc_b = pl.pallas_call(
    _tc_b_body,
    grid=(GRID,),
    in_specs=[pl.BlockSpec((BLK, 128), lambda i: (i, 0)),
              pl.BlockSpec((BLK, 128), lambda i: (i, 0)),
              pl.BlockSpec((BLK, 16), lambda i: (i, 0)),
              pl.BlockSpec((BLK, 16), lambda i: (i, 0)),
              pl.BlockSpec((128, 64), lambda i: (0, 0)),
              pl.BlockSpec((128, 64), lambda i: (0, 0)),
              pl.BlockSpec((1, 64), lambda i: (0, 0)),
              pl.BlockSpec((1, 64), lambda i: (0, 0))],
    out_specs=[pl.BlockSpec((BLK, 64), lambda i: (i, 0)),
               pl.BlockSpec((BLK, 64), lambda i: (i, 0))],
    out_shape=[jax.ShapeDtypeStruct((N_PAD, 64), jnp.float32),
               jax.ShapeDtypeStruct((N_PAD, 64), jnp.float32)],
)


def _tc_c_body(accp_ref, accn_ref, cntp_ref, cntn_ref, o_ref):
    dp = _dinv(cntp_ref[...])
    dn = _dinv(cntn_ref[...])
    o_ref[...] = accp_ref[...] * dp - accn_ref[...] * dn


_tc_c = pl.pallas_call(
    _tc_c_body,
    grid=(GRID,),
    in_specs=[pl.BlockSpec((BLK, 64), lambda i: (i, 0)),
              pl.BlockSpec((BLK, 64), lambda i: (i, 0)),
              pl.BlockSpec((BLK, 16), lambda i: (i, 0)),
              pl.BlockSpec((BLK, 16), lambda i: (i, 0))],
    out_specs=pl.BlockSpec((BLK, 64), lambda i: (i, 0)),
    out_shape=jax.ShapeDtypeStruct((N_PAD, 64), jnp.float32),
)



def kernel(x, pos_edge_index, neg_edge_index,
           Wp0, bp0, Wn0, bn0, Wp1, bp1, Wn1, bn1):
    psrc = pos_edge_index[0].astype(jnp.int32)
    pdst = pos_edge_index[1].astype(jnp.int32)
    nsrc = neg_edge_index[0].astype(jnp.int32)
    ndst = neg_edge_index[1].astype(jnp.int32)

    x_pad = jnp.pad(x, ((0, N_PAD - N), (0, 0)))

    cntp, cntn = _sc_degrees(pdst, ndst)

    tab0p, tab0n = _tc_a(x_pad, cntp, cntn, Wp0, Wn0,
                         bp0.reshape(1, 128), bn0.reshape(1, 128))
    acc0p, acc0n = _sc_msgpass_128(tab0p, tab0n, psrc, pdst, nsrc, ndst)

    tab1p, tab1n = _tc_b(acc0p, acc0n, cntp, cntn, Wp1, Wn1,
                         bp1.reshape(1, 64), bn1.reshape(1, 64))
    acc1p, acc1n = _sc_msgpass_64(tab1p, tab1n, psrc, pdst, nsrc, ndst)

    out_pad = _tc_c(acc1p, acc1n, cntp, cntn)
    return out_pad[:N]

# --- scband reference (transcript-rebuilt; emitter-appended) ---
"""Pipeline reference for scband-signed-gcn-55430847922809 (READ-ONLY COPY).

The authoritative reference and input builder live on the scoring server;
editing this copy changes nothing except your own understanding.
"""

import jax, jax.numpy as jnp
import numpy as np

N = 10000
E = 320000
D_IN = 128
D_HID = 128
D_OUT = 64


def _glorot(key, fan_in, fan_out):
    lim = np.sqrt(6.0 / (fan_in + fan_out))
    return jax.random.uniform(key, (fan_in, fan_out), jnp.float32, -lim, lim)


def setup_inputs(seed: int = 0) -> dict:
    key = jax.random.key(seed)
    ks = jax.random.split(key, 8)
    x = jax.random.normal(ks[0], (N, D_IN), jnp.float32)
    pos_edge_index = jax.random.randint(ks[1], (2, E), 0, N, jnp.int64)
    neg_edge_index = jax.random.randint(ks[2], (2, E), 0, N, jnp.int64)
    Wp0 = _glorot(ks[3], D_IN, D_HID)
    Wn0 = _glorot(ks[4], D_IN, D_HID)
    Wp1 = _glorot(ks[5], D_HID, D_OUT)
    Wn1 = _glorot(ks[6], D_HID, D_OUT)
    bp0 = jnp.zeros((D_HID,), jnp.float32)
    bn0 = jnp.zeros((D_HID,), jnp.float32)
    bp1 = jnp.zeros((D_OUT,), jnp.float32)
    bn1 = jnp.zeros((D_OUT,), jnp.float32)
    return {"x": x, "pos_edge_index": pos_edge_index, "neg_edge_index": neg_edge_index,
            "Wp0": Wp0, "bp0": bp0, "Wn0": Wn0, "bn0": bn0,
            "Wp1": Wp1, "bp1": bp1, "Wn1": Wn1, "bn1": bn1}


def gcn_conv(x, edge_index, W, b):
    # Standard GCNConv: linear transform, add self-loops, symmetric deg^-1/2 normalization, scatter-add.
    n = x.shape[0]
    h = x @ W + b
    loop = jnp.arange(n, dtype=edge_index.dtype)
    src = jnp.concatenate([edge_index[0], loop])
    dst = jnp.concatenate([edge_index[1], loop])
    deg = jnp.zeros((n,), h.dtype).at[dst].add(1.0)
    dinv = jax.lax.rsqrt(jnp.maximum(deg, 1.0))
    norm = dinv[src] * dinv[dst]
    msg = h[src] * norm[:, None]
    out = jnp.zeros((n, h.shape[1]), h.dtype).at[dst].add(msg)
    return out


def reference(x, pos_edge_index, neg_edge_index, Wp0, bp0, Wn0, bn0, Wp1, bp1, Wn1, bn1):
    # layer 0 (hidden): pos - neg, relu (dropout=0 / eval mode)
    h = gcn_conv(x, pos_edge_index, Wp0, bp0) - gcn_conv(x, neg_edge_index, Wn0, bn0)
    h = jax.nn.relu(h)
    # layer 1 (output)
    out = gcn_conv(h, pos_edge_index, Wp1, bp1) - gcn_conv(h, neg_edge_index, Wn1, bn1)
    return out

if __name__ == "__main__":
    import jax
    _d = setup_inputs()
    print(jax.jit(kernel)(*tuple(_d.values())))

</pallas_src>

<mosaic_0001>
#map = affine_map<(d0, d1) -> (0, 0)>
#map1 = affine_map<(d0, d1) -> (0)>
module attributes {stable_mosaic.version = 14 : i64} {
  func.func @msgpass(%arg0: i32, %arg1: i32, %arg2: memref<10240x128xf32, #tpu.memory_space<hbm>>, %arg3: memref<10240x128xf32, #tpu.memory_space<hbm>>, %arg4: memref<320000xi32, #tpu.memory_space<hbm>>, %arg5: memref<320000xi32, #tpu.memory_space<hbm>>, %arg6: memref<320000xi32, #tpu.memory_space<hbm>>, %arg7: memref<320000xi32, #tpu.memory_space<hbm>>, %arg8: memref<10240x128xf32, #tpu.memory_space<hbm>>, %arg9: memref<10240x128xf32, #tpu.memory_space<hbm>>, %arg10: memref<10240x128xf32, #tpu.memory_space<vmem_shared>>, %arg11: memref<80xi32, #tpu.memory_space<vmem>>, %arg12: memref<80xi32, #tpu.memory_space<vmem>>, %arg13: memref<80x128xf32, #tpu.memory_space<vmem>>) attributes {dimension_semantics = [#tpu.dimension_semantics<core_parallel>, #tpu.dimension_semantics<subcore_parallel>], iteration_bounds = array<i64: 2, 16>, scalar_prefetch = 0 : i64, scratch_operands = 4 : i64, tpu.core_type = #tpu.core_type<sc_vector_subcore>, window_params = [{transform_indices = #map}, {transform_indices = #map}, {transform_indices = #map1}, {transform_indices = #map1}, {transform_indices = #map1}, {transform_indices = #map1}, {transform_indices = #map}, {transform_indices = #map}]} {
    %mul3A = arith.constant 640 : i32
    %mul3A_0 = arith.muli %arg1, %mul3A : i32
    %eq3A = arith.constant 0 : i32
    %eq3A_1 = arith.cmpi eq, %arg0, %eq3A : i32
    %convert_element_type3A = arith.extui %eq3A_1 : i1 to i32
    %cond3A = arith.constant 0 : i32
    %cond3A_2 = arith.cmpi ne, %convert_element_type3A, %cond3A : i32
    scf.if %cond3A_2 {
      %scan3A = arith.constant 0 : i32
      %scan3A_8 = arith.constant 8 : i32
      %scan3A_9 = arith.addi %scan3A, %scan3A_8 : i32
      %scan3A_10 = arith.constant 1 : i32
      scf.for %scan3A_25 = %scan3A to %scan3A_9 step %scan3A_10  : i32 {
        %mul3A_26 = arith.constant 1 : i32
        %mul3A_27 = arith.muli %scan3A_25, %mul3A_26 : i32
        %add3A = arith.constant 0 : i32
        %add3A_28 = arith.addi %add3A, %mul3A_27 : i32
        %mul3A_29 = arith.constant 80 : i32
        %mul3A_30 = arith.muli %add3A_28, %mul3A_29 : i32
        %add3A_31 = arith.addi %mul3A_0, %mul3A_30 : i32
        "tpu.region"() ({
          %run_scoped3A = tpu.sem_alloc : memref<!tpu.dma_semaphore, #tpu.memory_space<semaphore_mem>>
          %dma_start3A = arith.constant 0 : i32
          %dma_start3A_35 = tpu.memref_slice %arg2[%add3A_31, %dma_start3A] : memref<10240x128xf32, #tpu.memory_space<hbm>> -> memref<80x128xf32, #tpu.memory_space<hbm>>
          %dma_start3A_36 = arith.constant 0 : i32
          %dma_start3A_37 = tpu.memref_slice %arg2[%add3A_31, %dma_start3A_36] : memref<10240x128xf32, #tpu.memory_space<hbm>> -> memref<80x128xf32, #tpu.memory_space<hbm>>
          tpu.enqueue_dma source(%dma_start3A_37 : memref<80x128xf32, #tpu.memory_space<hbm>>) target(%arg13 : memref<80x128xf32, #tpu.memory_space<vmem>>) target_semaphore(%run_scoped3A : memref<!tpu.dma_semaphore, #tpu.memory_space<semaphore_mem>>)
          %dma_wait3A = arith.constant 0 : i32
          %dma_wait3A_38 = tpu.memref_slice %arg2[%add3A_31, %dma_wait3A] : memref<10240x128xf32, #tpu.memory_space<hbm>> -> memref<80x128xf32, #tpu.memory_space<hbm>>
          %dma_wait3A_39 = arith.constant 0 : i32
          %dma_wait3A_40 = tpu.memref_slice %arg2[%add3A_31, %dma_wait3A_39] : memref<10240x128xf32, #tpu.memory_space<hbm>> -> memref<80x128xf32, #tpu.memory_space<hbm>>
          tpu.wait_dma2 semaphore(%run_scoped3A : memref<!tpu.dma_semaphore, #tpu.memory_space<semaphore_mem>>) src(%dma_wait3A_40 : memref<80x128xf32, #tpu.memory_space<hbm>>) dst(%arg13 : memref<80x128xf32, #tpu.memory_space<vmem>>)
          tpu.yield
        }) : () -> ()
        %mul3A_32 = arith.constant 80 : i32
        %mul3A_33 = arith.muli %add3A_28, %mul3A_32 : i32
        %add3A_34 = arith.addi %mul3A_0, %mul3A_33 : i32
        "tpu.region"() ({
          %run_scoped3A = tpu.sem_alloc : memref<!tpu.dma_semaphore, #tpu.memory_space<semaphore_mem>>
          %dma_start3A = arith.constant 0 : i32
          %dma_start3A_35 = tpu.memref_slice %arg10[%add3A_34, %dma_start3A] : memref<10240x128xf32, #tpu.memory_space<vmem_shared>> -> memref<80x128xf32, #tpu.memory_space<vmem_shared>>
          %dma_start3A_36 = arith.constant 0 : i32
          %dma_start3A_37 = tpu.memref_slice %arg10[%add3A_34, %dma_start3A_36] : memref<10240x128xf32, #tpu.memory_space<vmem_shared>> -> memref<80x128xf32, #tpu.memory_space<vmem_shared>>
          tpu.enqueue_dma source(%arg13 : memref<80x128xf32, #tpu.memory_space<vmem>>) target(%dma_start3A_37 : memref<80x128xf32, #tpu.memory_space<vmem_shared>>) target_semaphore(%run_scoped3A : memref<!tpu.dma_semaphore, #tpu.memory_space<semaphore_mem>>)
          %dma_wait3A = arith.constant 0 : i32
          %dma_wait3A_38 = tpu.memref_slice %arg10[%add3A_34, %dma_wait3A] : memref<10240x128xf32, #tpu.memory_space<vmem_shared>> -> memref<80x128xf32, #tpu.memory_space<vmem_shared>>
          %dma_wait3A_39 = arith.constant 0 : i32
          %dma_wait3A_40 = tpu.memref_slice %arg10[%add3A_34, %dma_wait3A_39] : memref<10240x128xf32, #tpu.memory_space<vmem_shared>> -> memref<80x128xf32, #tpu.memory_space<vmem_shared>>
          tpu.wait_dma2 semaphore(%run_scoped3A : memref<!tpu.dma_semaphore, #tpu.memory_space<semaphore_mem>>) src(%arg13 : memref<80x128xf32, #tpu.memory_space<vmem>>) dst(%dma_wait3A_40 : memref<80x128xf32, #tpu.memory_space<vmem_shared>>)
          tpu.yield
        }) : () -> ()
      }
      %scan3A_11 = arith.constant 8 : i32
      %barrier3A = arith.constant 0 : index
      tpu.barrier barrier_id(%barrier3A)
      %mul3A_12 = arith.constant 20000 : i32
      %mul3A_13 = arith.muli %arg1, %mul3A_12 : i32
      %scan3A_14 = arith.constant 0 : i32
      %scan3A_15 = arith.constant 250 : i32
      %scan3A_16 = arith.addi %scan3A_14, %scan3A_15 : i32
      %scan3A_17 = arith.constant 1 : i32
      scf.for %scan3A_25 = %scan3A_14 to %scan3A_16 step %scan3A_17  : i32 {
        %mul3A_26 = arith.constant 1 : i32
        %mul3A_27 = arith.muli %scan3A_25, %mul3A_26 : i32
        %add3A = arith.constant 0 : i32
        %add3A_28 = arith.addi %add3A, %mul3A_27 : i32
        %mul3A_29 = arith.constant 80 : i32
        %mul3A_30 = arith.muli %add3A_28, %mul3A_29 : i32
        %add3A_31 = arith.addi %mul3A_13, %mul3A_30 : i32
        "tpu.region"() ({
          %run_scoped3A = tpu.sem_alloc : memref<!tpu.dma_semaphore, #tpu.memory_space<semaphore_mem>>
          %dma_start3A = tpu.memref_slice %arg4[%add3A_31] : memref<320000xi32, #tpu.memory_space<hbm>> -> memref<80xi32, #tpu.memory_space<hbm>>
          %dma_start3A_32 = tpu.memref_slice %arg4[%add3A_31] : memref<320000xi32, #tpu.memory_space<hbm>> -> memref<80xi32, #tpu.memory_space<hbm>>
          tpu.enqueue_dma source(%dma_start3A_32 : memref<80xi32, #tpu.memory_space<hbm>>) target(%arg11 : memref<80xi32, #tpu.memory_space<vmem>>) target_semaphore(%run_scoped3A : memref<!tpu.dma_semaphore, #tpu.memory_space<semaphore_mem>>)
          %dma_wait3A = tpu.memref_slice %arg4[%add3A_31] : memref<320000xi32, #tpu.memory_space<hbm>> -> memref<80xi32, #tpu.memory_space<hbm>>
          %dma_wait3A_33 = tpu.memref_slice %arg4[%add3A_31] : memref<320000xi32, #tpu.memory_space<hbm>> -> memref<80xi32, #tpu.memory_space<hbm>>
          tpu.wait_dma2 semaphore(%run_scoped3A : memref<!tpu.dma_semaphore, #tpu.memory_space<semaphore_mem>>) src(%dma_wait3A_33 : memref<80xi32, #tpu.memory_space<hbm>>) dst(%arg11 : memref<80xi32, #tpu.memory_space<vmem>>)
          tpu.yield
        }) : () -> ()
        "tpu.region"() ({
          %run_scoped3A = tpu.sem_alloc : memref<!tpu.dma_semaphore, #tpu.memory_space<semaphore_mem>>
          %dma_start3A = tpu.memref_slice %arg5[%add3A_31] : memref<320000xi32, #tpu.memory_space<hbm>> -> memref<80xi32, #tpu.memory_space<hbm>>
          %dma_start3A_32 = tpu.memref_slice %arg5[%add3A_31] : memref<320000xi32, #tpu.memory_space<hbm>> -> memref<80xi32, #tpu.memory_space<hbm>>
          tpu.enqueue_dma source(%dma_start3A_32 : memref<80xi32, #tpu.memory_space<hbm>>) target(%arg12 : memref<80xi32, #tpu.memory_space<vmem>>) target_semaphore(%run_scoped3A : memref<!tpu.dma_semaphore, #tpu.memory_space<semaphore_mem>>)
          %dma_wait3A = tpu.memref_slice %arg5[%add3A_31] : memref<320000xi32, #tpu.memory_space<hbm>> -> memref<80xi32, #tpu.memory_space<hbm>>
          %dma_wait3A_33 = tpu.memref_slice %arg5[%add3A_31] : memref<320000xi32, #tpu.memory_space<hbm>> -> memref<80xi32, #tpu.memory_space<hbm>>
          tpu.wait_dma2 semaphore(%run_scoped3A : memref<!tpu.dma_semaphore, #tpu.memory_space<semaphore_mem>>) src(%dma_wait3A_33 : memref<80xi32, #tpu.memory_space<hbm>>) dst(%arg12 : memref<80xi32, #tpu.memory_space<vmem>>)
          tpu.yield
        }) : () -> ()
        "tpu.region"() ({
          %run_scoped3A = tpu.sem_alloc : memref<!tpu.dma_semaphore, #tpu.memory_space<semaphore_mem>>
          %dma_start3A = arith.constant 0 : i32
          %dma_start3A_32 = arith.constant 0 : i32
          %dma_start3A_33 = tpu.memref_slice %arg2[%dma_start3A, %dma_start3A_32] : memref<10240x128xf32, #tpu.memory_space<hbm>> -> memref<10240x128xf32, #tpu.memory_space<hbm>>
          tpu.enqueue_indirect_dma source(%dma_start3A_33 : memref<10240x128xf32, #tpu.memory_space<hbm>>) target(%arg13 : memref<80x128xf32, #tpu.memory_space<vmem>>) offsets(%arg11 : memref<80xi32, #tpu.memory_space<vmem>>) semaphore(%run_scoped3A : memref<!tpu.dma_semaphore, #tpu.memory_space<semaphore_mem>>)
          %dma_wait3A = arith.constant 0 : i32
          %dma_wait3A_34 = arith.constant 0 : i32
          %dma_wait3A_35 = tpu.memref_slice %arg2[%dma_wait3A, %dma_wait3A_34] : memref<10240x128xf32, #tpu.memory_space<hbm>> -> memref<10240x128xf32, #tpu.memory_space<hbm>>
          tpu.wait_indirect_dma semaphore(%run_scoped3A : memref<!tpu.dma_semaphore, #tpu.memory_space<semaphore_mem>>) src(%dma_wait3A_35 : memref<10240x128xf32, #tpu.memory_space<hbm>>) dst(%arg13 : memref<80x128xf32, #tpu.memory_space<vmem>>)
          tpu.yield
        }) : () -> ()
        "tpu.region"() ({
          %run_scoped3A = tpu.sem_alloc : memref<!tpu.dma_semaphore, #tpu.memory_space<semaphore_mem>>
          %dma_start3A = arith.constant 0 : i32
          %dma_start3A_32 = arith.constant 0 : i32
          %dma_start3A_33 = tpu.memref_slice %arg10[%dma_start3A, %dma_start3A_32] : memref<10240x128xf32, #tpu.memory_space<vmem_shared>> -> memref<10240x128xf32, #tpu.memory_space<vmem_shared>>
          tpu.enqueue_indirect_dma source(%arg13 : memref<80x128xf32, #tpu.memory_space<vmem>>) target(%dma_start3A_33 : memref<10240x128xf32, #tpu.memory_space<vmem_shared>>) offsets(%arg12 : memref<80xi32, #tpu.memory_space<vmem>>) semaphore(%run_scoped3A : memref<!tpu.dma_semaphore, #tpu.memory_space<semaphore_mem>>) {add = true}
          %dma_wait3A = arith.constant 0 : i32
          %dma_wait3A_34 = arith.constant 0 : i32
          %dma_wait3A_35 = tpu.memref_slice %arg10[%dma_wait3A, %dma_wait3A_34] : memref<10240x128xf32, #tpu.memory_space<vmem_shared>> -> memref<10240x128xf32, #tpu.memory_space<vmem_shared>>
          tpu.wait_indirect_dma semaphore(%run_scoped3A : memref<!tpu.dma_semaphore, #tpu.memory_space<semaphore_mem>>) src(%arg13 : memref<80x128xf32, #tpu.memory_space<vmem>>) dst(%dma_wait3A_35 : memref<10240x128xf32, #tpu.memory_space<vmem_shared>>)
          tpu.yield
        }) : () -> ()
      }
      %scan3A_18 = arith.constant 250 : i32
      %barrier3A_19 = arith.constant 0 : index
      tpu.barrier barrier_id(%barrier3A_19)
      %scan3A_20 = arith.constant 0 : i32
      %scan3A_21 = arith.constant 8 : i32
      %scan3A_22 = arith.addi %scan3A_20, %scan3A_21 : i32
      %scan3A_23 = arith.constant 1 : i32
      scf.for %scan3A_25 = %scan3A_20 to %scan3A_22 step %scan3A_23  : i32 {
        %mul3A_26 = arith.constant 1 : i32
        %mul3A_27 = arith.muli %scan3A_25, %mul3A_26 : i32
        %add3A = arith.constant 0 : i32
        %add3A_28 = arith.addi %add3A, %mul3A_27 : i32
        %mul3A_29 = arith.constant 80 : i32
        %mul3A_30 = arith.muli %add3A_28, %mul3A_29 : i32
        %add3A_31 = arith.addi %mul3A_0, %mul3A_30 : i32
        "tpu.region"() ({
          %run_scoped3A = tpu.sem_alloc : memref<!tpu.dma_semaphore, #tpu.memory_space<semaphore_mem>>
          %dma_start3A = arith.constant 0 : i32
          %dma_start3A_35 = tpu.memref_slice %arg10[%add3A_31, %dma_start3A] : memref<10240x128xf32, #tpu.memory_space<vmem_shared>> -> memref<80x128xf32, #tpu.memory_space<vmem_shared>>
          %dma_start3A_36 = arith.constant 0 : i32
          %dma_start3A_37 = tpu.memref_slice %arg10[%add3A_31, %dma_start3A_36] : memref<10240x128xf32, #tpu.memory_space<vmem_shared>> -> memref<80x128xf32, #tpu.memory_space<vmem_shared>>
          tpu.enqueue_dma source(%dma_start3A_37 : memref<80x128xf32, #tpu.memory_space<vmem_shared>>) target(%arg13 : memref<80x128xf32, #tpu.memory_space<vmem>>) target_semaphore(%run_scoped3A : memref<!tpu.dma_semaphore, #tpu.memory_space<semaphore_mem>>)
          %dma_wait3A = arith.constant 0 : i32
          %dma_wait3A_38 = tpu.memref_slice %arg10[%add3A_31, %dma_wait3A] : memref<10240x128xf32, #tpu.memory_space<vmem_shared>> -> memref<80x128xf32, #tpu.memory_space<vmem_shared>>
          %dma_wait3A_39 = arith.constant 0 : i32
          %dma_wait3A_40 = tpu.memref_slice %arg10[%add3A_31, %dma_wait3A_39] : memref<10240x128xf32, #tpu.memory_space<vmem_shared>> -> memref<80x128xf32, #tpu.memory_space<vmem_shared>>
          tpu.wait_dma2 semaphore(%run_scoped3A : memref<!tpu.dma_semaphore, #tpu.memory_space<semaphore_mem>>) src(%dma_wait3A_40 : memref<80x128xf32, #tpu.memory_space<vmem_shared>>) dst(%arg13 : memref<80x128xf32, #tpu.memory_space<vmem>>)
          tpu.yield
        }) : () -> ()
        %mul3A_32 = arith.constant 80 : i32
        %mul3A_33 = arith.muli %add3A_28, %mul3A_32 : i32
        %add3A_34 = arith.addi %mul3A_0, %mul3A_33 : i32
        "tpu.region"() ({
          %run_scoped3A = tpu.sem_alloc : memref<!tpu.dma_semaphore, #tpu.memory_space<semaphore_mem>>
          %dma_start3A = arith.constant 0 : i32
          %dma_start3A_35 = tpu.memref_slice %arg8[%add3A_34, %dma_start3A] : memref<10240x128xf32, #tpu.memory_space<hbm>> -> memref<80x128xf32, #tpu.memory_space<hbm>>
          %dma_start3A_36 = arith.constant 0 : i32
          %dma_start3A_37 = tpu.memref_slice %arg8[%add3A_34, %dma_start3A_36] : memref<10240x128xf32, #tpu.memory_space<hbm>> -> memref<80x128xf32, #tpu.memory_space<hbm>>
          tpu.enqueue_dma source(%arg13 : memref<80x128xf32, #tpu.memory_space<vmem>>) target(%dma_start3A_37 : memref<80x128xf32, #tpu.memory_space<hbm>>) target_semaphore(%run_scoped3A : memref<!tpu.dma_semaphore, #tpu.memory_space<semaphore_mem>>)
          %dma_wait3A = arith.constant 0 : i32
          %dma_wait3A_38 = tpu.memref_slice %arg8[%add3A_34, %dma_wait3A] : memref<10240x128xf32, #tpu.memory_space<hbm>> -> memref<80x128xf32, #tpu.memory_space<hbm>>
          %dma_wait3A_39 = arith.constant 0 : i32
          %dma_wait3A_40 = tpu.memref_slice %arg8[%add3A_34, %dma_wait3A_39] : memref<10240x128xf32, #tpu.memory_space<hbm>> -> memref<80x128xf32, #tpu.memory_space<hbm>>
          tpu.wait_dma2 semaphore(%run_scoped3A : memref<!tpu.dma_semaphore, #tpu.memory_space<semaphore_mem>>) src(%arg13 : memref<80x128xf32, #tpu.memory_space<vmem>>) dst(%dma_wait3A_40 : memref<80x128xf32, #tpu.memory_space<hbm>>)
          tpu.yield
        }) : () -> ()
      }
      %scan3A_24 = arith.constant 8 : i32
    } else {
    }
    %eq3A_3 = arith.constant 1 : i32
    %eq3A_4 = arith.cmpi eq, %arg0, %eq3A_3 : i32
    %convert_element_type3A_5 = arith.extui %eq3A_4 : i1 to i32
    %cond3A_6 = arith.constant 0 : i32
    %cond3A_7 = arith.cmpi ne, %convert_element_type3A_5, %cond3A_6 : i32
    scf.if %cond3A_7 {
      %scan3A = arith.constant 0 : i32
      %scan3A_8 = arith.constant 8 : i32
      %scan3A_9 = arith.addi %scan3A, %scan3A_8 : i32
      %scan3A_10 = arith.constant 1 : i32
      scf.for %scan3A_25 = %scan3A to %scan3A_9 step %scan3A_10  : i32 {
        %mul3A_26 = arith.constant 1 : i32
        %mul3A_27 = arith.muli %scan3A_25, %mul3A_26 : i32
        %add3A = arith.constant 0 : i32
        %add3A_28 = arith.addi %add3A, %mul3A_27 : i32
        %mul3A_29 = arith.constant 80 : i32
        %mul3A_30 = arith.muli %add3A_28, %mul3A_29 : i32
        %add3A_31 = arith.addi %mul3A_0, %mul3A_30 : i32
        "tpu.region"() ({
          %run_scoped3A = tpu.sem_alloc : memref<!tpu.dma_semaphore, #tpu.memory_space<semaphore_mem>>
          %dma_start3A = arith.constant 0 : i32
          %dma_start3A_35 = tpu.memref_slice %arg3[%add3A_31, %dma_start3A] : memref<10240x128xf32, #tpu.memory_space<hbm>> -> memref<80x128xf32, #tpu.memory_space<hbm>>
          %dma_start3A_36 = arith.constant 0 : i32
          %dma_start3A_37 = tpu.memref_slice %arg3[%add3A_31, %dma_start3A_36] : memref<10240x128xf32, #tpu.memory_space<hbm>> -> memref<80x128xf32, #tpu.memory_space<hbm>>
          tpu.enqueue_dma source(%dma_start3A_37 : memref<80x128xf32, #tpu.memory_space<hbm>>) target(%arg13 : memref<80x128xf32, #tpu.memory_space<vmem>>) target_semaphore(%run_scoped3A : memref<!tpu.dma_semaphore, #tpu.memory_space<semaphore_mem>>)
          %dma_wait3A = arith.constant 0 : i32
          %dma_wait3A_38 = tpu.memref_slice %arg3[%add3A_31, %dma_wait3A] : memref<10240x128xf32, #tpu.memory_space<hbm>> -> memref<80x128xf32, #tpu.memory_space<hbm>>
          %dma_wait3A_39 = arith.constant 0 : i32
          %dma_wait3A_40 = tpu.memref_slice %arg3[%add3A_31, %dma_wait3A_39] : memref<10240x128xf32, #tpu.memory_space<hbm>> -> memref<80x128xf32, #tpu.memory_space<hbm>>
          tpu.wait_dma2 semaphore(%run_scoped3A : memref<!tpu.dma_semaphore, #tpu.memory_space<semaphore_mem>>) src(%dma_wait3A_40 : memref<80x128xf32, #tpu.memory_space<hbm>>) dst(%arg13 : memref<80x128xf32, #tpu.memory_space<vmem>>)
          tpu.yield
        }) : () -> ()
        %mul3A_32 = arith.constant 80 : i32
        %mul3A_33 = arith.muli %add3A_28, %mul3A_32 : i32
        %add3A_34 = arith.addi %mul3A_0, %mul3A_33 : i32
        "tpu.region"() ({
          %run_scoped3A = tpu.sem_alloc : memref<!tpu.dma_semaphore, #tpu.memory_space<semaphore_mem>>
          %dma_start3A = arith.constant 0 : i32
          %dma_start3A_35 = tpu.memref_slice %arg10[%add3A_34, %dma_start3A] : memref<10240x128xf32, #tpu.memory_space<vmem_shared>> -> memref<80x128xf32, #tpu.memory_space<vmem_shared>>
          %dma_start3A_36 = arith.constant 0 : i32
          %dma_start3A_37 = tpu.memref_slice %arg10[%add3A_34, %dma_start3A_36] : memref<10240x128xf32, #tpu.memory_space<vmem_shared>> -> memref<80x128xf32, #tpu.memory_space<vmem_shared>>
          tpu.enqueue_dma source(%arg13 : memref<80x128xf32, #tpu.memory_space<vmem>>) target(%dma_start3A_37 : memref<80x128xf32, #tpu.memory_space<vmem_shared>>) target_semaphore(%run_scoped3A : memref<!tpu.dma_semaphore, #tpu.memory_space<semaphore_mem>>)
          %dma_wait3A = arith.constant 0 : i32
          %dma_wait3A_38 = tpu.memref_slice %arg10[%add3A_34, %dma_wait3A] : memref<10240x128xf32, #tpu.memory_space<vmem_shared>> -> memref<80x128xf32, #tpu.memory_space<vmem_shared>>
          %dma_wait3A_39 = arith.constant 0 : i32
          %dma_wait3A_40 = tpu.memref_slice %arg10[%add3A_34, %dma_wait3A_39] : memref<10240x128xf32, #tpu.memory_space<vmem_shared>> -> memref<80x128xf32, #tpu.memory_space<vmem_shared>>
          tpu.wait_dma2 semaphore(%run_scoped3A : memref<!tpu.dma_semaphore, #tpu.memory_space<semaphore_mem>>) src(%arg13 : memref<80x128xf32, #tpu.memory_space<vmem>>) dst(%dma_wait3A_40 : memref<80x128xf32, #tpu.memory_space<vmem_shared>>)
          tpu.yield
        }) : () -> ()
      }
      %scan3A_11 = arith.constant 8 : i32
      %barrier3A = arith.constant 0 : index
      tpu.barrier barrier_id(%barrier3A)
      %mul3A_12 = arith.constant 20000 : i32
      %mul3A_13 = arith.muli %arg1, %mul3A_12 : i32
      %scan3A_14 = arith.constant 0 : i32
      %scan3A_15 = arith.constant 250 : i32
      %scan3A_16 = arith.addi %scan3A_14, %scan3A_15 : i32
      %scan3A_17 = arith.constant 1 : i32
      scf.for %scan3A_25 = %scan3A_14 to %scan3A_16 step %scan3A_17  : i32 {
        %mul3A_26 = arith.constant 1 : i32
        %mul3A_27 = arith.muli %scan3A_25, %mul3A_26 : i32
        %add3A = arith.constant 0 : i32
        %add3A_28 = arith.addi %add3A, %mul3A_27 : i32
        %mul3A_29 = arith.constant 80 : i32
        %mul3A_30 = arith.muli %add3A_28, %mul3A_29 : i32
        %add3A_31 = arith.addi %mul3A_13, %mul3A_30 : i32
        "tpu.region"() ({
          %run_scoped3A = tpu.sem_alloc : memref<!tpu.dma_semaphore, #tpu.memory_space<semaphore_mem>>
          %dma_start3A = tpu.memref_slice %arg6[%add3A_31] : memref<320000xi32, #tpu.memory_space<hbm>> -> memref<80xi32, #tpu.memory_space<hbm>>
          %dma_start3A_32 = tpu.memref_slice %arg6[%add3A_31] : memref<320000xi32, #tpu.memory_space<hbm>> -> memref<80xi32, #tpu.memory_space<hbm>>
          tpu.enqueue_dma source(%dma_start3A_32 : memref<80xi32, #tpu.memory_space<hbm>>) target(%arg11 : memref<80xi32, #tpu.memory_space<vmem>>) target_semaphore(%run_scoped3A : memref<!tpu.dma_semaphore, #tpu.memory_space<semaphore_mem>>)
          %dma_wait3A = tpu.memref_slice %arg6[%add3A_31] : memref<320000xi32, #tpu.memory_space<hbm>> -> memref<80xi32, #tpu.memory_space<hbm>>
          %dma_wait3A_33 = tpu.memref_slice %arg6[%add3A_31] : memref<320000xi32, #tpu.memory_space<hbm>> -> memref<80xi32, #tpu.memory_space<hbm>>
          tpu.wait_dma2 semaphore(%run_scoped3A : memref<!tpu.dma_semaphore, #tpu.memory_space<semaphore_mem>>) src(%dma_wait3A_33 : memref<80xi32, #tpu.memory_space<hbm>>) dst(%arg11 : memref<80xi32, #tpu.memory_space<vmem>>)
          tpu.yield
        }) : () -> ()
        "tpu.region"() ({
          %run_scoped3A = tpu.sem_alloc : memref<!tpu.dma_semaphore, #tpu.memory_space<semaphore_mem>>
          %dma_start3A = tpu.memref_slice %arg7[%add3A_31] : memref<320000xi32, #tpu.memory_space<hbm>> -> memref<80xi32, #tpu.memory_space<hbm>>
          %dma_start3A_32 = tpu.memref_slice %arg7[%add3A_31] : memref<320000xi32, #tpu.memory_space<hbm>> -> memref<80xi32, #tpu.memory_space<hbm>>
          tpu.enqueue_dma source(%dma_start3A_32 : memref<80xi32, #tpu.memory_space<hbm>>) target(%arg12 : memref<80xi32, #tpu.memory_space<vmem>>) target_semaphore(%run_scoped3A : memref<!tpu.dma_semaphore, #tpu.memory_space<semaphore_mem>>)
          %dma_wait3A = tpu.memref_slice %arg7[%add3A_31] : memref<320000xi32, #tpu.memory_space<hbm>> -> memref<80xi32, #tpu.memory_space<hbm>>
          %dma_wait3A_33 = tpu.memref_slice %arg7[%add3A_31] : memref<320000xi32, #tpu.memory_space<hbm>> -> memref<80xi32, #tpu.memory_space<hbm>>
          tpu.wait_dma2 semaphore(%run_scoped3A : memref<!tpu.dma_semaphore, #tpu.memory_space<semaphore_mem>>) src(%dma_wait3A_33 : memref<80xi32, #tpu.memory_space<hbm>>) dst(%arg12 : memref<80xi32, #tpu.memory_space<vmem>>)
          tpu.yield
        }) : () -> ()
        "tpu.region"() ({
          %run_scoped3A = tpu.sem_alloc : memref<!tpu.dma_semaphore, #tpu.memory_space<semaphore_mem>>
          %dma_start3A = arith.constant 0 : i32
          %dma_start3A_32 = arith.constant 0 : i32
          %dma_start3A_33 = tpu.memref_slice %arg3[%dma_start3A, %dma_start3A_32] : memref<10240x128xf32, #tpu.memory_space<hbm>> -> memref<10240x128xf32, #tpu.memory_space<hbm>>
          tpu.enqueue_indirect_dma source(%dma_start3A_33 : memref<10240x128xf32, #tpu.memory_space<hbm>>) target(%arg13 : memref<80x128xf32, #tpu.memory_space<vmem>>) offsets(%arg11 : memref<80xi32, #tpu.memory_space<vmem>>) semaphore(%run_scoped3A : memref<!tpu.dma_semaphore, #tpu.memory_space<semaphore_mem>>)
          %dma_wait3A = arith.constant 0 : i32
          %dma_wait3A_34 = arith.constant 0 : i32
          %dma_wait3A_35 = tpu.memref_slice %arg3[%dma_wait3A, %dma_wait3A_34] : memref<10240x128xf32, #tpu.memory_space<hbm>> -> memref<10240x128xf32, #tpu.memory_space<hbm>>
          tpu.wait_indirect_dma semaphore(%run_scoped3A : memref<!tpu.dma_semaphore, #tpu.memory_space<semaphore_mem>>) src(%dma_wait3A_35 : memref<10240x128xf32, #tpu.memory_space<hbm>>) dst(%arg13 : memref<80x128xf32, #tpu.memory_space<vmem>>)
          tpu.yield
        }) : () -> ()
        "tpu.region"() ({
          %run_scoped3A = tpu.sem_alloc : memref<!tpu.dma_semaphore, #tpu.memory_space<semaphore_mem>>
          %dma_start3A = arith.constant 0 : i32
          %dma_start3A_32 = arith.constant 0 : i32
          %dma_start3A_33 = tpu.memref_slice %arg10[%dma_start3A, %dma_start3A_32] : memref<10240x128xf32, #tpu.memory_space<vmem_shared>> -> memref<10240x128xf32, #tpu.memory_space<vmem_shared>>
          tpu.enqueue_indirect_dma source(%arg13 : memref<80x128xf32, #tpu.memory_space<vmem>>) target(%dma_start3A_33 : memref<10240x128xf32, #tpu.memory_space<vmem_shared>>) offsets(%arg12 : memref<80xi32, #tpu.memory_space<vmem>>) semaphore(%run_scoped3A : memref<!tpu.dma_semaphore, #tpu.memory_space<semaphore_mem>>) {add = true}
          %dma_wait3A = arith.constant 0 : i32
          %dma_wait3A_34 = arith.constant 0 : i32
          %dma_wait3A_35 = tpu.memref_slice %arg10[%dma_wait3A, %dma_wait3A_34] : memref<10240x128xf32, #tpu.memory_space<vmem_shared>> -> memref<10240x128xf32, #tpu.memory_space<vmem_shared>>
          tpu.wait_indirect_dma semaphore(%run_scoped3A : memref<!tpu.dma_semaphore, #tpu.memory_space<semaphore_mem>>) src(%arg13 : memref<80x128xf32, #tpu.memory_space<vmem>>) dst(%dma_wait3A_35 : memref<10240x128xf32, #tpu.memory_space<vmem_shared>>)
          tpu.yield
        }) : () -> ()
      }
      %scan3A_18 = arith.constant 250 : i32
      %barrier3A_19 = arith.constant 0 : index
      tpu.barrier barrier_id(%barrier3A_19)
      %scan3A_20 = arith.constant 0 : i32
      %scan3A_21 = arith.constant 8 : i32
      %scan3A_22 = arith.addi %scan3A_20, %scan3A_21 : i32
      %scan3A_23 = arith.constant 1 : i32
      scf.for %scan3A_25 = %scan3A_20 to %scan3A_22 step %scan3A_23  : i32 {
        %mul3A_26 = arith.constant 1 : i32
        %mul3A_27 = arith.muli %scan3A_25, %mul3A_26 : i32
        %add3A = arith.constant 0 : i32
        %add3A_28 = arith.addi %add3A, %mul3A_27 : i32
        %mul3A_29 = arith.constant 80 : i32
        %mul3A_30 = arith.muli %add3A_28, %mul3A_29 : i32
        %add3A_31 = arith.addi %mul3A_0, %mul3A_30 : i32
        "tpu.region"() ({
          %run_scoped3A = tpu.sem_alloc : memref<!tpu.dma_semaphore, #tpu.memory_space<semaphore_mem>>
          %dma_start3A = arith.constant 0 : i32
          %dma_start3A_35 = tpu.memref_slice %arg10[%add3A_31, %dma_start3A] : memref<10240x128xf32, #tpu.memory_space<vmem_shared>> -> memref<80x128xf32, #tpu.memory_space<vmem_shared>>
          %dma_start3A_36 = arith.constant 0 : i32
          %dma_start3A_37 = tpu.memref_slice %arg10[%add3A_31, %dma_start3A_36] : memref<10240x128xf32, #tpu.memory_space<vmem_shared>> -> memref<80x128xf32, #tpu.memory_space<vmem_shared>>
          tpu.enqueue_dma source(%dma_start3A_37 : memref<80x128xf32, #tpu.memory_space<vmem_shared>>) target(%arg13 : memref<80x128xf32, #tpu.memory_space<vmem>>) target_semaphore(%run_scoped3A : memref<!tpu.dma_semaphore, #tpu.memory_space<semaphore_mem>>)
          %dma_wait3A = arith.constant 0 : i32
          %dma_wait3A_38 = tpu.memref_slice %arg10[%add3A_31, %dma_wait3A] : memref<10240x128xf32, #tpu.memory_space<vmem_shared>> -> memref<80x128xf32, #tpu.memory_space<vmem_shared>>
          %dma_wait3A_39 = arith.constant 0 : i32
          %dma_wait3A_40 = tpu.memref_slice %arg10[%add3A_31, %dma_wait3A_39] : memref<10240x128xf32, #tpu.memory_space<vmem_shared>> -> memref<80x128xf32, #tpu.memory_space<vmem_shared>>
          tpu.wait_dma2 semaphore(%run_scoped3A : memref<!tpu.dma_semaphore, #tpu.memory_space<semaphore_mem>>) src(%dma_wait3A_40 : memref<80x128xf32, #tpu.memory_space<vmem_shared>>) dst(%arg13 : memref<80x128xf32, #tpu.memory_space<vmem>>)
          tpu.yield
        }) : () -> ()
        %mul3A_32 = arith.constant 80 : i32
        %mul3A_33 = arith.muli %add3A_28, %mul3A_32 : i32
        %add3A_34 = arith.addi %mul3A_0, %mul3A_33 : i32
        "tpu.region"() ({
          %run_scoped3A = tpu.sem_alloc : memref<!tpu.dma_semaphore, #tpu.memory_space<semaphore_mem>>
          %dma_start3A = arith.constant 0 : i32
          %dma_start3A_35 = tpu.memref_slice %arg9[%add3A_34, %dma_start3A] : memref<10240x128xf32, #tpu.memory_space<hbm>> -> memref<80x128xf32, #tpu.memory_space<hbm>>
          %dma_start3A_36 = arith.constant 0 : i32
          %dma_start3A_37 = tpu.memref_slice %arg9[%add3A_34, %dma_start3A_36] : memref<10240x128xf32, #tpu.memory_space<hbm>> -> memref<80x128xf32, #tpu.memory_space<hbm>>
          tpu.enqueue_dma source(%arg13 : memref<80x128xf32, #tpu.memory_space<vmem>>) target(%dma_start3A_37 : memref<80x128xf32, #tpu.memory_space<hbm>>) target_semaphore(%run_scoped3A : memref<!tpu.dma_semaphore, #tpu.memory_space<semaphore_mem>>)
          %dma_wait3A = arith.constant 0 : i32
          %dma_wait3A_38 = tpu.memref_slice %arg9[%add3A_34, %dma_wait3A] : memref<10240x128xf32, #tpu.memory_space<hbm>> -> memref<80x128xf32, #tpu.memory_space<hbm>>
          %dma_wait3A_39 = arith.constant 0 : i32
          %dma_wait3A_40 = tpu.memref_slice %arg9[%add3A_34, %dma_wait3A_39] : memref<10240x128xf32, #tpu.memory_space<hbm>> -> memref<80x128xf32, #tpu.memory_space<hbm>>
          tpu.wait_dma2 semaphore(%run_scoped3A : memref<!tpu.dma_semaphore, #tpu.memory_space<semaphore_mem>>) src(%arg13 : memref<80x128xf32, #tpu.memory_space<vmem>>) dst(%dma_wait3A_40 : memref<80x128xf32, #tpu.memory_space<hbm>>)
          tpu.yield
        }) : () -> ()
      }
      %scan3A_24 = arith.constant 8 : i32
    } else {
    }
    return
  }
}

#map = affine_map<(d0, d1) -> (0)>
#map1 = affine_map<(d0, d1) -> (0, 0)>
module attributes {stable_mosaic.version = 14 : i64} {
  func.func @_sc_degrees(%arg0: i32, %arg1: i32, %arg2: memref<320000xi32, #tpu.memory_space<hbm>>, %arg3: memref<320000xi32, #tpu.memory_space<hbm>>, %arg4: memref<10240x16xf32, #tpu.memory_space<hbm>>, %arg5: memref<10240x16xf32, #tpu.memory_space<hbm>>, %arg6: memref<10240x16xf32, #tpu.memory_space<vmem_shared>>, %arg7: memref<80xi32, #tpu.memory_space<vmem>>, %arg8: memref<80x16xf32, #tpu.memory_space<vmem>>) attributes {dimension_semantics = [#tpu.dimension_semantics<core_parallel>, #tpu.dimension_semantics<subcore_parallel>], iteration_bounds = array<i64: 2, 16>, scalar_prefetch = 0 : i64, scratch_operands = 3 : i64, tpu.core_type = #tpu.core_type<sc_vector_subcore>, window_params = [{transform_indices = #map}, {transform_indices = #map}, {transform_indices = #map1}, {transform_indices = #map1}]} {
    %mul3A = arith.constant 640 : i32
    %mul3A_0 = arith.muli %arg1, %mul3A : i32
    %eq3A = arith.constant 0 : i32
    %eq3A_1 = arith.cmpi eq, %arg0, %eq3A : i32
    %convert_element_type3A = arith.extui %eq3A_1 : i1 to i32
    %cond3A = arith.constant 0 : i32
    %cond3A_2 = arith.cmpi ne, %convert_element_type3A, %cond3A : i32
    scf.if %cond3A_2 {
      %scan3A = arith.constant 0 : i32
      %scan3A_8 = arith.constant 80 : i32
      %scan3A_9 = arith.addi %scan3A, %scan3A_8 : i32
      %scan3A_10 = arith.constant 1 : i32
      scf.for %scan3A_35 = %scan3A to %scan3A_9 step %scan3A_10  : i32 {
        %mul3A_36 = arith.constant 1 : i32
        %mul3A_37 = arith.muli %scan3A_35, %mul3A_36 : i32
        %add3A = arith.constant 0 : i32
        %add3A_38 = arith.addi %add3A, %mul3A_37 : i32
        %broadcast_in_dim3A = arith.constant 0.000000e+00 : f32
        %broadcast_in_dim3A_39 = vector.broadcast %broadcast_in_dim3A : f32 to vector<16xf32>
        %swap3A = arith.index_cast %add3A_38 : i32 to index
        %swap3A_40 = arith.constant 0 : index
        %swap3A_41 = tpu.vector_load %arg8[%swap3A, %swap3A_40] {strides = array<i32>} : memref<80x16xf32, #tpu.memory_space<vmem>>, vector<1x16xf32>,
        %swap3A_42 = vector.shape_cast %swap3A_41 : vector<1x16xf32> to vector<16xf32>
        %swap3A_43 = vector.shape_cast %broadcast_in_dim3A_39 : vector<16xf32> to vector<1x16xf32>
        tpu.vector_store %arg8[%swap3A, %swap3A_40], %swap3A_43 {strides = array<i32>} : memref<80x16xf32, #tpu.memory_space<vmem>>, vector<1x16xf32>,
      }
      %scan3A_11 = arith.constant 80 : i32
      %scan3A_12 = arith.constant 0 : i32
      %scan3A_13 = arith.constant 8 : i32
      %scan3A_14 = arith.addi %scan3A_12, %scan3A_13 : i32
      %scan3A_15 = arith.constant 1 : i32
      scf.for %scan3A_35 = %scan3A_12 to %scan3A_14 step %scan3A_15  : i32 {
        %mul3A_36 = arith.constant 1 : i32
        %mul3A_37 = arith.muli %scan3A_35, %mul3A_36 : i32
        %add3A = arith.constant 0 : i32
        %add3A_38 = arith.addi %add3A, %mul3A_37 : i32
        %mul3A_39 = arith.constant 80 : i32
        %mul3A_40 = arith.muli %add3A_38, %mul3A_39 : i32
        %add3A_41 = arith.addi %mul3A_0, %mul3A_40 : i32
        "tpu.region"() ({
          %run_scoped3A = tpu.sem_alloc : memref<!tpu.dma_semaphore, #tpu.memory_space<semaphore_mem>>
          %dma_start3A = arith.constant 0 : i32
          %dma_start3A_42 = tpu.memref_slice %arg6[%add3A_41, %dma_start3A] : memref<10240x16xf32, #tpu.memory_space<vmem_shared>> -> memref<80x16xf32, #tpu.memory_space<vmem_shared>>
          %dma_start3A_43 = arith.constant 0 : i32
          %dma_start3A_44 = tpu.memref_slice %arg6[%add3A_41, %dma_start3A_43] : memref<10240x16xf32, #tpu.memory_space<vmem_shared>> -> memref<80x16xf32, #tpu.memory_space<vmem_shared>>
          tpu.enqueue_dma source(%arg8 : memref<80x16xf32, #tpu.memory_space<vmem>>) target(%dma_start3A_44 : memref<80x16xf32, #tpu.memory_space<vmem_shared>>) target_semaphore(%run_scoped3A : memref<!tpu.dma_semaphore, #tpu.memory_space<semaphore_mem>>)
          %dma_wait3A = arith.constant 0 : i32
          %dma_wait3A_45 = tpu.memref_slice %arg6[%add3A_41, %dma_wait3A] : memref<10240x16xf32, #tpu.memory_space<vmem_shared>> -> memref<80x16xf32, #tpu.memory_space<vmem_shared>>
          %dma_wait3A_46 = arith.constant 0 : i32
          %dma_wait3A_47 = tpu.memref_slice %arg6[%add3A_41, %dma_wait3A_46] : memref<10240x16xf32, #tpu.memory_space<vmem_shared>> -> memref<80x16xf32, #tpu.memory_space<vmem_shared>>
          tpu.wait_dma2 semaphore(%run_scoped3A : memref<!tpu.dma_semaphore, #tpu.memory_space<semaphore_mem>>) src(%arg8 : memref<80x16xf32, #tpu.memory_space<vmem>>) dst(%dma_wait3A_47 : memref<80x16xf32, #tpu.memory_space<vmem_shared>>)
          tpu.yield
        }) : () -> ()
      }
      %scan3A_16 = arith.constant 8 : i32
      %barrier3A = arith.constant 0 : index
      tpu.barrier barrier_id(%barrier3A)
      %scan3A_17 = arith.constant 0 : i32
      %scan3A_18 = arith.constant 80 : i32
      %scan3A_19 = arith.addi %scan3A_17, %scan3A_18 : i32
      %scan3A_20 = arith.constant 1 : i32
      scf.for %scan3A_35 = %scan3A_17 to %scan3A_19 step %scan3A_20  : i32 {
        %mul3A_36 = arith.constant 1 : i32
        %mul3A_37 = arith.muli %scan3A_35, %mul3A_36 : i32
        %add3A = arith.constant 0 : i32
        %add3A_38 = arith.addi %add3A, %mul3A_37 : i32
        %broadcast_in_dim3A = arith.constant 1.000000e+00 : f32
        %broadcast_in_dim3A_39 = vector.broadcast %broadcast_in_dim3A : f32 to vector<16xf32>
        %swap3A = arith.index_cast %add3A_38 : i32 to index
        %swap3A_40 = arith.constant 0 : index
        %swap3A_41 = tpu.vector_load %arg8[%swap3A, %swap3A_40] {strides = array<i32>} : memref<80x16xf32, #tpu.memory_space<vmem>>, vector<1x16xf32>,
        %swap3A_42 = vector.shape_cast %swap3A_41 : vector<1x16xf32> to vector<16xf32>
        %swap3A_43 = vector.shape_cast %broadcast_in_dim3A_39 : vector<16xf32> to vector<1x16xf32>
        tpu.vector_store %arg8[%swap3A, %swap3A_40], %swap3A_43 {strides = array<i32>} : memref<80x16xf32, #tpu.memory_space<vmem>>, vector<1x16xf32>,
      }
      %scan3A_21 = arith.constant 80 : i32
      %mul3A_22 = arith.constant 20000 : i32
      %mul3A_23 = arith.muli %arg1, %mul3A_22 : i32
      %scan3A_24 = arith.constant 0 : i32
      %scan3A_25 = arith.constant 250 : i32
      %scan3A_26 = arith.addi %scan3A_24, %scan3A_25 : i32
      %scan3A_27 = arith.constant 1 : i32
      scf.for %scan3A_35 = %scan3A_24 to %scan3A_26 step %scan3A_27  : i32 {
        %mul3A_36 = arith.constant 1 : i32
        %mul3A_37 = arith.muli %scan3A_35, %mul3A_36 : i32
        %add3A = arith.constant 0 : i32
        %add3A_38 = arith.addi %add3A, %mul3A_37 : i32
        %mul3A_39 = arith.constant 80 : i32
        %mul3A_40 = arith.muli %add3A_38, %mul3A_39 : i32
        %add3A_41 = arith.addi %mul3A_23, %mul3A_40 : i32
        "tpu.region"() ({
          %run_scoped3A = tpu.sem_alloc : memref<!tpu.dma_semaphore, #tpu.memory_space<semaphore_mem>>
          %dma_start3A = tpu.memref_slice %arg2[%add3A_41] : memref<320000xi32, #tpu.memory_space<hbm>> -> memref<80xi32, #tpu.memory_space<hbm>>
          %dma_start3A_42 = tpu.memref_slice %arg2[%add3A_41] : memref<320000xi32, #tpu.memory_space<hbm>> -> memref<80xi32, #tpu.memory_space<hbm>>
          tpu.enqueue_dma source(%dma_start3A_42 : memref<80xi32, #tpu.memory_space<hbm>>) target(%arg7 : memref<80xi32, #tpu.memory_space<vmem>>) target_semaphore(%run_scoped3A : memref<!tpu.dma_semaphore, #tpu.memory_space<semaphore_mem>>)
          %dma_wait3A = tpu.memref_slice %arg2[%add3A_41] : memref<320000xi32, #tpu.memory_space<hbm>> -> memref<80xi32, #tpu.memory_space<hbm>>
          %dma_wait3A_43 = tpu.memref_slice %arg2[%add3A_41] : memref<320000xi32, #tpu.memory_space<hbm>> -> memref<80xi32, #tpu.memory_space<hbm>>
          tpu.wait_dma2 semaphore(%run_scoped3A : memref<!tpu.dma_semaphore, #tpu.memory_space<semaphore_mem>>) src(%dma_wait3A_43 : memref<80xi32, #tpu.memory_space<hbm>>) dst(%arg7 : memref<80xi32, #tpu.memory_space<vmem>>)
          tpu.yield
        }) : () -> ()
        "tpu.region"() ({
          %run_scoped3A = tpu.sem_alloc : memref<!tpu.dma_semaphore, #tpu.memory_space<semaphore_mem>>
          %dma_start3A = arith.constant 0 : i32
          %dma_start3A_42 = arith.constant 0 : i32
          %dma_start3A_43 = tpu.memref_slice %arg6[%dma_start3A, %dma_start3A_42] : memref<10240x16xf32, #tpu.memory_space<vmem_shared>> -> memref<10240x16xf32, #tpu.memory_space<vmem_shared>>
          tpu.enqueue_indirect_dma source(%arg8 : memref<80x16xf32, #tpu.memory_space<vmem>>) target(%dma_start3A_43 : memref<10240x16xf32, #tpu.memory_space<vmem_shared>>) offsets(%arg7 : memref<80xi32, #tpu.memory_space<vmem>>) semaphore(%run_scoped3A : memref<!tpu.dma_semaphore, #tpu.memory_space<semaphore_mem>>) {add = true}
          %dma_wait3A = arith.constant 0 : i32
          %dma_wait3A_44 = arith.constant 0 : i32
          %dma_wait3A_45 = tpu.memref_slice %arg6[%dma_wait3A, %dma_wait3A_44] : memref<10240x16xf32, #tpu.memory_space<vmem_shared>> -> memref<10240x16xf32, #tpu.memory_space<vmem_shared>>
          tpu.wait_indirect_dma semaphore(%run_scoped3A : memref<!tpu.dma_semaphore, #tpu.memory_space<semaphore_mem>>) src(%arg8 : memref<80x16xf32, #tpu.memory_space<vmem>>) dst(%dma_wait3A_45 : memref<10240x16xf32, #tpu.memory_space<vmem_shared>>)
          tpu.yield
        }) : () -> ()
      }
      %scan3A_28 = arith.constant 250 : i32
      %barrier3A_29 = arith.constant 0 : index
      tpu.barrier barrier_id(%barrier3A_29)
      %scan3A_30 = arith.constant 0 : i32
      %scan3A_31 = arith.constant 8 : i32
      %scan3A_32 = arith.addi %scan3A_30, %scan3A_31 : i32
      %scan3A_33 = arith.constant 1 : i32
      scf.for %scan3A_35 = %scan3A_30 to %scan3A_32 step %scan3A_33  : i32 {
        %mul3A_36 = arith.constant 1 : i32
        %mul3A_37 = arith.muli %scan3A_35, %mul3A_36 : i32
        %add3A = arith.constant 0 : i32
        %add3A_38 = arith.addi %add3A, %mul3A_37 : i32
        %mul3A_39 = arith.constant 80 : i32
        %mul3A_40 = arith.muli %add3A_38, %mul3A_39 : i32
        %add3A_41 = arith.addi %mul3A_0, %mul3A_40 : i32
        "tpu.region"() ({
          %run_scoped3A = tpu.sem_alloc : memref<!tpu.dma_semaphore, #tpu.memory_space<semaphore_mem>>
          %dma_start3A = arith.constant 0 : i32
          %dma_start3A_45 = tpu.memref_slice %arg6[%add3A_41, %dma_start3A] : memref<10240x16xf32, #tpu.memory_space<vmem_shared>> -> memref<80x16xf32, #tpu.memory_space<vmem_shared>>
          %dma_start3A_46 = arith.constant 0 : i32
          %dma_start3A_47 = tpu.memref_slice %arg6[%add3A_41, %dma_start3A_46] : memref<10240x16xf32, #tpu.memory_space<vmem_shared>> -> memref<80x16xf32, #tpu.memory_space<vmem_shared>>
          tpu.enqueue_dma source(%dma_start3A_47 : memref<80x16xf32, #tpu.memory_space<vmem_shared>>) target(%arg8 : memref<80x16xf32, #tpu.memory_space<vmem>>) target_semaphore(%run_scoped3A : memref<!tpu.dma_semaphore, #tpu.memory_space<semaphore_mem>>)
          %dma_wait3A = arith.constant 0 : i32
          %dma_wait3A_48 = tpu.memref_slice %arg6[%add3A_41, %dma_wait3A] : memref<10240x16xf32, #tpu.memory_space<vmem_shared>> -> memref<80x16xf32, #tpu.memory_space<vmem_shared>>
          %dma_wait3A_49 = arith.constant 0 : i32
          %dma_wait3A_50 = tpu.memref_slice %arg6[%add3A_41, %dma_wait3A_49] : memref<10240x16xf32, #tpu.memory_space<vmem_shared>> -> memref<80x16xf32, #tpu.memory_space<vmem_shared>>
          tpu.wait_dma2 semaphore(%run_scoped3A : memref<!tpu.dma_semaphore, #tpu.memory_space<semaphore_mem>>) src(%dma_wait3A_50 : memref<80x16xf32, #tpu.memory_space<vmem_shared>>) dst(%arg8 : memref<80x16xf32, #tpu.memory_space<vmem>>)
          tpu.yield
        }) : () -> ()
        %mul3A_42 = arith.constant 80 : i32
        %mul3A_43 = arith.muli %add3A_38, %mul3A_42 : i32
        %add3A_44 = arith.addi %mul3A_0, %mul3A_43 : i32
        "tpu.region"() ({
          %run_scoped3A = tpu.sem_alloc : memref<!tpu.dma_semaphore, #tpu.memory_space<semaphore_mem>>
          %dma_start3A = arith.constant 0 : i32
          %dma_start3A_45 = tpu.memref_slice %arg4[%add3A_44, %dma_start3A] : memref<10240x16xf32, #tpu.memory_space<hbm>> -> memref<80x16xf32, #tpu.memory_space<hbm>>
          %dma_start3A_46 = arith.constant 0 : i32
          %dma_start3A_47 = tpu.memref_slice %arg4[%add3A_44, %dma_start3A_46] : memref<10240x16xf32, #tpu.memory_space<hbm>> -> memref<80x16xf32, #tpu.memory_space<hbm>>
          tpu.enqueue_dma source(%arg8 : memref<80x16xf32, #tpu.memory_space<vmem>>) target(%dma_start3A_47 : memref<80x16xf32, #tpu.memory_space<hbm>>) target_semaphore(%run_scoped3A : memref<!tpu.dma_semaphore, #tpu.memory_space<semaphore_mem>>)
          %dma_wait3A = arith.constant 0 : i32
          %dma_wait3A_48 = tpu.memref_slice %arg4[%add3A_44, %dma_wait3A] : memref<10240x16xf32, #tpu.memory_space<hbm>> -> memref<80x16xf32, #tpu.memory_space<hbm>>
          %dma_wait3A_49 = arith.constant 0 : i32
          %dma_wait3A_50 = tpu.memref_slice %arg4[%add3A_44, %dma_wait3A_49] : memref<10240x16xf32, #tpu.memory_space<hbm>> -> memref<80x16xf32, #tpu.memory_space<hbm>>
          tpu.wait_dma2 semaphore(%run_scoped3A : memref<!tpu.dma_semaphore, #tpu.memory_space<semaphore_mem>>) src(%arg8 : memref<80x16xf32, #tpu.memory_space<vmem>>) dst(%dma_wait3A_50 : memref<80x16xf32, #tpu.memory_space<hbm>>)
          tpu.yield
        }) : () -> ()
      }
      %scan3A_34 = arith.constant 8 : i32
    } else {
    }
    %eq3A_3 = arith.constant 1 : i32
    %eq3A_4 = arith.cmpi eq, %arg0, %eq3A_3 : i32
    %convert_element_type3A_5 = arith.extui %eq3A_4 : i1 to i32
    %cond3A_6 = arith.constant 0 : i32
    %cond3A_7 = arith.cmpi ne, %convert_element_type3A_5, %cond3A_6 : i32
    scf.if %cond3A_7 {
      %scan3A = arith.constant 0 : i32
      %scan3A_8 = arith.constant 80 : i32
      %scan3A_9 = arith.addi %scan3A, %scan3A_8 : i32
      %scan3A_10 = arith.constant 1 : i32
      scf.for %scan3A_35 = %scan3A to %scan3A_9 step %scan3A_10  : i32 {
        %mul3A_36 = arith.constant 1 : i32
        %mul3A_37 = arith.muli %scan3A_35, %mul3A_36 : i32
        %add3A = arith.constant 0 : i32
        %add3A_38 = arith.addi %add3A, %mul3A_37 : i32
        %broadcast_in_dim3A = arith.constant 0.000000e+00 : f32
        %broadcast_in_dim3A_39 = vector.broadcast %broadcast_in_dim3A : f32 to vector<16xf32>
        %swap3A = arith.index_cast %add3A_38 : i32 to index
        %swap3A_40 = arith.constant 0 : index
        %swap3A_41 = tpu.vector_load %arg8[%swap3A, %swap3A_40] {strides = array<i32>} : memref<80x16xf32, #tpu.memory_space<vmem>>, vector<1x16xf32>,
        %swap3A_42 = vector.shape_cast %swap3A_41 : vector<1x16xf32> to vector<16xf32>
        %swap3A_43 = vector.shape_cast %broadcast_in_dim3A_39 : vector<16xf32> to vector<1x16xf32>
        tpu.vector_store %arg8[%swap3A, %swap3A_40], %swap3A_43 {strides = array<i32>} : memref<80x16xf32, #tpu.memory_space<vmem>>, vector<1x16xf32>,
      }
      %scan3A_11 = arith.constant 80 : i32
      %scan3A_12 = arith.constant 0 : i32
      %scan3A_13 = arith.constant 8 : i32
      %scan3A_14 = arith.addi %scan3A_12, %scan3A_13 : i32
      %scan3A_15 = arith.constant 1 : i32
      scf.for %scan3A_35 = %scan3A_12 to %scan3A_14 step %scan3A_15  : i32 {
        %mul3A_36 = arith.constant 1 : i32
        %mul3A_37 = arith.muli %scan3A_35, %mul3A_36 : i32
        %add3A = arith.constant 0 : i32
        %add3A_38 = arith.addi %add3A, %mul3A_37 : i32
        %mul3A_39 = arith.constant 80 : i32
        %mul3A_40 = arith.muli %add3A_38, %mul3A_39 : i32
        %add3A_41 = arith.addi %mul3A_0, %mul3A_40 : i32
        "tpu.region"() ({
          %run_scoped3A = tpu.sem_alloc : memref<!tpu.dma_semaphore, #tpu.memory_space<semaphore_mem>>
          %dma_start3A = arith.constant 0 : i32
          %dma_start3A_42 = tpu.memref_slice %arg6[%add3A_41, %dma_start3A] : memref<10240x16xf32, #tpu.memory_space<vmem_shared>> -> memref<80x16xf32, #tpu.memory_space<vmem_shared>>
          %dma_start3A_43 = arith.constant 0 : i32
          %dma_start3A_44 = tpu.memref_slice %arg6[%add3A_41, %dma_start3A_43] : memref<10240x16xf32, #tpu.memory_space<vmem_shared>> -> memref<80x16xf32, #tpu.memory_space<vmem_shared>>
          tpu.enqueue_dma source(%arg8 : memref<80x16xf32, #tpu.memory_space<vmem>>) target(%dma_start3A_44 : memref<80x16xf32, #tpu.memory_space<vmem_shared>>) target_semaphore(%run_scoped3A : memref<!tpu.dma_semaphore, #tpu.memory_space<semaphore_mem>>)
          %dma_wait3A = arith.constant 0 : i32
          %dma_wait3A_45 = tpu.memref_slice %arg6[%add3A_41, %dma_wait3A] : memref<10240x16xf32, #tpu.memory_space<vmem_shared>> -> memref<80x16xf32, #tpu.memory_space<vmem_shared>>
          %dma_wait3A_46 = arith.constant 0 : i32
          %dma_wait3A_47 = tpu.memref_slice %arg6[%add3A_41, %dma_wait3A_46] : memref<10240x16xf32, #tpu.memory_space<vmem_shared>> -> memref<80x16xf32, #tpu.memory_space<vmem_shared>>
          tpu.wait_dma2 semaphore(%run_scoped3A : memref<!tpu.dma_semaphore, #tpu.memory_space<semaphore_mem>>) src(%arg8 : memref<80x16xf32, #tpu.memory_space<vmem>>) dst(%dma_wait3A_47 : memref<80x16xf32, #tpu.memory_space<vmem_shared>>)
          tpu.yield
        }) : () -> ()
      }
      %scan3A_16 = arith.constant 8 : i32
      %barrier3A = arith.constant 0 : index
      tpu.barrier barrier_id(%barrier3A)
      %scan3A_17 = arith.constant 0 : i32
      %scan3A_18 = arith.constant 80 : i32
      %scan3A_19 = arith.addi %scan3A_17, %scan3A_18 : i32
      %scan3A_20 = arith.constant 1 : i32
      scf.for %scan3A_35 = %scan3A_17 to %scan3A_19 step %scan3A_20  : i32 {
        %mul3A_36 = arith.constant 1 : i32
        %mul3A_37 = arith.muli %scan3A_35, %mul3A_36 : i32
        %add3A = arith.constant 0 : i32
        %add3A_38 = arith.addi %add3A, %mul3A_37 : i32
        %broadcast_in_dim3A = arith.constant 1.000000e+00 : f32
        %broadcast_in_dim3A_39 = vector.broadcast %broadcast_in_dim3A : f32 to vector<16xf32>
        %swap3A = arith.index_cast %add3A_38 : i32 to index
        %swap3A_40 = arith.constant 0 : index
        %swap3A_41 = tpu.vector_load %arg8[%swap3A, %swap3A_40] {strides = array<i32>} : memref<80x16xf32, #tpu.memory_space<vmem>>, vector<1x16xf32>,
        %swap3A_42 = vector.shape_cast %swap3A_41 : vector<1x16xf32> to vector<16xf32>
        %swap3A_43 = vector.shape_cast %broadcast_in_dim3A_39 : vector<16xf32> to vector<1x16xf32>
        tpu.vector_store %arg8[%swap3A, %swap3A_40], %swap3A_43 {strides = array<i32>} : memref<80x16xf32, #tpu.memory_space<vmem>>, vector<1x16xf32>,
      }
      %scan3A_21 = arith.constant 80 : i32
      %mul3A_22 = arith.constant 20000 : i32
      %mul3A_23 = arith.muli %arg1, %mul3A_22 : i32
      %scan3A_24 = arith.constant 0 : i32
      %scan3A_25 = arith.constant 250 : i32
      %scan3A_26 = arith.addi %scan3A_24, %scan3A_25 : i32
      %scan3A_27 = arith.constant 1 : i32
      scf.for %scan3A_35 = %scan3A_24 to %scan3A_26 step %scan3A_27  : i32 {
        %mul3A_36 = arith.constant 1 : i32
        %mul3A_37 = arith.muli %scan3A_35, %mul3A_36 : i32
        %add3A = arith.constant 0 : i32
        %add3A_38 = arith.addi %add3A, %mul3A_37 : i32
        %mul3A_39 = arith.constant 80 : i32
        %mul3A_40 = arith.muli %add3A_38, %mul3A_39 : i32
        %add3A_41 = arith.addi %mul3A_23, %mul3A_40 : i32
        "tpu.region"() ({
          %run_scoped3A = tpu.sem_alloc : memref<!tpu.dma_semaphore, #tpu.memory_space<semaphore_mem>>
          %dma_start3A = tpu.memref_slice %arg3[%add3A_41] : memref<320000xi32, #tpu.memory_space<hbm>> -> memref<80xi32, #tpu.memory_space<hbm>>
          %dma_start3A_42 = tpu.memref_slice %arg3[%add3A_41] : memref<320000xi32, #tpu.memory_space<hbm>> -> memref<80xi32, #tpu.memory_space<hbm>>
          tpu.enqueue_dma source(%dma_start3A_42 : memref<80xi32, #tpu.memory_space<hbm>>) target(%arg7 : memref<80xi32, #tpu.memory_space<vmem>>) target_semaphore(%run_scoped3A : memref<!tpu.dma_semaphore, #tpu.memory_space<semaphore_mem>>)
          %dma_wait3A = tpu.memref_slice %arg3[%add3A_41] : memref<320000xi32, #tpu.memory_space<hbm>> -> memref<80xi32, #tpu.memory_space<hbm>>
          %dma_wait3A_43 = tpu.memref_slice %arg3[%add3A_41] : memref<320000xi32, #tpu.memory_space<hbm>> -> memref<80xi32, #tpu.memory_space<hbm>>
          tpu.wait_dma2 semaphore(%run_scoped3A : memref<!tpu.dma_semaphore, #tpu.memory_space<semaphore_mem>>) src(%dma_wait3A_43 : memref<80xi32, #tpu.memory_space<hbm>>) dst(%arg7 : memref<80xi32, #tpu.memory_space<vmem>>)
          tpu.yield
        }) : () -> ()
        "tpu.region"() ({
          %run_scoped3A = tpu.sem_alloc : memref<!tpu.dma_semaphore, #tpu.memory_space<semaphore_mem>>
          %dma_start3A = arith.constant 0 : i32
          %dma_start3A_42 = arith.constant 0 : i32
          %dma_start3A_43 = tpu.memref_slice %arg6[%dma_start3A, %dma_start3A_42] : memref<10240x16xf32, #tpu.memory_space<vmem_shared>> -> memref<10240x16xf32, #tpu.memory_space<vmem_shared>>
          tpu.enqueue_indirect_dma source(%arg8 : memref<80x16xf32, #tpu.memory_space<vmem>>) target(%dma_start3A_43 : memref<10240x16xf32, #tpu.memory_space<vmem_shared>>) offsets(%arg7 : memref<80xi32, #tpu.memory_space<vmem>>) semaphore(%run_scoped3A : memref<!tpu.dma_semaphore, #tpu.memory_space<semaphore_mem>>) {add = true}
          %dma_wait3A = arith.constant 0 : i32
          %dma_wait3A_44 = arith.constant 0 : i32
          %dma_wait3A_45 = tpu.memref_slice %arg6[%dma_wait3A, %dma_wait3A_44] : memref<10240x16xf32, #tpu.memory_space<vmem_shared>> -> memref<10240x16xf32, #tpu.memory_space<vmem_shared>>
          tpu.wait_indirect_dma semaphore(%run_scoped3A : memref<!tpu.dma_semaphore, #tpu.memory_space<semaphore_mem>>) src(%arg8 : memref<80x16xf32, #tpu.memory_space<vmem>>) dst(%dma_wait3A_45 : memref<10240x16xf32, #tpu.memory_space<vmem_shared>>)
          tpu.yield
        }) : () -> ()
      }
      %scan3A_28 = arith.constant 250 : i32
      %barrier3A_29 = arith.constant 0 : index
      tpu.barrier barrier_id(%barrier3A_29)
      %scan3A_30 = arith.constant 0 : i32
      %scan3A_31 = arith.constant 8 : i32
      %scan3A_32 = arith.addi %scan3A_30, %scan3A_31 : i32
      %scan3A_33 = arith.constant 1 : i32
      scf.for %scan3A_35 = %scan3A_30 to %scan3A_32 step %scan3A_33  : i32 {
        %mul3A_36 = arith.constant 1 : i32
        %mul3A_37 = arith.muli %scan3A_35, %mul3A_36 : i32
        %add3A = arith.constant 0 : i32
        %add3A_38 = arith.addi %add3A, %mul3A_37 : i32
        %mul3A_39 = arith.constant 80 : i32
        %mul3A_40 = arith.muli %add3A_38, %mul3A_39 : i32
        %add3A_41 = arith.addi %mul3A_0, %mul3A_40 : i32
        "tpu.region"() ({
          %run_scoped3A = tpu.sem_alloc : memref<!tpu.dma_semaphore, #tpu.memory_space<semaphore_mem>>
          %dma_start3A = arith.constant 0 : i32
          %dma_start3A_45 = tpu.memref_slice %arg6[%add3A_41, %dma_start3A] : memref<10240x16xf32, #tpu.memory_space<vmem_shared>> -> memref<80x16xf32, #tpu.memory_space<vmem_shared>>
          %dma_start3A_46 = arith.constant 0 : i32
          %dma_start3A_47 = tpu.memref_slice %arg6[%add3A_41, %dma_start3A_46] : memref<10240x16xf32, #tpu.memory_space<vmem_shared>> -> memref<80x16xf32, #tpu.memory_space<vmem_shared>>
          tpu.enqueue_dma source(%dma_start3A_47 : memref<80x16xf32, #tpu.memory_space<vmem_shared>>) target(%arg8 : memref<80x16xf32, #tpu.memory_space<vmem>>) target_semaphore(%run_scoped3A : memref<!tpu.dma_semaphore, #tpu.memory_space<semaphore_mem>>)
          %dma_wait3A = arith.constant 0 : i32
          %dma_wait3A_48 = tpu.memref_slice %arg6[%add3A_41, %dma_wait3A] : memref<10240x16xf32, #tpu.memory_space<vmem_shared>> -> memref<80x16xf32, #tpu.memory_space<vmem_shared>>
          %dma_wait3A_49 = arith.constant 0 : i32
          %dma_wait3A_50 = tpu.memref_slice %arg6[%add3A_41, %dma_wait3A_49] : memref<10240x16xf32, #tpu.memory_space<vmem_shared>> -> memref<80x16xf32, #tpu.memory_space<vmem_shared>>
          tpu.wait_dma2 semaphore(%run_scoped3A : memref<!tpu.dma_semaphore, #tpu.memory_space<semaphore_mem>>) src(%dma_wait3A_50 : memref<80x16xf32, #tpu.memory_space<vmem_shared>>) dst(%arg8 : memref<80x16xf32, #tpu.memory_space<vmem>>)
          tpu.yield
        }) : () -> ()
        %mul3A_42 = arith.constant 80 : i32
        %mul3A_43 = arith.muli %add3A_38, %mul3A_42 : i32
        %add3A_44 = arith.addi %mul3A_0, %mul3A_43 : i32
        "tpu.region"() ({
          %run_scoped3A = tpu.sem_alloc : memref<!tpu.dma_semaphore, #tpu.memory_space<semaphore_mem>>
          %dma_start3A = arith.constant 0 : i32
          %dma_start3A_45 = tpu.memref_slice %arg5[%add3A_44, %dma_start3A] : memref<10240x16xf32, #tpu.memory_space<hbm>> -> memref<80x16xf32, #tpu.memory_space<hbm>>
          %dma_start3A_46 = arith.constant 0 : i32
          %dma_start3A_47 = tpu.memref_slice %arg5[%add3A_44, %dma_start3A_46] : memref<10240x16xf32, #tpu.memory_space<hbm>> -> memref<80x16xf32, #tpu.memory_space<hbm>>
          tpu.enqueue_dma source(%arg8 : memref<80x16xf32, #tpu.memory_space<vmem>>) target(%dma_start3A_47 : memref<80x16xf32, #tpu.memory_space<hbm>>) target_semaphore(%run_scoped3A : memref<!tpu.dma_semaphore, #tpu.memory_space<semaphore_mem>>)
          %dma_wait3A = arith.constant 0 : i32
          %dma_wait3A_48 = tpu.memref_slice %arg5[%add3A_44, %dma_wait3A] : memref<10240x16xf32, #tpu.memory_space<hbm>> -> memref<80x16xf32, #tpu.memory_space<hbm>>
          %dma_wait3A_49 = arith.constant 0 : i32
          %dma_wait3A_50 = tpu.memref_slice %arg5[%add3A_44, %dma_wait3A_49] : memref<10240x16xf32, #tpu.memory_space<hbm>> -> memref<80x16xf32, #tpu.memory_space<hbm>>
          tpu.wait_dma2 semaphore(%run_scoped3A : memref<!tpu.dma_semaphore, #tpu.memory_space<semaphore_mem>>) src(%arg8 : memref<80x16xf32, #tpu.memory_space<vmem>>) dst(%dma_wait3A_50 : memref<80x16xf32, #tpu.memory_space<hbm>>)
          tpu.yield
        }) : () -> ()
      }
      %scan3A_34 = arith.constant 8 : i32
    } else {
    }
    return
  }
}

#map = affine_map<(d0, d1) -> (0, 0)>
#map1 = affine_map<(d0, d1) -> (0)>
module attributes {stable_mosaic.version = 14 : i64} {
  func.func @msgpass(%arg0: i32, %arg1: i32, %arg2: memref<10240x64xf32, #tpu.memory_space<hbm>>, %arg3: memref<10240x64xf32, #tpu.memory_space<hbm>>, %arg4: memref<320000xi32, #tpu.memory_space<hbm>>, %arg5: memref<320000xi32, #tpu.memory_space<hbm>>, %arg6: memref<320000xi32, #tpu.memory_space<hbm>>, %arg7: memref<320000xi32, #tpu.memory_space<hbm>>, %arg8: memref<10240x64xf32, #tpu.memory_space<hbm>>, %arg9: memref<10240x64xf32, #tpu.memory_space<hbm>>, %arg10: memref<10240x64xf32, #tpu.memory_space<vmem_shared>>, %arg11: memref<80xi32, #tpu.memory_space<vmem>>, %arg12: memref<80xi32, #tpu.memory_space<vmem>>, %arg13: memref<80x64xf32, #tpu.memory_space<vmem>>) attributes {dimension_semantics = [#tpu.dimension_semantics<core_parallel>, #tpu.dimension_semantics<subcore_parallel>], iteration_bounds = array<i64: 2, 16>, scalar_prefetch = 0 : i64, scratch_operands = 4 : i64, tpu.core_type = #tpu.core_type<sc_vector_subcore>, window_params = [{transform_indices = #map}, {transform_indices = #map}, {transform_indices = #map1}, {transform_indices = #map1}, {transform_indices = #map1}, {transform_indices = #map1}, {transform_indices = #map}, {transform_indices = #map}]} {
    %mul3A = arith.constant 640 : i32
    %mul3A_0 = arith.muli %arg1, %mul3A : i32
    %eq3A = arith.constant 0 : i32
    %eq3A_1 = arith.cmpi eq, %arg0, %eq3A : i32
    %convert_element_type3A = arith.extui %eq3A_1 : i1 to i32
    %cond3A = arith.constant 0 : i32
    %cond3A_2 = arith.cmpi ne, %convert_element_type3A, %cond3A : i32
    scf.if %cond3A_2 {
      %scan3A = arith.constant 0 : i32
      %scan3A_8 = arith.constant 8 : i32
      %scan3A_9 = arith.addi %scan3A, %scan3A_8 : i32
      %scan3A_10 = arith.constant 1 : i32
      scf.for %scan3A_25 = %scan3A to %scan3A_9 step %scan3A_10  : i32 {
        %mul3A_26 = arith.constant 1 : i32
        %mul3A_27 = arith.muli %scan3A_25, %mul3A_26 : i32
        %add3A = arith.constant 0 : i32
        %add3A_28 = arith.addi %add3A, %mul3A_27 : i32
        %mul3A_29 = arith.constant 80 : i32
        %mul3A_30 = arith.muli %add3A_28, %mul3A_29 : i32
        %add3A_31 = arith.addi %mul3A_0, %mul3A_30 : i32
        "tpu.region"() ({
          %run_scoped3A = tpu.sem_alloc : memref<!tpu.dma_semaphore, #tpu.memory_space<semaphore_mem>>
          %dma_start3A = arith.constant 0 : i32
          %dma_start3A_35 = tpu.memref_slice %arg2[%add3A_31, %dma_start3A] : memref<10240x64xf32, #tpu.memory_space<hbm>> -> memref<80x64xf32, #tpu.memory_space<hbm>>
          %dma_start3A_36 = arith.constant 0 : i32
          %dma_start3A_37 = tpu.memref_slice %arg2[%add3A_31, %dma_start3A_36] : memref<10240x64xf32, #tpu.memory_space<hbm>> -> memref<80x64xf32, #tpu.memory_space<hbm>>
          tpu.enqueue_dma source(%dma_start3A_37 : memref<80x64xf32, #tpu.memory_space<hbm>>) target(%arg13 : memref<80x64xf32, #tpu.memory_space<vmem>>) target_semaphore(%run_scoped3A : memref<!tpu.dma_semaphore, #tpu.memory_space<semaphore_mem>>)
          %dma_wait3A = arith.constant 0 : i32
          %dma_wait3A_38 = tpu.memref_slice %arg2[%add3A_31, %dma_wait3A] : memref<10240x64xf32, #tpu.memory_space<hbm>> -> memref<80x64xf32, #tpu.memory_space<hbm>>
          %dma_wait3A_39 = arith.constant 0 : i32
          %dma_wait3A_40 = tpu.memref_slice %arg2[%add3A_31, %dma_wait3A_39] : memref<10240x64xf32, #tpu.memory_space<hbm>> -> memref<80x64xf32, #tpu.memory_space<hbm>>
          tpu.wait_dma2 semaphore(%run_scoped3A : memref<!tpu.dma_semaphore, #tpu.memory_space<semaphore_mem>>) src(%dma_wait3A_40 : memref<80x64xf32, #tpu.memory_space<hbm>>) dst(%arg13 : memref<80x64xf32, #tpu.memory_space<vmem>>)
          tpu.yield
        }) : () -> ()
        %mul3A_32 = arith.constant 80 : i32
        %mul3A_33 = arith.muli %add3A_28, %mul3A_32 : i32
        %add3A_34 = arith.addi %mul3A_0, %mul3A_33 : i32
        "tpu.region"() ({
          %run_scoped3A = tpu.sem_alloc : memref<!tpu.dma_semaphore, #tpu.memory_space<semaphore_mem>>
          %dma_start3A = arith.constant 0 : i32
          %dma_start3A_35 = tpu.memref_slice %arg10[%add3A_34, %dma_start3A] : memref<10240x64xf32, #tpu.memory_space<vmem_shared>> -> memref<80x64xf32, #tpu.memory_space<vmem_shared>>
          %dma_start3A_36 = arith.constant 0 : i32
          %dma_start3A_37 = tpu.memref_slice %arg10[%add3A_34, %dma_start3A_36] : memref<10240x64xf32, #tpu.memory_space<vmem_shared>> -> memref<80x64xf32, #tpu.memory_space<vmem_shared>>
          tpu.enqueue_dma source(%arg13 : memref<80x64xf32, #tpu.memory_space<vmem>>) target(%dma_start3A_37 : memref<80x64xf32, #tpu.memory_space<vmem_shared>>) target_semaphore(%run_scoped3A : memref<!tpu.dma_semaphore, #tpu.memory_space<semaphore_mem>>)
          %dma_wait3A = arith.constant 0 : i32
          %dma_wait3A_38 = tpu.memref_slice %arg10[%add3A_34, %dma_wait3A] : memref<10240x64xf32, #tpu.memory_space<vmem_shared>> -> memref<80x64xf32, #tpu.memory_space<vmem_shared>>
          %dma_wait3A_39 = arith.constant 0 : i32
          %dma_wait3A_40 = tpu.memref_slice %arg10[%add3A_34, %dma_wait3A_39] : memref<10240x64xf32, #tpu.memory_space<vmem_shared>> -> memref<80x64xf32, #tpu.memory_space<vmem_shared>>
          tpu.wait_dma2 semaphore(%run_scoped3A : memref<!tpu.dma_semaphore, #tpu.memory_space<semaphore_mem>>) src(%arg13 : memref<80x64xf32, #tpu.memory_space<vmem>>) dst(%dma_wait3A_40 : memref<80x64xf32, #tpu.memory_space<vmem_shared>>)
          tpu.yield
        }) : () -> ()
      }
      %scan3A_11 = arith.constant 8 : i32
      %barrier3A = arith.constant 0 : index
      tpu.barrier barrier_id(%barrier3A)
      %mul3A_12 = arith.constant 20000 : i32
      %mul3A_13 = arith.muli %arg1, %mul3A_12 : i32
      %scan3A_14 = arith.constant 0 : i32
      %scan3A_15 = arith.constant 250 : i32
      %scan3A_16 = arith.addi %scan3A_14, %scan3A_15 : i32
      %scan3A_17 = arith.constant 1 : i32
      scf.for %scan3A_25 = %scan3A_14 to %scan3A_16 step %scan3A_17  : i32 {
        %mul3A_26 = arith.constant 1 : i32
        %mul3A_27 = arith.muli %scan3A_25, %mul3A_26 : i32
        %add3A = arith.constant 0 : i32
        %add3A_28 = arith.addi %add3A, %mul3A_27 : i32
        %mul3A_29 = arith.constant 80 : i32
        %mul3A_30 = arith.muli %add3A_28, %mul3A_29 : i32
        %add3A_31 = arith.addi %mul3A_13, %mul3A_30 : i32
        "tpu.region"() ({
          %run_scoped3A = tpu.sem_alloc : memref<!tpu.dma_semaphore, #tpu.memory_space<semaphore_mem>>
          %dma_start3A = tpu.memref_slice %arg4[%add3A_31] : memref<320000xi32, #tpu.memory_space<hbm>> -> memref<80xi32, #tpu.memory_space<hbm>>
          %dma_start3A_32 = tpu.memref_slice %arg4[%add3A_31] : memref<320000xi32, #tpu.memory_space<hbm>> -> memref<80xi32, #tpu.memory_space<hbm>>
          tpu.enqueue_dma source(%dma_start3A_32 : memref<80xi32, #tpu.memory_space<hbm>>) target(%arg11 : memref<80xi32, #tpu.memory_space<vmem>>) target_semaphore(%run_scoped3A : memref<!tpu.dma_semaphore, #tpu.memory_space<semaphore_mem>>)
          %dma_wait3A = tpu.memref_slice %arg4[%add3A_31] : memref<320000xi32, #tpu.memory_space<hbm>> -> memref<80xi32, #tpu.memory_space<hbm>>
          %dma_wait3A_33 = tpu.memref_slice %arg4[%add3A_31] : memref<320000xi32, #tpu.memory_space<hbm>> -> memref<80xi32, #tpu.memory_space<hbm>>
          tpu.wait_dma2 semaphore(%run_scoped3A : memref<!tpu.dma_semaphore, #tpu.memory_space<semaphore_mem>>) src(%dma_wait3A_33 : memref<80xi32, #tpu.memory_space<hbm>>) dst(%arg11 : memref<80xi32, #tpu.memory_space<vmem>>)
          tpu.yield
        }) : () -> ()
        "tpu.region"() ({
          %run_scoped3A = tpu.sem_alloc : memref<!tpu.dma_semaphore, #tpu.memory_space<semaphore_mem>>
          %dma_start3A = tpu.memref_slice %arg5[%add3A_31] : memref<320000xi32, #tpu.memory_space<hbm>> -> memref<80xi32, #tpu.memory_space<hbm>>
          %dma_start3A_32 = tpu.memref_slice %arg5[%add3A_31] : memref<320000xi32, #tpu.memory_space<hbm>> -> memref<80xi32, #tpu.memory_space<hbm>>
          tpu.enqueue_dma source(%dma_start3A_32 : memref<80xi32, #tpu.memory_space<hbm>>) target(%arg12 : memref<80xi32, #tpu.memory_space<vmem>>) target_semaphore(%run_scoped3A : memref<!tpu.dma_semaphore, #tpu.memory_space<semaphore_mem>>)
          %dma_wait3A = tpu.memref_slice %arg5[%add3A_31] : memref<320000xi32, #tpu.memory_space<hbm>> -> memref<80xi32, #tpu.memory_space<hbm>>
          %dma_wait3A_33 = tpu.memref_slice %arg5[%add3A_31] : memref<320000xi32, #tpu.memory_space<hbm>> -> memref<80xi32, #tpu.memory_space<hbm>>
          tpu.wait_dma2 semaphore(%run_scoped3A : memref<!tpu.dma_semaphore, #tpu.memory_space<semaphore_mem>>) src(%dma_wait3A_33 : memref<80xi32, #tpu.memory_space<hbm>>) dst(%arg12 : memref<80xi32, #tpu.memory_space<vmem>>)
          tpu.yield
        }) : () -> ()
        "tpu.region"() ({
          %run_scoped3A = tpu.sem_alloc : memref<!tpu.dma_semaphore, #tpu.memory_space<semaphore_mem>>
          %dma_start3A = arith.constant 0 : i32
          %dma_start3A_32 = arith.constant 0 : i32
          %dma_start3A_33 = tpu.memref_slice %arg2[%dma_start3A, %dma_start3A_32] : memref<10240x64xf32, #tpu.memory_space<hbm>> -> memref<10240x64xf32, #tpu.memory_space<hbm>>
          tpu.enqueue_indirect_dma source(%dma_start3A_33 : memref<10240x64xf32, #tpu.memory_space<hbm>>) target(%arg13 : memref<80x64xf32, #tpu.memory_space<vmem>>) offsets(%arg11 : memref<80xi32, #tpu.memory_space<vmem>>) semaphore(%run_scoped3A : memref<!tpu.dma_semaphore, #tpu.memory_space<semaphore_mem>>)
          %dma_wait3A = arith.constant 0 : i32
          %dma_wait3A_34 = arith.constant 0 : i32
          %dma_wait3A_35 = tpu.memref_slice %arg2[%dma_wait3A, %dma_wait3A_34] : memref<10240x64xf32, #tpu.memory_space<hbm>> -> memref<10240x64xf32, #tpu.memory_space<hbm>>
          tpu.wait_indirect_dma semaphore(%run_scoped3A : memref<!tpu.dma_semaphore, #tpu.memory_space<semaphore_mem>>) src(%dma_wait3A_35 : memref<10240x64xf32, #tpu.memory_space<hbm>>) dst(%arg13 : memref<80x64xf32, #tpu.memory_space<vmem>>)
          tpu.yield
        }) : () -> ()
        "tpu.region"() ({
          %run_scoped3A = tpu.sem_alloc : memref<!tpu.dma_semaphore, #tpu.memory_space<semaphore_mem>>
          %dma_start3A = arith.constant 0 : i32
          %dma_start3A_32 = arith.constant 0 : i32
          %dma_start3A_33 = tpu.memref_slice %arg10[%dma_start3A, %dma_start3A_32] : memref<10240x64xf32, #tpu.memory_space<vmem_shared>> -> memref<10240x64xf32, #tpu.memory_space<vmem_shared>>
          tpu.enqueue_indirect_dma source(%arg13 : memref<80x64xf32, #tpu.memory_space<vmem>>) target(%dma_start3A_33 : memref<10240x64xf32, #tpu.memory_space<vmem_shared>>) offsets(%arg12 : memref<80xi32, #tpu.memory_space<vmem>>) semaphore(%run_scoped3A : memref<!tpu.dma_semaphore, #tpu.memory_space<semaphore_mem>>) {add = true}
          %dma_wait3A = arith.constant 0 : i32
          %dma_wait3A_34 = arith.constant 0 : i32
          %dma_wait3A_35 = tpu.memref_slice %arg10[%dma_wait3A, %dma_wait3A_34] : memref<10240x64xf32, #tpu.memory_space<vmem_shared>> -> memref<10240x64xf32, #tpu.memory_space<vmem_shared>>
          tpu.wait_indirect_dma semaphore(%run_scoped3A : memref<!tpu.dma_semaphore, #tpu.memory_space<semaphore_mem>>) src(%arg13 : memref<80x64xf32, #tpu.memory_space<vmem>>) dst(%dma_wait3A_35 : memref<10240x64xf32, #tpu.memory_space<vmem_shared>>)
          tpu.yield
        }) : () -> ()
      }
      %scan3A_18 = arith.constant 250 : i32
      %barrier3A_19 = arith.constant 0 : index
      tpu.barrier barrier_id(%barrier3A_19)
      %scan3A_20 = arith.constant 0 : i32
      %scan3A_21 = arith.constant 8 : i32
      %scan3A_22 = arith.addi %scan3A_20, %scan3A_21 : i32
      %scan3A_23 = arith.constant 1 : i32
      scf.for %scan3A_25 = %scan3A_20 to %scan3A_22 step %scan3A_23  : i32 {
        %mul3A_26 = arith.constant 1 : i32
        %mul3A_27 = arith.muli %scan3A_25, %mul3A_26 : i32
        %add3A = arith.constant 0 : i32
        %add3A_28 = arith.addi %add3A, %mul3A_27 : i32
        %mul3A_29 = arith.constant 80 : i32
        %mul3A_30 = arith.muli %add3A_28, %mul3A_29 : i32
        %add3A_31 = arith.addi %mul3A_0, %mul3A_30 : i32
        "tpu.region"() ({
          %run_scoped3A = tpu.sem_alloc : memref<!tpu.dma_semaphore, #tpu.memory_space<semaphore_mem>>
          %dma_start3A = arith.constant 0 : i32
          %dma_start3A_35 = tpu.memref_slice %arg10[%add3A_31, %dma_start3A] : memref<10240x64xf32, #tpu.memory_space<vmem_shared>> -> memref<80x64xf32, #tpu.memory_space<vmem_shared>>
          %dma_start3A_36 = arith.constant 0 : i32
          %dma_start3A_37 = tpu.memref_slice %arg10[%add3A_31, %dma_start3A_36] : memref<10240x64xf32, #tpu.memory_space<vmem_shared>> -> memref<80x64xf32, #tpu.memory_space<vmem_shared>>
          tpu.enqueue_dma source(%dma_start3A_37 : memref<80x64xf32, #tpu.memory_space<vmem_shared>>) target(%arg13 : memref<80x64xf32, #tpu.memory_space<vmem>>) target_semaphore(%run_scoped3A : memref<!tpu.dma_semaphore, #tpu.memory_space<semaphore_mem>>)
          %dma_wait3A = arith.constant 0 : i32
          %dma_wait3A_38 = tpu.memref_slice %arg10[%add3A_31, %dma_wait3A] : memref<10240x64xf32, #tpu.memory_space<vmem_shared>> -> memref<80x64xf32, #tpu.memory_space<vmem_shared>>
          %dma_wait3A_39 = arith.constant 0 : i32
          %dma_wait3A_40 = tpu.memref_slice %arg10[%add3A_31, %dma_wait3A_39] : memref<10240x64xf32, #tpu.memory_space<vmem_shared>> -> memref<80x64xf32, #tpu.memory_space<vmem_shared>>
          tpu.wait_dma2 semaphore(%run_scoped3A : memref<!tpu.dma_semaphore, #tpu.memory_space<semaphore_mem>>) src(%dma_wait3A_40 : memref<80x64xf32, #tpu.memory_space<vmem_shared>>) dst(%arg13 : memref<80x64xf32, #tpu.memory_space<vmem>>)
          tpu.yield
        }) : () -> ()
        %mul3A_32 = arith.constant 80 : i32
        %mul3A_33 = arith.muli %add3A_28, %mul3A_32 : i32
        %add3A_34 = arith.addi %mul3A_0, %mul3A_33 : i32
        "tpu.region"() ({
          %run_scoped3A = tpu.sem_alloc : memref<!tpu.dma_semaphore, #tpu.memory_space<semaphore_mem>>
          %dma_start3A = arith.constant 0 : i32
          %dma_start3A_35 = tpu.memref_slice %arg8[%add3A_34, %dma_start3A] : memref<10240x64xf32, #tpu.memory_space<hbm>> -> memref<80x64xf32, #tpu.memory_space<hbm>>
          %dma_start3A_36 = arith.constant 0 : i32
          %dma_start3A_37 = tpu.memref_slice %arg8[%add3A_34, %dma_start3A_36] : memref<10240x64xf32, #tpu.memory_space<hbm>> -> memref<80x64xf32, #tpu.memory_space<hbm>>
          tpu.enqueue_dma source(%arg13 : memref<80x64xf32, #tpu.memory_space<vmem>>) target(%dma_start3A_37 : memref<80x64xf32, #tpu.memory_space<hbm>>) target_semaphore(%run_scoped3A : memref<!tpu.dma_semaphore, #tpu.memory_space<semaphore_mem>>)
          %dma_wait3A = arith.constant 0 : i32
          %dma_wait3A_38 = tpu.memref_slice %arg8[%add3A_34, %dma_wait3A] : memref<10240x64xf32, #tpu.memory_space<hbm>> -> memref<80x64xf32, #tpu.memory_space<hbm>>
          %dma_wait3A_39 = arith.constant 0 : i32
          %dma_wait3A_40 = tpu.memref_slice %arg8[%add3A_34, %dma_wait3A_39] : memref<10240x64xf32, #tpu.memory_space<hbm>> -> memref<80x64xf32, #tpu.memory_space<hbm>>
          tpu.wait_dma2 semaphore(%run_scoped3A : memref<!tpu.dma_semaphore, #tpu.memory_space<semaphore_mem>>) src(%arg13 : memref<80x64xf32, #tpu.memory_space<vmem>>) dst(%dma_wait3A_40 : memref<80x64xf32, #tpu.memory_space<hbm>>)
          tpu.yield
        }) : () -> ()
      }
      %scan3A_24 = arith.constant 8 : i32
    } else {
    }
    %eq3A_3 = arith.constant 1 : i32
    %eq3A_4 = arith.cmpi eq, %arg0, %eq3A_3 : i32
    %convert_element_type3A_5 = arith.extui %eq3A_4 : i1 to i32
    %cond3A_6 = arith.constant 0 : i32
    %cond3A_7 = arith.cmpi ne, %convert_element_type3A_5, %cond3A_6 : i32
    scf.if %cond3A_7 {
      %scan3A = arith.constant 0 : i32
      %scan3A_8 = arith.constant 8 : i32
      %scan3A_9 = arith.addi %scan3A, %scan3A_8 : i32
      %scan3A_10 = arith.constant 1 : i32
      scf.for %scan3A_25 = %scan3A to %scan3A_9 step %scan3A_10  : i32 {
        %mul3A_26 = arith.constant 1 : i32
        %mul3A_27 = arith.muli %scan3A_25, %mul3A_26 : i32
        %add3A = arith.constant 0 : i32
        %add3A_28 = arith.addi %add3A, %mul3A_27 : i32
        %mul3A_29 = arith.constant 80 : i32
        %mul3A_30 = arith.muli %add3A_28, %mul3A_29 : i32
        %add3A_31 = arith.addi %mul3A_0, %mul3A_30 : i32
        "tpu.region"() ({
          %run_scoped3A = tpu.sem_alloc : memref<!tpu.dma_semaphore, #tpu.memory_space<semaphore_mem>>
          %dma_start3A = arith.constant 0 : i32
          %dma_start3A_35 = tpu.memref_slice %arg3[%add3A_31, %dma_start3A] : memref<10240x64xf32, #tpu.memory_space<hbm>> -> memref<80x64xf32, #tpu.memory_space<hbm>>
          %dma_start3A_36 = arith.constant 0 : i32
          %dma_start3A_37 = tpu.memref_slice %arg3[%add3A_31, %dma_start3A_36] : memref<10240x64xf32, #tpu.memory_space<hbm>> -> memref<80x64xf32, #tpu.memory_space<hbm>>
          tpu.enqueue_dma source(%dma_start3A_37 : memref<80x64xf32, #tpu.memory_space<hbm>>) target(%arg13 : memref<80x64xf32, #tpu.memory_space<vmem>>) target_semaphore(%run_scoped3A : memref<!tpu.dma_semaphore, #tpu.memory_space<semaphore_mem>>)
          %dma_wait3A = arith.constant 0 : i32
          %dma_wait3A_38 = tpu.memref_slice %arg3[%add3A_31, %dma_wait3A] : memref<10240x64xf32, #tpu.memory_space<hbm>> -> memref<80x64xf32, #tpu.memory_space<hbm>>
          %dma_wait3A_39 = arith.constant 0 : i32
          %dma_wait3A_40 = tpu.memref_slice %arg3[%add3A_31, %dma_wait3A_39] : memref<10240x64xf32, #tpu.memory_space<hbm>> -> memref<80x64xf32, #tpu.memory_space<hbm>>
          tpu.wait_dma2 semaphore(%run_scoped3A : memref<!tpu.dma_semaphore, #tpu.memory_space<semaphore_mem>>) src(%dma_wait3A_40 : memref<80x64xf32, #tpu.memory_space<hbm>>) dst(%arg13 : memref<80x64xf32, #tpu.memory_space<vmem>>)
          tpu.yield
        }) : () -> ()
        %mul3A_32 = arith.constant 80 : i32
        %mul3A_33 = arith.muli %add3A_28, %mul3A_32 : i32
        %add3A_34 = arith.addi %mul3A_0, %mul3A_33 : i32
        "tpu.region"() ({
          %run_scoped3A = tpu.sem_alloc : memref<!tpu.dma_semaphore, #tpu.memory_space<semaphore_mem>>
          %dma_start3A = arith.constant 0 : i32
          %dma_start3A_35 = tpu.memref_slice %arg10[%add3A_34, %dma_start3A] : memref<10240x64xf32, #tpu.memory_space<vmem_shared>> -> memref<80x64xf32, #tpu.memory_space<vmem_shared>>
          %dma_start3A_36 = arith.constant 0 : i32
          %dma_start3A_37 = tpu.memref_slice %arg10[%add3A_34, %dma_start3A_36] : memref<10240x64xf32, #tpu.memory_space<vmem_shared>> -> memref<80x64xf32, #tpu.memory_space<vmem_shared>>
          tpu.enqueue_dma source(%arg13 : memref<80x64xf32, #tpu.memory_space<vmem>>) target(%dma_start3A_37 : memref<80x64xf32, #tpu.memory_space<vmem_shared>>) target_semaphore(%run_scoped3A : memref<!tpu.dma_semaphore, #tpu.memory_space<semaphore_mem>>)
          %dma_wait3A = arith.constant 0 : i32
          %dma_wait3A_38 = tpu.memref_slice %arg10[%add3A_34, %dma_wait3A] : memref<10240x64xf32, #tpu.memory_space<vmem_shared>> -> memref<80x64xf32, #tpu.memory_space<vmem_shared>>
          %dma_wait3A_39 = arith.constant 0 : i32
          %dma_wait3A_40 = tpu.memref_slice %arg10[%add3A_34, %dma_wait3A_39] : memref<10240x64xf32, #tpu.memory_space<vmem_shared>> -> memref<80x64xf32, #tpu.memory_space<vmem_shared>>
          tpu.wait_dma2 semaphore(%run_scoped3A : memref<!tpu.dma_semaphore, #tpu.memory_space<semaphore_mem>>) src(%arg13 : memref<80x64xf32, #tpu.memory_space<vmem>>) dst(%dma_wait3A_40 : memref<80x64xf32, #tpu.memory_space<vmem_shared>>)
          tpu.yield
        }) : () -> ()
      }
      %scan3A_11 = arith.constant 8 : i32
      %barrier3A = arith.constant 0 : index
      tpu.barrier barrier_id(%barrier3A)
      %mul3A_12 = arith.constant 20000 : i32
      %mul3A_13 = arith.muli %arg1, %mul3A_12 : i32
      %scan3A_14 = arith.constant 0 : i32
      %scan3A_15 = arith.constant 250 : i32
      %scan3A_16 = arith.addi %scan3A_14, %scan3A_15 : i32
      %scan3A_17 = arith.constant 1 : i32
      scf.for %scan3A_25 = %scan3A_14 to %scan3A_16 step %scan3A_17  : i32 {
        %mul3A_26 = arith.constant 1 : i32
        %mul3A_27 = arith.muli %scan3A_25, %mul3A_26 : i32
        %add3A = arith.constant 0 : i32
        %add3A_28 = arith.addi %add3A, %mul3A_27 : i32
        %mul3A_29 = arith.constant 80 : i32
        %mul3A_30 = arith.muli %add3A_28, %mul3A_29 : i32
        %add3A_31 = arith.addi %mul3A_13, %mul3A_30 : i32
        "tpu.region"() ({
          %run_scoped3A = tpu.sem_alloc : memref<!tpu.dma_semaphore, #tpu.memory_space<semaphore_mem>>
          %dma_start3A = tpu.memref_slice %arg6[%add3A_31] : memref<320000xi32, #tpu.memory_space<hbm>> -> memref<80xi32, #tpu.memory_space<hbm>>
          %dma_start3A_32 = tpu.memref_slice %arg6[%add3A_31] : memref<320000xi32, #tpu.memory_space<hbm>> -> memref<80xi32, #tpu.memory_space<hbm>>
          tpu.enqueue_dma source(%dma_start3A_32 : memref<80xi32, #tpu.memory_space<hbm>>) target(%arg11 : memref<80xi32, #tpu.memory_space<vmem>>) target_semaphore(%run_scoped3A : memref<!tpu.dma_semaphore, #tpu.memory_space<semaphore_mem>>)
          %dma_wait3A = tpu.memref_slice %arg6[%add3A_31] : memref<320000xi32, #tpu.memory_space<hbm>> -> memref<80xi32, #tpu.memory_space<hbm>>
          %dma_wait3A_33 = tpu.memref_slice %arg6[%add3A_31] : memref<320000xi32, #tpu.memory_space<hbm>> -> memref<80xi32, #tpu.memory_space<hbm>>
          tpu.wait_dma2 semaphore(%run_scoped3A : memref<!tpu.dma_semaphore, #tpu.memory_space<semaphore_mem>>) src(%dma_wait3A_33 : memref<80xi32, #tpu.memory_space<hbm>>) dst(%arg11 : memref<80xi32, #tpu.memory_space<vmem>>)
          tpu.yield
        }) : () -> ()
        "tpu.region"() ({
          %run_scoped3A = tpu.sem_alloc : memref<!tpu.dma_semaphore, #tpu.memory_space<semaphore_mem>>
          %dma_start3A = tpu.memref_slice %arg7[%add3A_31] : memref<320000xi32, #tpu.memory_space<hbm>> -> memref<80xi32, #tpu.memory_space<hbm>>
          %dma_start3A_32 = tpu.memref_slice %arg7[%add3A_31] : memref<320000xi32, #tpu.memory_space<hbm>> -> memref<80xi32, #tpu.memory_space<hbm>>
          tpu.enqueue_dma source(%dma_start3A_32 : memref<80xi32, #tpu.memory_space<hbm>>) target(%arg12 : memref<80xi32, #tpu.memory_space<vmem>>) target_semaphore(%run_scoped3A : memref<!tpu.dma_semaphore, #tpu.memory_space<semaphore_mem>>)
          %dma_wait3A = tpu.memref_slice %arg7[%add3A_31] : memref<320000xi32, #tpu.memory_space<hbm>> -> memref<80xi32, #tpu.memory_space<hbm>>
          %dma_wait3A_33 = tpu.memref_slice %arg7[%add3A_31] : memref<320000xi32, #tpu.memory_space<hbm>> -> memref<80xi32, #tpu.memory_space<hbm>>
          tpu.wait_dma2 semaphore(%run_scoped3A : memref<!tpu.dma_semaphore, #tpu.memory_space<semaphore_mem>>) src(%dma_wait3A_33 : memref<80xi32, #tpu.memory_space<hbm>>) dst(%arg12 : memref<80xi32, #tpu.memory_space<vmem>>)
          tpu.yield
        }) : () -> ()
        "tpu.region"() ({
          %run_scoped3A = tpu.sem_alloc : memref<!tpu.dma_semaphore, #tpu.memory_space<semaphore_mem>>
          %dma_start3A = arith.constant 0 : i32
          %dma_start3A_32 = arith.constant 0 : i32
          %dma_start3A_33 = tpu.memref_slice %arg3[%dma_start3A, %dma_start3A_32] : memref<10240x64xf32, #tpu.memory_space<hbm>> -> memref<10240x64xf32, #tpu.memory_space<hbm>>
          tpu.enqueue_indirect_dma source(%dma_start3A_33 : memref<10240x64xf32, #tpu.memory_space<hbm>>) target(%arg13 : memref<80x64xf32, #tpu.memory_space<vmem>>) offsets(%arg11 : memref<80xi32, #tpu.memory_space<vmem>>) semaphore(%run_scoped3A : memref<!tpu.dma_semaphore, #tpu.memory_space<semaphore_mem>>)
          %dma_wait3A = arith.constant 0 : i32
          %dma_wait3A_34 = arith.constant 0 : i32
          %dma_wait3A_35 = tpu.memref_slice %arg3[%dma_wait3A, %dma_wait3A_34] : memref<10240x64xf32, #tpu.memory_space<hbm>> -> memref<10240x64xf32, #tpu.memory_space<hbm>>
          tpu.wait_indirect_dma semaphore(%run_scoped3A : memref<!tpu.dma_semaphore, #tpu.memory_space<semaphore_mem>>) src(%dma_wait3A_35 : memref<10240x64xf32, #tpu.memory_space<hbm>>) dst(%arg13 : memref<80x64xf32, #tpu.memory_space<vmem>>)
          tpu.yield
        }) : () -> ()
        "tpu.region"() ({
          %run_scoped3A = tpu.sem_alloc : memref<!tpu.dma_semaphore, #tpu.memory_space<semaphore_mem>>
          %dma_start3A = arith.constant 0 : i32
          %dma_start3A_32 = arith.constant 0 : i32
          %dma_start3A_33 = tpu.memref_slice %arg10[%dma_start3A, %dma_start3A_32] : memref<10240x64xf32, #tpu.memory_space<vmem_shared>> -> memref<10240x64xf32, #tpu.memory_space<vmem_shared>>
          tpu.enqueue_indirect_dma source(%arg13 : memref<80x64xf32, #tpu.memory_space<vmem>>) target(%dma_start3A_33 : memref<10240x64xf32, #tpu.memory_space<vmem_shared>>) offsets(%arg12 : memref<80xi32, #tpu.memory_space<vmem>>) semaphore(%run_scoped3A : memref<!tpu.dma_semaphore, #tpu.memory_space<semaphore_mem>>) {add = true}
          %dma_wait3A = arith.constant 0 : i32
          %dma_wait3A_34 = arith.constant 0 : i32
          %dma_wait3A_35 = tpu.memref_slice %arg10[%dma_wait3A, %dma_wait3A_34] : memref<10240x64xf32, #tpu.memory_space<vmem_shared>> -> memref<10240x64xf32, #tpu.memory_space<vmem_shared>>
          tpu.wait_indirect_dma semaphore(%run_scoped3A : memref<!tpu.dma_semaphore, #tpu.memory_space<semaphore_mem>>) src(%arg13 : memref<80x64xf32, #tpu.memory_space<vmem>>) dst(%dma_wait3A_35 : memref<10240x64xf32, #tpu.memory_space<vmem_shared>>)
          tpu.yield
        }) : () -> ()
      }
      %scan3A_18 = arith.constant 250 : i32
      %barrier3A_19 = arith.constant 0 : index
      tpu.barrier barrier_id(%barrier3A_19)
      %scan3A_20 = arith.constant 0 : i32
      %scan3A_21 = arith.constant 8 : i32
      %scan3A_22 = arith.addi %scan3A_20, %scan3A_21 : i32
      %scan3A_23 = arith.constant 1 : i32
      scf.for %scan3A_25 = %scan3A_20 to %scan3A_22 step %scan3A_23  : i32 {
        %mul3A_26 = arith.constant 1 : i32
        %mul3A_27 = arith.muli %scan3A_25, %mul3A_26 : i32
        %add3A = arith.constant 0 : i32
        %add3A_28 = arith.addi %add3A, %mul3A_27 : i32
        %mul3A_29 = arith.constant 80 : i32
        %mul3A_30 = arith.muli %add3A_28, %mul3A_29 : i32
        %add3A_31 = arith.addi %mul3A_0, %mul3A_30 : i32
        "tpu.region"() ({
          %run_scoped3A = tpu.sem_alloc : memref<!tpu.dma_semaphore, #tpu.memory_space<semaphore_mem>>
          %dma_start3A = arith.constant 0 : i32
          %dma_start3A_35 = tpu.memref_slice %arg10[%add3A_31, %dma_start3A] : memref<10240x64xf32, #tpu.memory_space<vmem_shared>> -> memref<80x64xf32, #tpu.memory_space<vmem_shared>>
          %dma_start3A_36 = arith.constant 0 : i32
          %dma_start3A_37 = tpu.memref_slice %arg10[%add3A_31, %dma_start3A_36] : memref<10240x64xf32, #tpu.memory_space<vmem_shared>> -> memref<80x64xf32, #tpu.memory_space<vmem_shared>>
          tpu.enqueue_dma source(%dma_start3A_37 : memref<80x64xf32, #tpu.memory_space<vmem_shared>>) target(%arg13 : memref<80x64xf32, #tpu.memory_space<vmem>>) target_semaphore(%run_scoped3A : memref<!tpu.dma_semaphore, #tpu.memory_space<semaphore_mem>>)
          %dma_wait3A = arith.constant 0 : i32
          %dma_wait3A_38 = tpu.memref_slice %arg10[%add3A_31, %dma_wait3A] : memref<10240x64xf32, #tpu.memory_space<vmem_shared>> -> memref<80x64xf32, #tpu.memory_space<vmem_shared>>
          %dma_wait3A_39 = arith.constant 0 : i32
          %dma_wait3A_40 = tpu.memref_slice %arg10[%add3A_31, %dma_wait3A_39] : memref<10240x64xf32, #tpu.memory_space<vmem_shared>> -> memref<80x64xf32, #tpu.memory_space<vmem_shared>>
          tpu.wait_dma2 semaphore(%run_scoped3A : memref<!tpu.dma_semaphore, #tpu.memory_space<semaphore_mem>>) src(%dma_wait3A_40 : memref<80x64xf32, #tpu.memory_space<vmem_shared>>) dst(%arg13 : memref<80x64xf32, #tpu.memory_space<vmem>>)
          tpu.yield
        }) : () -> ()
        %mul3A_32 = arith.constant 80 : i32
        %mul3A_33 = arith.muli %add3A_28, %mul3A_32 : i32
        %add3A_34 = arith.addi %mul3A_0, %mul3A_33 : i32
        "tpu.region"() ({
          %run_scoped3A = tpu.sem_alloc : memref<!tpu.dma_semaphore, #tpu.memory_space<semaphore_mem>>
          %dma_start3A = arith.constant 0 : i32
          %dma_start3A_35 = tpu.memref_slice %arg9[%add3A_34, %dma_start3A] : memref<10240x64xf32, #tpu.memory_space<hbm>> -> memref<80x64xf32, #tpu.memory_space<hbm>>
          %dma_start3A_36 = arith.constant 0 : i32
          %dma_start3A_37 = tpu.memref_slice %arg9[%add3A_34, %dma_start3A_36] : memref<10240x64xf32, #tpu.memory_space<hbm>> -> memref<80x64xf32, #tpu.memory_space<hbm>>
          tpu.enqueue_dma source(%arg13 : memref<80x64xf32, #tpu.memory_space<vmem>>) target(%dma_start3A_37 : memref<80x64xf32, #tpu.memory_space<hbm>>) target_semaphore(%run_scoped3A : memref<!tpu.dma_semaphore, #tpu.memory_space<semaphore_mem>>)
          %dma_wait3A = arith.constant 0 : i32
          %dma_wait3A_38 = tpu.memref_slice %arg9[%add3A_34, %dma_wait3A] : memref<10240x64xf32, #tpu.memory_space<hbm>> -> memref<80x64xf32, #tpu.memory_space<hbm>>
          %dma_wait3A_39 = arith.constant 0 : i32
          %dma_wait3A_40 = tpu.memref_slice %arg9[%add3A_34, %dma_wait3A_39] : memref<10240x64xf32, #tpu.memory_space<hbm>> -> memref<80x64xf32, #tpu.memory_space<hbm>>
          tpu.wait_dma2 semaphore(%run_scoped3A : memref<!tpu.dma_semaphore, #tpu.memory_space<semaphore_mem>>) src(%arg13 : memref<80x64xf32, #tpu.memory_space<vmem>>) dst(%dma_wait3A_40 : memref<80x64xf32, #tpu.memory_space<hbm>>)
          tpu.yield
        }) : () -> ()
      }
      %scan3A_24 = arith.constant 8 : i32
    } else {
    }
    return
  }
}

module attributes {stable_mosaic.version = 14 : i64} {
  func.func @_tc_a_body(%arg0: i32, %arg1: memref<1280x128xf32, #tpu.memory_space<vmem>>, %arg2: memref<1280x16xf32, #tpu.memory_space<vmem>>, %arg3: memref<1280x16xf32, #tpu.memory_space<vmem>>, %arg4: memref<128x128xf32, #tpu.memory_space<vmem>>, %arg5: memref<128x128xf32, #tpu.memory_space<vmem>>, %arg6: memref<1x128xf32, #tpu.memory_space<vmem>>, %arg7: memref<1x128xf32, #tpu.memory_space<vmem>>, %arg8: memref<1280x128xf32, #tpu.memory_space<vmem>>, %arg9: memref<1280x128xf32, #tpu.memory_space<vmem>>) attributes {dimension_semantics = [#tpu.dimension_semantics<arbitrary>], iteration_bounds = array<i64: 8>, scalar_prefetch = 0 : i64, scratch_operands = 0 : i64, tpu.core_type = #tpu.core_type<tc>, window_params = [{transform_indices = @transform_0, window_bounds = array<i64: 1280, 128>}, {transform_indices = @transform_1, window_bounds = array<i64: 1280, 16>}, {transform_indices = @transform_2, window_bounds = array<i64: 1280, 16>}, {pipeline_mode = #tpu.pipeline_mode<synchronous>, transform_indices = @transform_3, window_bounds = array<i64: 128, 128>}, {pipeline_mode = #tpu.pipeline_mode<synchronous>, transform_indices = @transform_4, window_bounds = array<i64: 128, 128>}, {pipeline_mode = #tpu.pipeline_mode<synchronous>, transform_indices = @transform_5, window_bounds = array<i64: 1, 128>}, {pipeline_mode = #tpu.pipeline_mode<synchronous>, transform_indices = @transform_6, window_bounds = array<i64: 1, 128>}, {transform_indices = @transform_7, window_bounds = array<i64: 1280, 128>}, {transform_indices = @transform_8, window_bounds = array<i64: 1280, 128>}]} {
    %get3A = arith.constant 0 : index
    %get3A_0 = arith.constant 0 : index
    %get3A_1 = vector.load %arg2[%get3A, %get3A_0] : memref<1280x16xf32, #tpu.memory_space<vmem>>, vector<1280x16xf32>
    %slice3A = vector.extract_strided_slice %get3A_1 {offsets = [0, 0], sizes = [1280, 1], strides = [1, 1]} : vector<1280x16xf32> to vector<1280x1xf32>
    %add3A = arith.constant 1.000000e+00 : f32
    %add3A_2 = vector.broadcast %add3A : f32 to vector<1280x1xf32>
    %add3A_3 = arith.addf %slice3A, %add3A_2 : vector<1280x1xf32>
    %rsqrt3A = math.rsqrt %add3A_3 : vector<1280x1xf32>
    %get3A_4 = arith.constant 0 : index
    %get3A_5 = arith.constant 0 : index
    %get3A_6 = vector.load %arg3[%get3A_4, %get3A_5] : memref<1280x16xf32, #tpu.memory_space<vmem>>, vector<1280x16xf32>
    %slice3A_7 = vector.extract_strided_slice %get3A_6 {offsets = [0, 0], sizes = [1280, 1], strides = [1, 1]} : vector<1280x16xf32> to vector<1280x1xf32>
    %add3A_8 = arith.constant 1.000000e+00 : f32
    %add3A_9 = vector.broadcast %add3A_8 : f32 to vector<1280x1xf32>
    %add3A_10 = arith.addf %slice3A_7, %add3A_9 : vector<1280x1xf32>
    %rsqrt3A_11 = math.rsqrt %add3A_10 : vector<1280x1xf32>
    %get3A_12 = arith.constant 0 : index
    %get3A_13 = arith.constant 0 : index
    %get3A_14 = vector.load %arg1[%get3A_12, %get3A_13] : memref<1280x128xf32, #tpu.memory_space<vmem>>, vector<1280x128xf32>
    %get3A_15 = arith.constant 0 : index
    %get3A_16 = arith.constant 0 : index
    %get3A_17 = vector.load %arg4[%get3A_15, %get3A_16] : memref<128x128xf32, #tpu.memory_space<vmem>>, vector<128x128xf32>
    %dot_general3A = arith.constant dense<0.000000e+00> : vector<1280x128xf32>
    %dot_general3A_18 = tpu.matmul %get3A_14, %get3A_17, %dot_general3A {dimension_numbers = #tpu.dot_dimension_numbers<[1], [0], [0], [1], [0, 0, 1, 1], [], []>, transpose_lhs_hint = false} : vector<1280x128xf32>, vector<128x128xf32>, vector<1280x128xf32> -> vector<1280x128xf32>
    %get3A_19 = arith.constant 0 : index
    %get3A_20 = arith.constant 0 : index
    %get3A_21 = vector.load %arg6[%get3A_19, %get3A_20] : memref<1x128xf32, #tpu.memory_space<vmem>>, vector<1x128xf32>
    %add3A_22 = vector.broadcast %get3A_21 : vector<1x128xf32> to vector<1280x128xf32>
    %add3A_23 = arith.addf %dot_general3A_18, %add3A_22 : vector<1280x128xf32>
    %mul3A = vector.broadcast %rsqrt3A : vector<1280x1xf32> to vector<1280x128xf32>
    %mul3A_24 = arith.mulf %add3A_23, %mul3A : vector<1280x128xf32>
    %swap3A = arith.constant 0 : index
    %swap3A_25 = arith.constant 0 : index
    %swap3A_26 = vector.load %arg8[%swap3A, %swap3A_25] : memref<1280x128xf32, #tpu.memory_space<vmem>>, vector<1280x128xf32>
    tpu.vector_store %arg8[%swap3A, %swap3A_25], %mul3A_24 {strides = array<i32>} : memref<1280x128xf32, #tpu.memory_space<vmem>>, vector<1280x128xf32>,
    %get3A_27 = arith.constant 0 : index
    %get3A_28 = arith.constant 0 : index
    %get3A_29 = vector.load %arg5[%get3A_27, %get3A_28] : memref<128x128xf32, #tpu.memory_space<vmem>>, vector<128x128xf32>
    %dot_general3A_30 = arith.constant dense<0.000000e+00> : vector<1280x128xf32>
    %dot_general3A_31 = tpu.matmul %get3A_14, %get3A_29, %dot_general3A_30 {dimension_numbers = #tpu.dot_dimension_numbers<[1], [0], [0], [1], [0, 0, 1, 1], [], []>, transpose_lhs_hint = false} : vector<1280x128xf32>, vector<128x128xf32>, vector<1280x128xf32> -> vector<1280x128xf32>
    %get3A_32 = arith.constant 0 : index
    %get3A_33 = arith.constant 0 : index
    %get3A_34 = vector.load %arg7[%get3A_32, %get3A_33] : memref<1x128xf32, #tpu.memory_space<vmem>>, vector<1x128xf32>
    %add3A_35 = vector.broadcast %get3A_34 : vector<1x128xf32> to vector<1280x128xf32>
    %add3A_36 = arith.addf %dot_general3A_31, %add3A_35 : vector<1280x128xf32>
    %mul3A_37 = vector.broadcast %rsqrt3A_11 : vector<1280x1xf32> to vector<1280x128xf32>
    %mul3A_38 = arith.mulf %add3A_36, %mul3A_37 : vector<1280x128xf32>
    %swap3A_39 = arith.constant 0 : index
    %swap3A_40 = arith.constant 0 : index
    %swap3A_41 = vector.load %arg9[%swap3A_39, %swap3A_40] : memref<1280x128xf32, #tpu.memory_space<vmem>>, vector<1280x128xf32>
    tpu.vector_store %arg9[%swap3A_39, %swap3A_40], %mul3A_38 {strides = array<i32>} : memref<1280x128xf32, #tpu.memory_space<vmem>>, vector<1280x128xf32>,
    return
  }
  func.func @transform_0(%arg0: i32) -> (i32, i32) {
    %c0_i32 = arith.constant 0 : i32
    %c0_i32_0 = arith.constant 0 : i32
    return %arg0, %c0_i32 : i32, i32
  }
  func.func @transform_1(%arg0: i32) -> (i32, i32) {
    %c0_i32 = arith.constant 0 : i32
    %c0_i32_0 = arith.constant 0 : i32
    return %arg0, %c0_i32 : i32, i32
  }
  func.func @transform_2(%arg0: i32) -> (i32, i32) {
    %c0_i32 = arith.constant 0 : i32
    %c0_i32_0 = arith.constant 0 : i32
    return %arg0, %c0_i32 : i32, i32
  }
  func.func @transform_3(%arg0: i32) -> (i32, i32) {
    %c0_i32 = arith.constant 0 : i32
    %c0_i32_0 = arith.constant 0 : i32
    %c0_i32_1 = arith.constant 0 : i32
    return %c0_i32, %c0_i32_0 : i32, i32
  }
  func.func @transform_4(%arg0: i32) -> (i32, i32) {
    %c0_i32 = arith.constant 0 : i32
    %c0_i32_0 = arith.constant 0 : i32
    %c0_i32_1 = arith.constant 0 : i32
    return %c0_i32, %c0_i32_0 : i32, i32
  }
  func.func @transform_5(%arg0: i32) -> (i32, i32) {
    %c0_i32 = arith.constant 0 : i32
    %c0_i32_0 = arith.constant 0 : i32
    %c0_i32_1 = arith.constant 0 : i32
    return %c0_i32, %c0_i32_0 : i32, i32
  }
  func.func @transform_6(%arg0: i32) -> (i32, i32) {
    %c0_i32 = arith.constant 0 : i32
    %c0_i32_0 = arith.constant 0 : i32
    %c0_i32_1 = arith.constant 0 : i32
    return %c0_i32, %c0_i32_0 : i32, i32
  }
  func.func @transform_7(%arg0: i32) -> (i32, i32) {
    %c0_i32 = arith.constant 0 : i32
    %c0_i32_0 = arith.constant 0 : i32
    return %arg0, %c0_i32 : i32, i32
  }
  func.func @transform_8(%arg0: i32) -> (i32, i32) {
    %c0_i32 = arith.constant 0 : i32
    %c0_i32_0 = arith.constant 0 : i32
    return %arg0, %c0_i32 : i32, i32
  }
}

module attributes {stable_mosaic.version = 14 : i64} {
  func.func @_tc_b_body(%arg0: i32, %arg1: memref<1280x128xf32, #tpu.memory_space<vmem>>, %arg2: memref<1280x128xf32, #tpu.memory_space<vmem>>, %arg3: memref<1280x16xf32, #tpu.memory_space<vmem>>, %arg4: memref<1280x16xf32, #tpu.memory_space<vmem>>, %arg5: memref<128x64xf32, #tpu.memory_space<vmem>>, %arg6: memref<128x64xf32, #tpu.memory_space<vmem>>, %arg7: memref<1x64xf32, #tpu.memory_space<vmem>>, %arg8: memref<1x64xf32, #tpu.memory_space<vmem>>, %arg9: memref<1280x64xf32, #tpu.memory_space<vmem>>, %arg10: memref<1280x64xf32, #tpu.memory_space<vmem>>) attributes {dimension_semantics = [#tpu.dimension_semantics<arbitrary>], iteration_bounds = array<i64: 8>, scalar_prefetch = 0 : i64, scratch_operands = 0 : i64, tpu.core_type = #tpu.core_type<tc>, window_params = [{transform_indices = @transform_0, window_bounds = array<i64: 1280, 128>}, {transform_indices = @transform_1, window_bounds = array<i64: 1280, 128>}, {transform_indices = @transform_2, window_bounds = array<i64: 1280, 16>}, {transform_indices = @transform_3, window_bounds = array<i64: 1280, 16>}, {pipeline_mode = #tpu.pipeline_mode<synchronous>, transform_indices = @transform_4, window_bounds = array<i64: 128, 64>}, {pipeline_mode = #tpu.pipeline_mode<synchronous>, transform_indices = @transform_5, window_bounds = array<i64: 128, 64>}, {pipeline_mode = #tpu.pipeline_mode<synchronous>, transform_indices = @transform_6, window_bounds = array<i64: 1, 64>}, {pipeline_mode = #tpu.pipeline_mode<synchronous>, transform_indices = @transform_7, window_bounds = array<i64: 1, 64>}, {transform_indices = @transform_8, window_bounds = array<i64: 1280, 64>}, {transform_indices = @transform_9, window_bounds = array<i64: 1280, 64>}]} {
    %get3A = arith.constant 0 : index
    %get3A_0 = arith.constant 0 : index
    %get3A_1 = vector.load %arg3[%get3A, %get3A_0] : memref<1280x16xf32, #tpu.memory_space<vmem>>, vector<1280x16xf32>
    %slice3A = vector.extract_strided_slice %get3A_1 {offsets = [0, 0], sizes = [1280, 1], strides = [1, 1]} : vector<1280x16xf32> to vector<1280x1xf32>
    %add3A = arith.constant 1.000000e+00 : f32
    %add3A_2 = vector.broadcast %add3A : f32 to vector<1280x1xf32>
    %add3A_3 = arith.addf %slice3A, %add3A_2 : vector<1280x1xf32>
    %rsqrt3A = math.rsqrt %add3A_3 : vector<1280x1xf32>
    %get3A_4 = arith.constant 0 : index
    %get3A_5 = arith.constant 0 : index
    %get3A_6 = vector.load %arg4[%get3A_4, %get3A_5] : memref<1280x16xf32, #tpu.memory_space<vmem>>, vector<1280x16xf32>
    %slice3A_7 = vector.extract_strided_slice %get3A_6 {offsets = [0, 0], sizes = [1280, 1], strides = [1, 1]} : vector<1280x16xf32> to vector<1280x1xf32>
    %add3A_8 = arith.constant 1.000000e+00 : f32
    %add3A_9 = vector.broadcast %add3A_8 : f32 to vector<1280x1xf32>
    %add3A_10 = arith.addf %slice3A_7, %add3A_9 : vector<1280x1xf32>
    %rsqrt3A_11 = math.rsqrt %add3A_10 : vector<1280x1xf32>
    %get3A_12 = arith.constant 0 : index
    %get3A_13 = arith.constant 0 : index
    %get3A_14 = vector.load %arg1[%get3A_12, %get3A_13] : memref<1280x128xf32, #tpu.memory_space<vmem>>, vector<1280x128xf32>
    %mul3A = vector.broadcast %rsqrt3A : vector<1280x1xf32> to vector<1280x128xf32>
    %mul3A_15 = arith.mulf %get3A_14, %mul3A : vector<1280x128xf32>
    %get3A_16 = arith.constant 0 : index
    %get3A_17 = arith.constant 0 : index
    %get3A_18 = vector.load %arg2[%get3A_16, %get3A_17] : memref<1280x128xf32, #tpu.memory_space<vmem>>, vector<1280x128xf32>
    %mul3A_19 = vector.broadcast %rsqrt3A_11 : vector<1280x1xf32> to vector<1280x128xf32>
    %mul3A_20 = arith.mulf %get3A_18, %mul3A_19 : vector<1280x128xf32>
    %sub3A = arith.subf %mul3A_15, %mul3A_20 : vector<1280x128xf32>
    %max3A = arith.constant 0.000000e+00 : f32
    %max3A_21 = vector.broadcast %max3A : f32 to vector<1280x128xf32>
    %max3A_22 = arith.maximumf %sub3A, %max3A_21 : vector<1280x128xf32>
    %get3A_23 = arith.constant 0 : index
    %get3A_24 = arith.constant 0 : index
    %get3A_25 = vector.load %arg5[%get3A_23, %get3A_24] : memref<128x64xf32, #tpu.memory_space<vmem>>, vector<128x64xf32>
    %dot_general3A = arith.constant dense<0.000000e+00> : vector<1280x64xf32>
    %dot_general3A_26 = tpu.matmul %max3A_22, %get3A_25, %dot_general3A {dimension_numbers = #tpu.dot_dimension_numbers<[1], [0], [0], [1], [0, 0, 1, 1], [], []>, transpose_lhs_hint = false} : vector<1280x128xf32>, vector<128x64xf32>, vector<1280x64xf32> -> vector<1280x64xf32>
    %get3A_27 = arith.constant 0 : index
    %get3A_28 = arith.constant 0 : index
    %get3A_29 = vector.load %arg7[%get3A_27, %get3A_28] : memref<1x64xf32, #tpu.memory_space<vmem>>, vector<1x64xf32>
    %add3A_30 = vector.broadcast %get3A_29 : vector<1x64xf32> to vector<1280x64xf32>
    %add3A_31 = arith.addf %dot_general3A_26, %add3A_30 : vector<1280x64xf32>
    %mul3A_32 = vector.broadcast %rsqrt3A : vector<1280x1xf32> to vector<1280x64xf32>
    %mul3A_33 = arith.mulf %add3A_31, %mul3A_32 : vector<1280x64xf32>
    %swap3A = arith.constant 0 : index
    %swap3A_34 = arith.constant 0 : index
    %swap3A_35 = vector.load %arg9[%swap3A, %swap3A_34] : memref<1280x64xf32, #tpu.memory_space<vmem>>, vector<1280x64xf32>
    tpu.vector_store %arg9[%swap3A, %swap3A_34], %mul3A_33 {strides = array<i32>} : memref<1280x64xf32, #tpu.memory_space<vmem>>, vector<1280x64xf32>,
    %get3A_36 = arith.constant 0 : index
    %get3A_37 = arith.constant 0 : index
    %get3A_38 = vector.load %arg6[%get3A_36, %get3A_37] : memref<128x64xf32, #tpu.memory_space<vmem>>, vector<128x64xf32>
    %dot_general3A_39 = arith.constant dense<0.000000e+00> : vector<1280x64xf32>
    %dot_general3A_40 = tpu.matmul %max3A_22, %get3A_38, %dot_general3A_39 {dimension_numbers = #tpu.dot_dimension_numbers<[1], [0], [0], [1], [0, 0, 1, 1], [], []>, transpose_lhs_hint = false} : vector<1280x128xf32>, vector<128x64xf32>, vector<1280x64xf32> -> vector<1280x64xf32>
    %get3A_41 = arith.constant 0 : index
    %get3A_42 = arith.constant 0 : index
    %get3A_43 = vector.load %arg8[%get3A_41, %get3A_42] : memref<1x64xf32, #tpu.memory_space<vmem>>, vector<1x64xf32>
    %add3A_44 = vector.broadcast %get3A_43 : vector<1x64xf32> to vector<1280x64xf32>
    %add3A_45 = arith.addf %dot_general3A_40, %add3A_44 : vector<1280x64xf32>
    %mul3A_46 = vector.broadcast %rsqrt3A_11 : vector<1280x1xf32> to vector<1280x64xf32>
    %mul3A_47 = arith.mulf %add3A_45, %mul3A_46 : vector<1280x64xf32>
    %swap3A_48 = arith.constant 0 : index
    %swap3A_49 = arith.constant 0 : index
    %swap3A_50 = vector.load %arg10[%swap3A_48, %swap3A_49] : memref<1280x64xf32, #tpu.memory_space<vmem>>, vector<1280x64xf32>
    tpu.vector_store %arg10[%swap3A_48, %swap3A_49], %mul3A_47 {strides = array<i32>} : memref<1280x64xf32, #tpu.memory_space<vmem>>, vector<1280x64xf32>,
    return
  }
  func.func @transform_0(%arg0: i32) -> (i32, i32) {
    %c0_i32 = arith.constant 0 : i32
    %c0_i32_0 = arith.constant 0 : i32
    return %arg0, %c0_i32 : i32, i32
  }
  func.func @transform_1(%arg0: i32) -> (i32, i32) {
    %c0_i32 = arith.constant 0 : i32
    %c0_i32_0 = arith.constant 0 : i32
    return %arg0, %c0_i32 : i32, i32
  }
  func.func @transform_2(%arg0: i32) -> (i32, i32) {
    %c0_i32 = arith.constant 0 : i32
    %c0_i32_0 = arith.constant 0 : i32
    return %arg0, %c0_i32 : i32, i32
  }
  func.func @transform_3(%arg0: i32) -> (i32, i32) {
    %c0_i32 = arith.constant 0 : i32
    %c0_i32_0 = arith.constant 0 : i32
    return %arg0, %c0_i32 : i32, i32
  }
  func.func @transform_4(%arg0: i32) -> (i32, i32) {
    %c0_i32 = arith.constant 0 : i32
    %c0_i32_0 = arith.constant 0 : i32
    %c0_i32_1 = arith.constant 0 : i32
    return %c0_i32, %c0_i32_0 : i32, i32
  }
  func.func @transform_5(%arg0: i32) -> (i32, i32) {
    %c0_i32 = arith.constant 0 : i32
    %c0_i32_0 = arith.constant 0 : i32
    %c0_i32_1 = arith.constant 0 : i32
    return %c0_i32, %c0_i32_0 : i32, i32
  }
  func.func @transform_6(%arg0: i32) -> (i32, i32) {
    %c0_i32 = arith.constant 0 : i32
    %c0_i32_0 = arith.constant 0 : i32
    %c0_i32_1 = arith.constant 0 : i32
    return %c0_i32, %c0_i32_0 : i32, i32
  }
  func.func @transform_7(%arg0: i32) -> (i32, i32) {
    %c0_i32 = arith.constant 0 : i32
    %c0_i32_0 = arith.constant 0 : i32
    %c0_i32_1 = arith.constant 0 : i32
    return %c0_i32, %c0_i32_0 : i32, i32
  }
  func.func @transform_8(%arg0: i32) -> (i32, i32) {
    %c0_i32 = arith.constant 0 : i32
    %c0_i32_0 = arith.constant 0 : i32
    return %arg0, %c0_i32 : i32, i32
  }
  func.func @transform_9(%arg0: i32) -> (i32, i32) {
    %c0_i32 = arith.constant 0 : i32
    %c0_i32_0 = arith.constant 0 : i32
    return %arg0, %c0_i32 : i32, i32
  }
}

module attributes {stable_mosaic.version = 14 : i64} {
  func.func @_tc_c_body(%arg0: i32, %arg1: memref<1280x64xf32, #tpu.memory_space<vmem>>, %arg2: memref<1280x64xf32, #tpu.memory_space<vmem>>, %arg3: memref<1280x16xf32, #tpu.memory_space<vmem>>, %arg4: memref<1280x16xf32, #tpu.memory_space<vmem>>, %arg5: memref<1280x64xf32, #tpu.memory_space<vmem>>) attributes {dimension_semantics = [#tpu.dimension_semantics<arbitrary>], iteration_bounds = array<i64: 8>, scalar_prefetch = 0 : i64, scratch_operands = 0 : i64, tpu.core_type = #tpu.core_type<tc>, window_params = [{transform_indices = @transform_0, window_bounds = array<i64: 1280, 64>}, {transform_indices = @transform_1, window_bounds = array<i64: 1280, 64>}, {transform_indices = @transform_2, window_bounds = array<i64: 1280, 16>}, {transform_indices = @transform_3, window_bounds = array<i64: 1280, 16>}, {transform_indices = @transform_4, window_bounds = array<i64: 1280, 64>}]} {
    %get3A = arith.constant 0 : index
    %get3A_0 = arith.constant 0 : index
    %get3A_1 = vector.load %arg3[%get3A, %get3A_0] : memref<1280x16xf32, #tpu.memory_space<vmem>>, vector<1280x16xf32>
    %slice3A = vector.extract_strided_slice %get3A_1 {offsets = [0, 0], sizes = [1280, 1], strides = [1, 1]} : vector<1280x16xf32> to vector<1280x1xf32>
    %add3A = arith.constant 1.000000e+00 : f32
    %add3A_2 = vector.broadcast %add3A : f32 to vector<1280x1xf32>
    %add3A_3 = arith.addf %slice3A, %add3A_2 : vector<1280x1xf32>
    %rsqrt3A = math.rsqrt %add3A_3 : vector<1280x1xf32>
    %get3A_4 = arith.constant 0 : index
    %get3A_5 = arith.constant 0 : index
    %get3A_6 = vector.load %arg4[%get3A_4, %get3A_5] : memref<1280x16xf32, #tpu.memory_space<vmem>>, vector<1280x16xf32>
    %slice3A_7 = vector.extract_strided_slice %get3A_6 {offsets = [0, 0], sizes = [1280, 1], strides = [1, 1]} : vector<1280x16xf32> to vector<1280x1xf32>
    %add3A_8 = arith.constant 1.000000e+00 : f32
    %add3A_9 = vector.broadcast %add3A_8 : f32 to vector<1280x1xf32>
    %add3A_10 = arith.addf %slice3A_7, %add3A_9 : vector<1280x1xf32>
    %rsqrt3A_11 = math.rsqrt %add3A_10 : vector<1280x1xf32>
    %get3A_12 = arith.constant 0 : index
    %get3A_13 = arith.constant 0 : index
    %get3A_14 = vector.load %arg1[%get3A_12, %get3A_13] : memref<1280x64xf32, #tpu.memory_space<vmem>>, vector<1280x64xf32>
    %mul3A = vector.broadcast %rsqrt3A : vector<1280x1xf32> to vector<1280x64xf32>
    %mul3A_15 = arith.mulf %get3A_14, %mul3A : vector<1280x64xf32>
    %get3A_16 = arith.constant 0 : index
    %get3A_17 = arith.constant 0 : index
    %get3A_18 = vector.load %arg2[%get3A_16, %get3A_17] : memref<1280x64xf32, #tpu.memory_space<vmem>>, vector<1280x64xf32>
    %mul3A_19 = vector.broadcast %rsqrt3A_11 : vector<1280x1xf32> to vector<1280x64xf32>
    %mul3A_20 = arith.mulf %get3A_18, %mul3A_19 : vector<1280x64xf32>
    %sub3A = arith.subf %mul3A_15, %mul3A_20 : vector<1280x64xf32>
    %swap3A = arith.constant 0 : index
    %swap3A_21 = arith.constant 0 : index
    %swap3A_22 = vector.load %arg5[%swap3A, %swap3A_21] : memref<1280x64xf32, #tpu.memory_space<vmem>>, vector<1280x64xf32>
    tpu.vector_store %arg5[%swap3A, %swap3A_21], %sub3A {strides = array<i32>} : memref<1280x64xf32, #tpu.memory_space<vmem>>, vector<1280x64xf32>,
    return
  }
  func.func @transform_0(%arg0: i32) -> (i32, i32) {
    %c0_i32 = arith.constant 0 : i32
    %c0_i32_0 = arith.constant 0 : i32
    return %arg0, %c0_i32 : i32, i32
  }
  func.func @transform_1(%arg0: i32) -> (i32, i32) {
    %c0_i32 = arith.constant 0 : i32
    %c0_i32_0 = arith.constant 0 : i32
    return %arg0, %c0_i32 : i32, i32
  }
  func.func @transform_2(%arg0: i32) -> (i32, i32) {
    %c0_i32 = arith.constant 0 : i32
    %c0_i32_0 = arith.constant 0 : i32
    return %arg0, %c0_i32 : i32, i32
  }
  func.func @transform_3(%arg0: i32) -> (i32, i32) {
    %c0_i32 = arith.constant 0 : i32
    %c0_i32_0 = arith.constant 0 : i32
    return %arg0, %c0_i32 : i32, i32
  }
  func.func @transform_4(%arg0: i32) -> (i32, i32) {
    %c0_i32 = arith.constant 0 : i32
    %c0_i32_0 = arith.constant 0 : i32
    return %arg0, %c0_i32 : i32, i32
  }
}

</mosaic_0001>

<sc_bundles>
// kernel: kernel.11.cloned.1.call-start
scs
__scs_entry_jumppad:
0x0: {  	(pc) =	sbr.rel $0x88, $3  }
0x1: {  	(tag) =	ssettag $0x0;
	lr =	simm.s32 $0x1  }
0x2: {  	[smem:$0x3F96] =	sst lr;
	_ =	strace $0xD0000000  }
0x3: {  	_ = 	snop  }
0x4: {  	_ = 	snop  }
0x5: {  	_ = 	snop  }
0x6: {  	_ = 	snop  }
0x7: {  	_ = 	snop  }
__scs_overlays_trampoline_lowered:
0x8: {  	[smem:$0x3FA5] =	sst s0  }
0x9: {  	[smem:$0x3FA6] =	sst s1  }
0xa: {  	[smem:$0x3FA7] =	sst s2  }
0xb: {  	[smem:$0x3FA8] =	sst s3  }
0xc: {  	[smem:$0x3FA9] =	sst s4  }
0xd: {  	[smem:$0x3FAA] =	sst s5  }
0xe: {  	[smem:$0x3FAB] =	sst s6  }
0xf: {  	[smem:$0x3FAC] =	sst s7  }
0x10: {  	[smem:$0x3FAD] =	sst s8  }
0x11: {  	[smem:$0x3FAE] =	sst s9;
	s0 =	simm.s32 @!p0 $0x0  }
0x12: {  	s1 =	sld [smem:$0x3F94];
	s0 =	simm.s32 @p0 $0x1  }
0x13: {  	[smem:$0x3FAF] =	sst s0;
	s0 =	simm.s32 @!p1 $0x0  }
0x14: {  	s2 =	sld [smem:$0x3F93];
	s0 =	simm.s32 @p1 $0x1  }
0x15: {  	[smem:$0x3FB0] =	sst s0;
	s0 =	simm.s32 @!p2 $0x0  }
0x16: {  	s3 =	sld [smem:$0x3FDB];
	s0 =	simm.s32 @p2 $0x1  }
0x17: {  	s4 =	simm.s32 $0x1BF5;
	[smem:$0x3FB2] =	sst s0  }
0x18: {  	s0 =	sld [smem:$0x3F95];
	_ =	swait.ge [sflag:s4], $0x0  }
0x19: {  	s7 =	sld [smem:$0x3F96]  }
0x1a: {  	s8 =	sadd.s32 $0xFFFFE003, lr  }
0x1b: {  	s9 =	sadd.s32 $0xFFFFFEF7, lr;
	s5 =	simm.s32 $0xFFFFFFFF;
	p2 =	slt.u32 s8, $0xFFFFF086  }
0x1c: {  	p1 =	slt.u32 s9, $0xF7A;
	s5 =	simm.s32 @!p2 $0x0  }
0x1d: {  	s5 =	simm.s32 @p1 $0x1;
	p0 =	seq.s32 s7, s2  }
0x1e: {  	s7 =	smul.u32 @!p0 $0xF7A, s2;
	p2 =	seq.s32 @!p0 s5, $0x0  }
0x1f: {  	s9 =	smul.u32 $0xF7A, s1;
	s8 =	simm.s32 @!p0 $0x1BF5;
	p2 =	por !p2, p0  }
0x20: {  	[sflag:s8] =	ssyncset.s32 @!p0 $0xFFFFF086;
	s6 =	sadd.s32 @!p0 s3, s7;
	s7 =	simm.s32 @!p0 $0x108  }
0x21: {  	s3 =	sadd.s32 s3, s9;
	s6 =	sadd.s32 @!p0 $0x88, s6;
	s7 =	simm.s32 @p2 $0x1082  }
0x22: {  	[simem:s7], [sflag:s8] =	dma.local @!p0 [hbm:s6], $0xF7A  }
0x23: {  	s9 =	sor.u32 $0xD0000000, s2;
	s6 =	simm.s32 $0x108;
	_ =	swait.ge @!p0 [sflag:s8], $0x0  }
0x24: {  	s3 =	sadd.s32 $0x88, s3;
	s6 =	simm.s32 @!p1 $0x1082;
	[sflag:s4] =	ssyncset.s32 $0xFFFFF086  }
0x25: {  	[simem:s6], [sflag:s4] =	dma.local [hbm:s3], $0xF7A  }
0x26: {  	[smem:$0x3F96] =	sst s1;
	(tag) =	ssettag s2;
	_ =	strace s9  }
0x27: {  	s1 =	sld [smem:$0x3FA6]  }
0x28: {  	s2 =	sld [smem:$0x3FA7]  }
0x29: {  	s4 =	sld [smem:$0x3FA9]  }
0x2a: {  	p0 =	seq.s32 s5, $0x0;
	s5 =	sld [smem:$0x3FAA]  }
0x2b: {  	s6 =	sld [smem:$0x3FAB]  }
0x2c: {  	s7 =	sld [smem:$0x3FAC]  }
0x2d: {  	s3 =	simm.s32 $0x108;
	s8 =	sld [smem:$0x3FAD]  }
0x2e: {  	s3 =	simm.s32 @!p0 $0x1082;
	s9 =	sld [smem:$0x3FAE]  }
0x2f: {  	lr =	sadd.s32 s0, s3;
	s0 =	sld [smem:$0x3FA5]  }
0x30: {  	s3 =	sld [smem:$0x3FA8]  }
0x31: {  	[smem:$0x3FB1] =	sst s10  }
0x32: {  	s10 =	sld [smem:$0x3FAF];
	_ =	sdelay $0x3  }
0x33: {  	p0 =	seq.s32 s10, $0x1;
	s10 =	sld [smem:$0x3FB1];
	_ =	sdelay $0x3  }
0x34: {  	[smem:$0x3FB1] =	sst s10  }
0x35: {  	s10 =	sld [smem:$0x3FB0];
	_ =	sdelay $0x3  }
0x36: {  	p1 =	seq.s32 s10, $0x1;
	s10 =	sld [smem:$0x3FB1];
	_ =	sdelay $0x3  }
0x37: {  	[smem:$0x3FB1] =	sst s10  }
0x38: {  	s10 =	sld [smem:$0x3FB2]  }
0x39: {  	_ = 	snop;
	(pc) =	sbr.ind lr, $3  }
0x3a: {  	_ = 	snop  }
0x3b: {  	_ = 	snop  }
0x3c: {  	p2 =	seq.s32 s10, $0x1;
	s10 =	sld [smem:$0x3FB1]  }
0x3d: {  	_ =	shalt  }
0x3e: {  	_ =	shalt  }
0x3f: {  	_ =	shalt  }
0x40: {  	_ =	shalt  }
0x41: {  	_ =	shalt  }
0x42: {  	_ =	shalt  }
0x43: {  	_ =	shalt  }
0x44: {  	_ =	shalt  }
0x45: {  	_ =	shalt  }
0x46: {  	_ =	shalt  }
0x47: {  	_ =	shalt  }
0x48: {  	_ =	shalt  }
0x49: {  	_ =	shalt  }
0x4a: {  	_ =	shalt  }
0x4b: {  	_ =	shalt  }
0x4c: {  	_ =	shalt  }
0x4d: {  	_ =	shalt  }
0x4e: {  	_ =	shalt  }
0x4f: {  	_ =	shalt  }
0x50: {  	_ =	shalt  }
0x51: {  	_ =	shalt  }
0x52: {  	_ =	shalt  }
0x53: {  	_ =	shalt  }
0x54: {  	_ =	shalt  }
0x55: {  	_ =	shalt  }
0x56: {  	_ =	shalt  }
0x57: {  	_ =	shalt  }
0x58: {  	_ =	shalt  }
0x59: {  	_ =	shalt  }
0x5a: {  	_ =	shalt  }
0x5b: {  	_ =	shalt  }
0x5c: {  	_ =	shalt  }
0x5d: {  	_ =	shalt  }
0x5e: {  	_ =	shalt  }
0x5f: {  	_ =	shalt  }
0x60: {  	_ =	shalt  }
0x61: {  	_ =	shalt  }
0x62: {  	_ =	shalt  }
0x63: {  	_ =	shalt  }
0x64: {  	_ =	shalt  }
0x65: {  	_ =	shalt  }
0x66: {  	_ =	shalt  }
0x67: {  	_ =	shalt  }
0x68: {  	_ =	shalt  }
0x69: {  	_ =	shalt  }
0x6a: {  	_ =	shalt  }
0x6b: {  	_ =	shalt  }
0x6c: {  	_ =	shalt  }
0x6d: {  	_ =	shalt  }
0x6e: {  	_ =	shalt  }
0x6f: {  	_ =	shalt  }
0x70: {  	_ =	shalt  }
0x71: {  	_ =	shalt  }
0x72: {  	_ =	shalt  }
0x73: {  	_ =	shalt  }
0x74: {  	_ =	shalt  }
0x75: {  	_ =	shalt  }
0x76: {  	_ =	shalt  }
0x77: {  	_ =	shalt  }
0x78: {  	_ =	shalt  }
0x79: {  	_ =	shalt  }
0x7a: {  	_ =	shalt  }
0x7b: {  	_ =	shalt  }
0x7c: {  	_ =	shalt  }
0x7d: {  	_ =	shalt  }
0x7e: {  	_ =	shalt  }
0x7f: {  	_ =	shalt  }
0x80: {  	_ =	shalt  }
0x81: {  	_ =	shalt  }
0x82: {  	_ =	shalt  }
0x83: {  	_ =	shalt  }
0x84: {  	_ =	shalt  }
0x85: {  	_ =	shalt  }
0x86: {  	_ =	shalt  }
0x87: {  	_ =	shalt  }
.Lfunc_end0:
.L_simem_size_0:
called_computation.1_lowered:
.L_overlay_start_0:
0x88: {  	s2 =	sld [smem:$0x3FD9]  }
0x89: {  	s3 =	sld [smem:$0x3FFE];
	_ =	sdelay $0x1  }
0x8a: {  	s1 =	srdreg.scid  }
0x8b: {  	s0 =	sand.u32 $0x1, s1  }
0x8c: {  	s17 =	sshll.u32 s0, $0xA;
	s2 =	sadd.s32 s3, s2  }
0x8d: {  	s2 =	sadd.s32 s2, s17  }
0x8e: {  	[smem:$0x3FBD] =	sst s2  }
0x8f: {  	_ = 	snop  }
0x90: {  	s2 =	sld [smem:$0x3FD0];
	(tm) =	ssettm $0x1  }
0x91: {  	s18 =	sld [smem:$0x3FFB];
	_ =	sdelay $0x3  }
0x92: {  	_ =	strace s18  }
0x93: {  	s3 =	sld [smem:$0x3FFC];
	_ =	sdelay $0x3  }
0x94: {  	_ =	strace s3  }
0x95: {  	s3 =	sld [smem:$0x3FFD];
	_ =	sdelay $0x3  }
0x96: {  	_ =	strace s3  }
0x97: {  	_ =	strace $0x8FFFFFFF  }
0x98: {  	s19 =	sld [smem:$0x3FDB];
	_ =	sdelay $0x1  }
0x99: {  	s4 =	simm.s32 $_scs_section_size  }
0x9a: {  	s5 =	simm.s32 $_size__tile_overlayer_lowered;
	s6 =	simm.s32 $_tile_overlayer_lowered  }
0x9b: {  	s22 =	simm.s32 $0x1BFF;
	s21 =	sshll.u32 s6, $0x1;
	s3 =	sadd.s32 s4, s19  }
0x9c: {  	s7 =	simm.s32 $0x0;
	s20 =	sshll.u32 s5, $0x1;
	s5 =	sadd.s32 s21, s3  }
0x9d: {  	[timem:s7], [sflag:s22] =	dma.local [hbm:s5], s20  }
0x9e: {  	_ =	swait.ge [sflag:s22], s20  }
0x9f: {  	s4 =	ssub.s32 $0x0, s20;
	[sflag:s22] =	ssyncset.done $0x0  }
0xa0: {  	[sflag:s22] =	ssyncadd.s32 s4;
	_ =	sdelay $0x1  }
0xa1: {  	s23 =	simm.s32 $0x1B8B  }
0xa2: {  	_ =	swait.ge [sflag:s23], $0x1  }
0xa3: {  	[sflag:s23] =	ssyncset.done $0x0  }
0xa4: {  	s25 =	simm.s32 $0x1B8E;
	s24 =	sld [smem:$0x3FFE];
	[sflag:s23] =	ssyncadd.s32 $0xFFFFFFFF  }
0xa5: {  	s26 =	simm.s32 $execute0_lowered;
	[smem:$0x3FD2] =	sst s25  }
0xa6: {  	s5 =	sshll.u32 s26, $0x1;
	_ =	strace $0x80000049;
	[dreg:$0x1] =	wrdreg $0xFFFFFFFF  }
0xa7: {  	s28 =	simm.s32 $_size_execute0_lowered;
	s3 =	sadd.s32 s3, s5;
	[dreg:$0x0] =	wrdreg $0x0  }
0xa8: {  	s5 =	sshll.u32 s28, $0x1;
	[dreg:$0x2] =	wrdreg s3  }
0xa9: {  	[dreg:$0x3] =	wrdreg s5  }
0xaa: {  	[dreg:$0x4] =	wrdreg $0xC0  }
0xab: {  	_ =	task [dreg:s7], $0x5FFFF  }
0xac: {  	[dreg:$0x1] =	wrdreg $0xFFFFFFFF  }
0xad: {  	[dreg:$0x0] =	wrdreg $0x60  }
0xae: {  	[dreg:$0x2] =	wrdreg s24  }
0xaf: {  	[dreg:$0x3] =	wrdreg s2  }
0xb0: {  	[dreg:$0x4] =	wrdreg $0x0  }
0xb1: {  	[dreg:$0x5] =	wrdreg $0x9  }
0xb2: {  	_ =	task.clear_ibuf [dreg:s7], $0x6FFFF;
	_ =	strace $0x90000049  }
0xb3: {  	s29 =	simm.s32 $0x9;
	_ =	strace $0x8000004B  }
0xb4: {  	_ =	swait.ge [sflag:s29], $0x1  }
0xb5: {  	[sflag:s29] =	ssyncadd.s32 $0xFFFFFFFF  }
0xb6: {  	_ =	strace $0x9000004B  }
0xb7: {  	_ =	sfence  }
0xb8: {  	s30 =	sld [smem:$0x0];
	_ =	sdelay $0x2  }
0xb9: {  	s31 =	sshll.u32 s1, $0xD;
	s1 =	sshrl.u32 s1, $0x2  }
0xba: {  	s3 =	sand.u32 $0x4000, s31;
	s1 =	sadd.s32 s1, s30  }
0xbb: {  	s0 =	sor.u32 s3, s0;
	s1 =	sshll.u32 s1, $0x11  }
0xbc: {  	s0 =	sor.u32 s1, s0  }
0xbd: {  	s0 =	sadd.s32 $0x8F2B, s0  }
0xbe: {  	[sflag:s0] =	ssyncadd.remote.s32 $0x1  }
0xbf: {  	_ =	sfence.sel $0xFFFF  }
0xc0: {  	[dreg:$0x0] =	wrdreg $0xFFFFFFFF;
	(pc) =	sbr.abs _section_cstart, $3  }
0xc1: {  	[dreg:$0x1] =	wrdreg $0xFFFFFFFF  }
0xc2: {  	_ =	task.clear_ibuf [dreg:s7], $0x2FFFF;
	_ =	strace $0x9FFFFFFF  }
0xc3: {  	(tm) =	ssettm $0x7FFFFFFF  }
tec
execute0_lowered:
.L_overlay_start_1:
0x0: {  	(tag) =	ssettag $0x1  }
0x1: {  	s0 =	rddreg [dreg:$0x0]  }
0x2: {  	s1 =	rddreg [dreg:$0x1]  }
0x3: {  	s2 =	rddreg [dreg:$0x2];
	s11 =	stileid.u32  }
0x4: {  	s3 =	simm.s32 $0x0;
	s4 =	srdreg.scid;
	s6 =	smul.u32 $0x9C4, s11  }
0x5: {  	[smem:$0x7FF] =	sst s3;
	s7 =	sand.u32 $0x1, s4;
	s22 =	smul.u32 $0x280, s11  }
0x6: {  	s4 =	sadd.s32 $0x7B400, s0;
	s5 =	sadd.s32 $0xA3400, s0;
	s26 =	smul.u32 $0x50000, s11  }
0x7: {  	s12 =	sadd.s32 $0xCB400, s0;
	s11 =	smul.u32 $0x2800, s11;
	_ =	strace $0x8000004A  }
0x8: {  	s8 =	ssub.s32 $0x2, s7;
	[dreg:$0x4] =	wrdreg s12;
	p0 =	seq.s32 s7, $0x1  }
0x9: {  	s9 =	sadd.s32 s6, s0;
	s10 =	sshrl.u32 s8, $0x1;
	s0 =	sadd.s32 $0xF3400, s0  }
0xa: {  	s12 =	sshrl.u32 s26, $0x2;
	s13 =	sor.u32 $0x50, s22;
	s15 =	sadd.s32 $0xA0, s22  }
0xb: {  	s17 =	sadd.s32 $0xF0, s22;
	s18 =	sadd.s32 $0x140, s22;
	s20 =	sadd.s32 $0x190, s22  }
0xc: {  	s23 =	sadd.s32 $0x1E0, s22;
	s25 =	sadd.s32 $0x230, s22;
	[dreg:$0x7] =	wrdreg s11  }
0xd: {  	s8 =	ssub.s32 s8, s10;
	[dreg:$0x5] =	wrdreg s0;
	s14 =	sshll.u32 s13, $0x7  }
0xe: {  	s13 =	sshll.u32 s13, $0x4;
	s16 =	sshll.u32 s15, $0x7;
	s15 =	sshll.u32 s15, $0x4  }
0xf: {  	s30 =	sshll.u32 s17, $0x4;
	s0 =	sshll.u32 s17, $0x7;
	s19 =	sshll.u32 s18, $0x7  }
0x10: {  	s7 =	sshll.u32 s18, $0x4;
	s21 =	sshll.u32 s20, $0x7;
	s24 =	sshll.u32 s23, $0x7  }
0x11: {  	s22 =	sshll.u32 s23, $0x4;
	s26 =	sshll.u32 s25, $0x7;
	s28 =	sadd.s32 $0xD800, s9  }
0x12: {  	s29 =	sadd.s32 $0x3A00, s9;
	s8 =	smax.u32 s8, $0x1;
	[dreg:$0x8] =	wrdreg s13  }
0x13: {  	s18 =	sadd.s32 s19, s2;
	s23 =	sadd.s32 s24, s2;
	[dreg:$0x9] =	wrdreg s15  }
0x14: {  	s24 =	sshll.u32 s25, $0x4;
	s25 =	sadd.s32 s26, s2;
	[dreg:$0xa] =	wrdreg s30  }
0x15: {  	s26 =	sadd.s32 $0x17600, s9;
	s9 =	sadd.s32 s4, s15;
	[dreg:$0x6] =	wrdreg s8  }
0x16: {  	s17 =	sadd.s32 s4, s30;
	s19 =	sadd.s32 s4, s7;
	[dreg:$0xd] =	wrdreg s9  }
0x17: {  	s8 =	sshll.u32 s20, $0x4;
	s20 =	sadd.s32 s21, s2;
	[dreg:$0xe] =	wrdreg s17  }
0x18: {  	s21 =	sadd.s32 s6, s1;
	s1 =	sadd.s32 s4, s11;
	[dreg:$0xf] =	wrdreg s19  }
0x19: {  	s6 =	sadd.s32 s4, s13;
	[dreg:$0xb] =	wrdreg s1  }
0x1a: {  	s31 =	simm.s32 $0x14050;
	s9 =	sadd.s32 s4, s24;
	[dreg:$0xc] =	wrdreg s6  }
0x1b: {  	s10 =	sadd.s32 s12, s2;
	s17 =	sadd.s32 s5, s11;
	[dreg:$0x12] =	wrdreg s9  }
0x1c: {  	s12 =	sadd.s32 s14, s2;
	s19 =	sadd.s32 s5, s13;
	[dreg:$0x13] =	wrdreg s17  }
0x1d: {  	s14 =	sadd.s32 s16, s2;
	s13 =	sadd.s32 s5, s22;
	[dreg:$0x14] =	wrdreg s19  }
0x1e: {  	s16 =	sadd.s32 s0, s2;
	s1 =	sadd.s32 s4, s8;
	[dreg:$0x19] =	wrdreg s13  }
0x1f: {  	s0 =	simm.s32 $0x50;
	s6 =	sadd.s32 s4, s22;
	[dreg:$0x10] =	wrdreg s1  }
0x20: {  	s17 =	smov.u32 s7;
	s9 =	sadd.s32 s5, s7;
	[dreg:$0x11] =	wrdreg s6  }
.Ltmp0:
0x21: {  	s11 =	sadd.s32 s5, s8;
	[dreg:$0x17] =	wrdreg s9;
	(pc) =	sbr.rel .LBB2_1-.Ltmp0, $4  }
0x22: {  	s19 =	smov.u32 s8;
	s1 =	sadd.s32 s5, s15;
	[dreg:$0x18] =	wrdreg s11  }
0x23: {  	s7 =	simm.s32 $0x1;
	s6 =	sadd.s32 s5, s30;
	[dreg:$0x15] =	wrdreg s1  }
0x24: {  	s15 =	sadd.s32 s5, s24;
	s30 =	simm.s32 $0x14000;
	[dreg:$0x16] =	wrdreg s6  }
0x25: {  	[dreg:$0x1a] =	wrdreg s15;
	s6 =	simm.s32 $0x140A0;
	s1 =	simm.s32 $0x0  }
.LBB2_7:
0x26: {  	s9 =	sadd.s32 s8, s29;
	[sflag:s7] =	ssyncadd.s32 $0xFFFFD800  }
0x27: {  	[tilespmem:s30], [sflag:$0x1] =	stream.linear.gather [hbm4b:s9+s3], $0x50, $0x38;
	[tilespmem:$0x168A0] =	vst v63  }
0x28: {  	_ =	swait.ge [sflag:s7], $0x50  }
0x29: {  	[sflag:s7] =	ssyncset.done $0x0  }
0x2a: {  	s15 =	sadd.s32 s8, s28;
	[sflag:s7] =	ssyncadd.s32 $0xFFFFFFB0  }
0x2b: {  	[tilespmem:s31], [sflag:$0x1] =	stream.linear.gather [hbm4b:s15+s3], $0x50, $0x38;
	[tilespmem:$0x168A0] =	vst v63  }
0x2c: {  	_ =	swait.ge [sflag:s7], $0x50  }
0x2d: {  	[sflag:s7] =	ssyncset.done $0x0  }
0x2e: {  	[sflag:s7] =	ssyncadd.s32 $0xFFFFFFB0  }
0x2f: {  	[tilespmem:s6], [sflag:$0x1] =	stream.indirect.gather [hbm4b:s5+s0], $0x80, s30, s0, $0xb8;
	[tilespmem:$0x168A0] =	vst v63  }
0x30: {  	_ =	swait.ge [sflag:s7], $0x2800  }
0x31: {  	[sflag:s7] =	ssyncset.done $0x0  }
0x32: {  	[sflag:s7] =	ssyncadd.s32 $0xFFFFD800  }
0x33: {  	[spmem:s2] =	stream.indirect.scatter.add.f32 [tilespmem:s6], [sflag:$0x1], $0x80, s31, s0, $0xb8;
	[tilespmem:$0x168A0] =	vst v63  }
0x34: {  	_ =	swait.ge [sflag:s7], $0x2800  }
0x35: {  	[sflag:s7] =	ssyncset.done $0x0  }
0x36: {  	s8 =	rddreg [dreg:$0x5];
	[sflag:s7] =	ssyncadd.s32 $0xFFFFD800  }
.LBB2_8:
0x37: {  	[bflag:$0x0] =	sbarrier.arrive $0xFFFF  }
0x38: {  	[tilespmem:s6], [sflag:$0x1] =	stream.linear.gather [spmem:s10], $0x2800, $0x38;
	[tilespmem:$0x168A0] =	vst v63  }
0x39: {  	_ =	swait.ge [sflag:s7], $0x2800  }
0x3a: {  	[sflag:s7] =	ssyncset.done $0x0;
	s9 =	rddreg [dreg:$0x7]  }
0x3b: {  	s9 =	sadd.s32 s8, s9;
	[sflag:s7] =	ssyncadd.s32 $0xFFFFD800  }
0x3c: {  	[hbm4b:s9+s3] =	stream.linear.scatter [tilespmem:s6], [sflag:$0x1], $0x2800, $0x38;
	[tilespmem:$0x168A0] =	vst v63  }
0x3d: {  	_ =	swait.ge [sflag:s7], $0x2800  }
0x3e: {  	[sflag:s7] =	ssyncset.done $0x0  }
0x3f: {  	[sflag:s7] =	ssyncadd.s32 $0xFFFFD800  }
0x40: {  	[tilespmem:s6], [sflag:$0x1] =	stream.linear.gather [spmem:s12], $0x2800, $0x38;
	[tilespmem:$0x168A0] =	vst v63  }
0x41: {  	_ =	swait.ge [sflag:s7], $0x2800  }
0x42: {  	[sflag:s7] =	ssyncset.done $0x0;
	s13 =	rddreg [dreg:$0x8]  }
0x43: {  	s9 =	sadd.s32 s8, s13;
	[sflag:s7] =	ssyncadd.s32 $0xFFFFD800  }
0x44: {  	[hbm4b:s9+s3] =	stream.linear.scatter [tilespmem:s6], [sflag:$0x1], $0x2800, $0x38;
	[tilespmem:$0x168A0] =	vst v63  }
0x45: {  	_ =	swait.ge [sflag:s7], $0x2800  }
0x46: {  	[sflag:s7] =	ssyncset.done $0x0  }
0x47: {  	[sflag:s7] =	ssyncadd.s32 $0xFFFFD800  }
0x48: {  	[tilespmem:s6], [sflag:$0x1] =	stream.linear.gather [spmem:s14], $0x2800, $0x38;
	[tilespmem:$0x168A0] =	vst v63  }
0x49: {  	_ =	swait.ge [sflag:s7], $0x2800  }
0x4a: {  	[sflag:s7] =	ssyncset.done $0x0;
	s15 =	rddreg [dreg:$0x9]  }
0x4b: {  	s9 =	sadd.s32 s8, s15;
	[sflag:s7] =	ssyncadd.s32 $0xFFFFD800  }
0x4c: {  	[hbm4b:s9+s3] =	stream.linear.scatter [tilespmem:s6], [sflag:$0x1], $0x2800, $0x38;
	[tilespmem:$0x168A0] =	vst v63  }
0x4d: {  	_ =	swait.ge [sflag:s7], $0x2800  }
0x4e: {  	[sflag:s7] =	ssyncset.done $0x0  }
0x4f: {  	[sflag:s7] =	ssyncadd.s32 $0xFFFFD800  }
0x50: {  	[tilespmem:s6], [sflag:$0x1] =	stream.linear.gather [spmem:s16], $0x2800, $0x38;
	[tilespmem:$0x168A0] =	vst v63  }
0x51: {  	_ =	swait.ge [sflag:s7], $0x2800  }
0x52: {  	[sflag:s7] =	ssyncset.done $0x0;
	s11 =	rddreg [dreg:$0xa]  }
0x53: {  	s9 =	sadd.s32 s8, s11;
	[sflag:s7] =	ssyncadd.s32 $0xFFFFD800  }
0x54: {  	[hbm4b:s9+s3] =	stream.linear.scatter [tilespmem:s6], [sflag:$0x1], $0x2800, $0x38;
	[tilespmem:$0x168A0] =	vst v63  }
0x55: {  	_ =	swait.ge [sflag:s7], $0x2800  }
0x56: {  	[sflag:s7] =	ssyncset.done $0x0  }
0x57: {  	[sflag:s7] =	ssyncadd.s32 $0xFFFFD800  }
0x58: {  	[tilespmem:s6], [sflag:$0x1] =	stream.linear.gather [spmem:s18], $0x2800, $0x38;
	[tilespmem:$0x168A0] =	vst v63  }
0x59: {  	_ =	swait.ge [sflag:s7], $0x2800  }
0x5a: {  	[sflag:s7] =	ssyncset.done $0x0  }
0x5b: {  	s13 =	sadd.s32 s8, s17;
	[sflag:s7] =	ssyncadd.s32 $0xFFFFD800  }
0x5c: {  	[hbm4b:s13+s3] =	stream.linear.scatter [tilespmem:s6], [sflag:$0x1], $0x2800, $0x38;
	[tilespmem:$0x168A0] =	vst v63  }
0x5d: {  	_ =	swait.ge [sflag:s7], $0x2800  }
0x5e: {  	[sflag:s7] =	ssyncset.done $0x0  }
0x5f: {  	[sflag:s7] =	ssyncadd.s32 $0xFFFFD800  }
0x60: {  	[tilespmem:s6], [sflag:$0x1] =	stream.linear.gather [spmem:s20], $0x2800, $0x38;
	[tilespmem:$0x168A0] =	vst v63  }
0x61: {  	_ =	swait.ge [sflag:s7], $0x2800  }
0x62: {  	[sflag:s7] =	ssyncset.done $0x0  }
0x63: {  	s15 =	sadd.s32 s8, s19;
	[sflag:s7] =	ssyncadd.s32 $0xFFFFD800  }
0x64: {  	[hbm4b:s15+s3] =	stream.linear.scatter [tilespmem:s6], [sflag:$0x1], $0x2800, $0x38;
	[tilespmem:$0x168A0] =	vst v63  }
0x65: {  	_ =	swait.ge [sflag:s7], $0x2800  }
0x66: {  	[sflag:s7] =	ssyncset.done $0x0  }
0x67: {  	[sflag:s7] =	ssyncadd.s32 $0xFFFFD800  }
0x68: {  	[tilespmem:s6], [sflag:$0x1] =	stream.linear.gather [spmem:s23], $0x2800, $0x38;
	[tilespmem:$0x168A0] =	vst v63  }
0x69: {  	_ =	swait.ge [sflag:s7], $0x2800  }
0x6a: {  	[sflag:s7] =	ssyncset.done $0x0  }
0x6b: {  	s11 =	sadd.s32 s8, s22;
	[sflag:s7] =	ssyncadd.s32 $0xFFFFD800  }
0x6c: {  	[hbm4b:s11+s3] =	stream.linear.scatter [tilespmem:s6], [sflag:$0x1], $0x2800, $0x38;
	[tilespmem:$0x168A0] =	vst v63  }
0x6d: {  	_ =	swait.ge [sflag:s7], $0x2800  }
0x6e: {  	[sflag:s7] =	ssyncset.done $0x0  }
0x6f: {  	[sflag:s7] =	ssyncadd.s32 $0xFFFFD800  }
0x70: {  	[tilespmem:s6], [sflag:$0x1] =	stream.linear.gather [spmem:s25], $0x2800, $0x38;
	[tilespmem:$0x168A0] =	vst v63  }
0x71: {  	_ =	swait.ge [sflag:s7], $0x2800  }
0x72: {  	[sflag:s7] =	ssyncset.done $0x0  }
0x73: {  	s13 =	sadd.s32 s8, s24;
	[sflag:s7] =	ssyncadd.s32 $0xFFFFD800  }
0x74: {  	[hbm4b:s13+s3] =	stream.linear.scatter [tilespmem:s6], [sflag:$0x1], $0x2800, $0x38;
	[tilespmem:$0x168A0] =	vst v63  }
0x75: {  	_ =	swait.ge [sflag:s7], $0x2800  }
0x76: {  	s1 =	sadd.s32 $0x1, s1;
	s15 =	rddreg [dreg:$0x6]  }
0x77: {  	p1 =	sne.s32 s1, s15  }
.Ltmp1:
0x78: {  	_ = 	snop;
	(pc) =	sbr.rel @!p1 .LBB2_9-.Ltmp1, $3  }
0x79: {  	_ =	sdelay $0x1  }
0x7a: {  	[sflag:s7] =	ssyncset.done $0x0  }
0x7b: {  	[sflag:s7] =	ssyncadd.s32 $0xFFFFD800  }
.LBB2_1:
.Ltmp2:
0x7c: {  	(pc) =	sbr.rel @!p0 .LBB2_2-.Ltmp2, $2  }
0x7d: {  	_ =	sdelay $0x2  }
0x7e: {  	s8 =	simm.s32 $0x0  }
0x7f: {  	s9 =	rddreg [dreg:$0x13]  }
0x80: {  	[tilespmem:s6], [sflag:$0x1] =	stream.linear.gather [hbm4b:s9+s8], $0x2800, $0x38;
	[tilespmem:$0x168A0] =	vst v63  }
0x81: {  	_ =	swait.ge [sflag:s7], $0x2800  }
0x82: {  	[sflag:s7] =	ssyncset.done $0x0  }
0x83: {  	[sflag:s7] =	ssyncadd.s32 $0xFFFFD800  }
0x84: {  	[spmem:s10] =	stream.linear.scatter [tilespmem:s6], [sflag:$0x1], $0x2800, $0x38;
	[tilespmem:$0x168A0] =	vst v63  }
0x85: {  	_ =	swait.ge [sflag:s7], $0x2800  }
0x86: {  	[sflag:s7] =	ssyncset.done $0x0  }
0x87: {  	s11 =	rddreg [dreg:$0x14];
	[sflag:s7] =	ssyncadd.s32 $0xFFFFD800  }
0x88: {  	[tilespmem:s6], [sflag:$0x1] =	stream.linear.gather [hbm4b:s11+s8], $0x2800, $0x38;
	[tilespmem:$0x168A0] =	vst v63  }
0x89: {  	_ =	swait.ge [sflag:s7], $0x2800  }
0x8a: {  	[sflag:s7] =	ssyncset.done $0x0  }
0x8b: {  	[sflag:s7] =	ssyncadd.s32 $0xFFFFD800  }
0x8c: {  	[spmem:s12] =	stream.linear.scatter [tilespmem:s6], [sflag:$0x1], $0x2800, $0x38;
	[tilespmem:$0x168A0] =	vst v63  }
0x8d: {  	_ =	swait.ge [sflag:s7], $0x2800  }
0x8e: {  	[sflag:s7] =	ssyncset.done $0x0  }
0x8f: {  	s13 =	rddreg [dreg:$0x15];
	[sflag:s7] =	ssyncadd.s32 $0xFFFFD800  }
0x90: {  	[tilespmem:s6], [sflag:$0x1] =	stream.linear.gather [hbm4b:s13+s8], $0x2800, $0x38;
	[tilespmem:$0x168A0] =	vst v63  }
0x91: {  	_ =	swait.ge [sflag:s7], $0x2800  }
0x92: {  	[sflag:s7] =	ssyncset.done $0x0  }
0x93: {  	[sflag:s7] =	ssyncadd.s32 $0xFFFFD800  }
0x94: {  	[spmem:s14] =	stream.linear.scatter [tilespmem:s6], [sflag:$0x1], $0x2800, $0x38;
	[tilespmem:$0x168A0] =	vst v63  }
0x95: {  	_ =	swait.ge [sflag:s7], $0x2800  }
0x96: {  	[sflag:s7] =	ssyncset.done $0x0  }
0x97: {  	s15 =	rddreg [dreg:$0x16];
	[sflag:s7] =	ssyncadd.s32 $0xFFFFD800  }
0x98: {  	[tilespmem:s6], [sflag:$0x1] =	stream.linear.gather [hbm4b:s15+s8], $0x2800, $0x38;
	[tilespmem:$0x168A0] =	vst v63  }
0x99: {  	_ =	swait.ge [sflag:s7], $0x2800  }
0x9a: {  	[sflag:s7] =	ssyncset.done $0x0  }
0x9b: {  	[sflag:s7] =	ssyncadd.s32 $0xFFFFD800  }
0x9c: {  	[spmem:s16] =	stream.linear.scatter [tilespmem:s6], [sflag:$0x1], $0x2800, $0x38;
	[tilespmem:$0x168A0] =	vst v63  }
0x9d: {  	_ =	swait.ge [sflag:s7], $0x2800  }
0x9e: {  	[sflag:s7] =	ssyncset.done $0x0  }
0x9f: {  	s11 =	rddreg [dreg:$0x17];
	[sflag:s7] =	ssyncadd.s32 $0xFFFFD800  }
0xa0: {  	[tilespmem:s6], [sflag:$0x1] =	stream.linear.gather [hbm4b:s11+s8], $0x2800, $0x38;
	[tilespmem:$0x168A0] =	vst v63  }
0xa1: {  	_ =	swait.ge [sflag:s7], $0x2800  }
0xa2: {  	[sflag:s7] =	ssyncset.done $0x0  }
0xa3: {  	[sflag:s7] =	ssyncadd.s32 $0xFFFFD800  }
0xa4: {  	[spmem:s18] =	stream.linear.scatter [tilespmem:s6], [sflag:$0x1], $0x2800, $0x38;
	[tilespmem:$0x168A0] =	vst v63  }
0xa5: {  	_ =	swait.ge [sflag:s7], $0x2800  }
0xa6: {  	[sflag:s7] =	ssyncset.done $0x0  }
0xa7: {  	s13 =	rddreg [dreg:$0x18];
	[sflag:s7] =	ssyncadd.s32 $0xFFFFD800  }
0xa8: {  	[tilespmem:s6], [sflag:$0x1] =	stream.linear.gather [hbm4b:s13+s8], $0x2800, $0x38;
	[tilespmem:$0x168A0] =	vst v63  }
0xa9: {  	_ =	swait.ge [sflag:s7], $0x2800  }
0xaa: {  	[sflag:s7] =	ssyncset.done $0x0  }
0xab: {  	[sflag:s7] =	ssyncadd.s32 $0xFFFFD800  }
0xac: {  	[spmem:s20] =	stream.linear.scatter [tilespmem:s6], [sflag:$0x1], $0x2800, $0x38;
	[tilespmem:$0x168A0] =	vst v63  }
0xad: {  	_ =	swait.ge [sflag:s7], $0x2800  }
0xae: {  	[sflag:s7] =	ssyncset.done $0x0  }
0xaf: {  	s15 =	rddreg [dreg:$0x19];
	[sflag:s7] =	ssyncadd.s32 $0xFFFFD800  }
0xb0: {  	[tilespmem:s6], [sflag:$0x1] =	stream.linear.gather [hbm4b:s15+s8], $0x2800, $0x38;
	[tilespmem:$0x168A0] =	vst v63  }
0xb1: {  	_ =	swait.ge [sflag:s7], $0x2800  }
0xb2: {  	[sflag:s7] =	ssyncset.done $0x0  }
0xb3: {  	[sflag:s7] =	ssyncadd.s32 $0xFFFFD800  }
0xb4: {  	[spmem:s23] =	stream.linear.scatter [tilespmem:s6], [sflag:$0x1], $0x2800, $0x38;
	[tilespmem:$0x168A0] =	vst v63  }
0xb5: {  	_ =	swait.ge [sflag:s7], $0x2800  }
0xb6: {  	[sflag:s7] =	ssyncset.done $0x0  }
0xb7: {  	s11 =	rddreg [dreg:$0x1a];
	[sflag:s7] =	ssyncadd.s32 $0xFFFFD800  }
0xb8: {  	[tilespmem:s6], [sflag:$0x1] =	stream.linear.gather [hbm4b:s11+s8], $0x2800, $0x38;
	[tilespmem:$0x168A0] =	vst v63  }
0xb9: {  	_ =	swait.ge [sflag:s7], $0x2800  }
0xba: {  	[sflag:s7] =	ssyncset.done $0x0  }
0xbb: {  	[sflag:s7] =	ssyncadd.s32 $0xFFFFD800  }
0xbc: {  	[spmem:s25] =	stream.linear.scatter [tilespmem:s6], [sflag:$0x1], $0x2800, $0x38;
	[tilespmem:$0x168A0] =	vst v63  }
0xbd: {  	_ =	swait.ge [sflag:s7], $0x2800  }
0xbe: {  	[sflag:s7] =	ssyncset.done $0x0  }
0xbf: {  	[sflag:s7] =	ssyncadd.s32 $0xFFFFD800  }
0xc0: {  	s13 =	sadd.s32 $0x0, s29;
	[bflag:$0x0] =	sbarrier.arrive $0xFFFF  }
0xc1: {  	[tilespmem:s30], [sflag:$0x1] =	stream.linear.gather [hbm4b:s13+s3], $0x50, $0x38;
	[tilespmem:$0x168A0] =	vst v63  }
0xc2: {  	_ =	swait.ge [sflag:s7], $0x50  }
0xc3: {  	[sflag:s7] =	ssyncset.done $0x0  }
0xc4: {  	s15 =	sadd.s32 $0x0, s28;
	[sflag:s7] =	ssyncadd.s32 $0xFFFFFFB0  }
0xc5: {  	[tilespmem:s31], [sflag:$0x1] =	stream.linear.gather [hbm4b:s15+s3], $0x50, $0x38;
	[tilespmem:$0x168A0] =	vst v63  }
0xc6: {  	_ =	swait.ge [sflag:s7], $0x50  }
0xc7: {  	[sflag:s7] =	ssyncset.done $0x0  }
0xc8: {  	[sflag:s7] =	ssyncadd.s32 $0xFFFFFFB0  }
0xc9: {  	[tilespmem:s6], [sflag:$0x1] =	stream.indirect.gather [hbm4b:s5+s0], $0x80, s30, s0, $0xb8;
	[tilespmem:$0x168A0] =	vst v63  }
0xca: {  	_ =	swait.ge [sflag:s7], $0x2800  }
0xcb: {  	[sflag:s7] =	ssyncset.done $0x0  }
0xcc: {  	[sflag:s7] =	ssyncadd.s32 $0xFFFFD800  }
0xcd: {  	[spmem:s2] =	stream.indirect.scatter.add.f32 [tilespmem:s6], [sflag:$0x1], $0x80, s31, s0, $0xb8;
	[tilespmem:$0x168A0] =	vst v63  }
0xce: {  	_ =	swait.ge [sflag:s7], $0x2800  }
0xcf: {  	s9 =	simm.s32 $0x14;
	s8 =	simm.s32 $0xA;
	[sflag:s7] =	ssyncset.done $0x0  }
.LBB2_6:
0xd0: {  	s11 =	sadd.s32 s8, s29  }
0xd1: {  	[sflag:s7] =	ssyncadd.s32 $0xFFFFD800;
	s13 =	smov.u32 s9;
	s15 =	sadd.s32 $0xA, s9  }
0xd2: {  	[tilespmem:s30], [sflag:$0x1] =	stream.linear.gather [hbm4b:s11+s3], $0x50, $0x38;
	[tilespmem:$0x168A0] =	vst v63  }
0xd3: {  	p1 =	sne.s32 s9, $0x9BA;
	_ =	swait.ge [sflag:s7], $0x50  }
0xd4: {  	[sflag:s7] =	ssyncset.done $0x0  }
0xd5: {  	s9 =	sadd.s32 s8, s28;
	s8 =	smov.u32 s13;
	[sflag:s7] =	ssyncadd.s32 $0xFFFFFFB0  }
0xd6: {  	[tilespmem:s31], [sflag:$0x1] =	stream.linear.gather [hbm4b:s9+s3], $0x50, $0x38;
	[tilespmem:$0x168A0] =	vst v63  }
0xd7: {  	_ =	swait.ge [sflag:s7], $0x50  }
0xd8: {  	[sflag:s7] =	ssyncset.done $0x0  }
0xd9: {  	[sflag:s7] =	ssyncadd.s32 $0xFFFFFFB0  }
0xda: {  	[tilespmem:s6], [sflag:$0x1] =	stream.indirect.gather [hbm4b:s5+s0], $0x80, s30, s0, $0xb8;
	[tilespmem:$0x168A0] =	vst v63  }
0xdb: {  	_ =	swait.ge [sflag:s7], $0x2800  }
.Ltmp3:
0xdc: {  	[sflag:s7] =	ssyncset.done $0x0;
	(pc) =	sbr.rel @p1 .LBB2_6-.Ltmp3, $4  }
0xdd: {  	[sflag:s7] =	ssyncadd.s32 $0xFFFFD800  }
0xde: {  	[spmem:s2] =	stream.indirect.scatter.add.f32 [tilespmem:s6], [sflag:$0x1], $0x80, s31, s0, $0xb8;
	[tilespmem:$0x168A0] =	vst v63  }
0xdf: {  	_ =	swait.ge [sflag:s7], $0x2800  }
0xe0: {  	s9 =	smov.u32 s15;
	[sflag:s7] =	ssyncset.done $0x0  }
.Ltmp4:
0xe1: {  	_ = 	snop;
	(pc) =	sbr.rel .LBB2_7-.Ltmp4, $1  }
0xe2: {  	_ =	sdelay $0x3  }
.LBB2_2:
0xe3: {  	s9 =	rddreg [dreg:$0xb]  }
0xe4: {  	[tilespmem:s6], [sflag:$0x1] =	stream.linear.gather [hbm4b:s9+s8], $0x2800, $0x38;
	[tilespmem:$0x168A0] =	vst v63  }
0xe5: {  	_ =	swait.ge [sflag:s7], $0x2800  }
0xe6: {  	[sflag:s7] =	ssyncset.done $0x0  }
0xe7: {  	[sflag:s7] =	ssyncadd.s32 $0xFFFFD800  }
0xe8: {  	[spmem:s10] =	stream.linear.scatter [tilespmem:s6], [sflag:$0x1], $0x2800, $0x38;
	[tilespmem:$0x168A0] =	vst v63  }
0xe9: {  	_ =	swait.ge [sflag:s7], $0x2800  }
0xea: {  	[sflag:s7] =	ssyncset.done $0x0  }
0xeb: {  	s11 =	rddreg [dreg:$0xc];
	[sflag:s7] =	ssyncadd.s32 $0xFFFFD800  }
0xec: {  	[tilespmem:s6], [sflag:$0x1] =	stream.linear.gather [hbm4b:s11+s8], $0x2800, $0x38;
	[tilespmem:$0x168A0] =	vst v63  }
0xed: {  	_ =	swait.ge [sflag:s7], $0x2800  }
0xee: {  	[sflag:s7] =	ssyncset.done $0x0  }
0xef: {  	[sflag:s7] =	ssyncadd.s32 $0xFFFFD800  }
0xf0: {  	[spmem:s12] =	stream.linear.scatter [tilespmem:s6], [sflag:$0x1], $0x2800, $0x38;
	[tilespmem:$0x168A0] =	vst v63  }
0xf1: {  	_ =	swait.ge [sflag:s7], $0x2800  }
0xf2: {  	[sflag:s7] =	ssyncset.done $0x0  }
0xf3: {  	s13 =	rddreg [dreg:$0xd];
	[sflag:s7] =	ssyncadd.s32 $0xFFFFD800  }
0xf4: {  	[tilespmem:s6], [sflag:$0x1] =	stream.linear.gather [hbm4b:s13+s8], $0x2800, $0x38;
	[tilespmem:$0x168A0] =	vst v63  }
0xf5: {  	_ =	swait.ge [sflag:s7], $0x2800  }
0xf6: {  	[sflag:s7] =	ssyncset.done $0x0  }
0xf7: {  	[sflag:s7] =	ssyncadd.s32 $0xFFFFD800  }
0xf8: {  	[spmem:s14] =	stream.linear.scatter [tilespmem:s6], [sflag:$0x1], $0x2800, $0x38;
	[tilespmem:$0x168A0] =	vst v63  }
0xf9: {  	_ =	swait.ge [sflag:s7], $0x2800  }
0xfa: {  	[sflag:s7] =	ssyncset.done $0x0  }
0xfb: {  	s15 =	rddreg [dreg:$0xe];
	[sflag:s7] =	ssyncadd.s32 $0xFFFFD800  }
0xfc: {  	[tilespmem:s6], [sflag:$0x1] =	stream.linear.gather [hbm4b:s15+s8], $0x2800, $0x38;
	[tilespmem:$0x168A0] =	vst v63  }
0xfd: {  	_ =	swait.ge [sflag:s7], $0x2800  }
0xfe: {  	[sflag:s7] =	ssyncset.done $0x0  }
0xff: {  	[sflag:s7] =	ssyncadd.s32 $0xFFFFD800  }
0x100: {  	[spmem:s16] =	stream.linear.scatter [tilespmem:s6], [sflag:$0x1], $0x2800, $0x38;
	[tilespmem:$0x168A0] =	vst v63  }
0x101: {  	_ =	swait.ge [sflag:s7], $0x2800  }
0x102: {  	[sflag:s7] =	ssyncset.done $0x0  }
0x103: {  	s11 =	rddreg [dreg:$0xf];
	[sflag:s7] =	ssyncadd.s32 $0xFFFFD800  }
0x104: {  	[tilespmem:s6], [sflag:$0x1] =	stream.linear.gather [hbm4b:s11+s8], $0x2800, $0x38;
	[tilespmem:$0x168A0] =	vst v63  }
0x105: {  	_ =	swait.ge [sflag:s7], $0x2800  }
0x106: {  	[sflag:s7] =	ssyncset.done $0x0  }
0x107: {  	[sflag:s7] =	ssyncadd.s32 $0xFFFFD800  }
0x108: {  	[spmem:s18] =	stream.linear.scatter [tilespmem:s6], [sflag:$0x1], $0x2800, $0x38;
	[tilespmem:$0x168A0] =	vst v63  }
0x109: {  	_ =	swait.ge [sflag:s7], $0x2800  }
0x10a: {  	[sflag:s7] =	ssyncset.done $0x0  }
0x10b: {  	s13 =	rddreg [dreg:$0x10];
	[sflag:s7] =	ssyncadd.s32 $0xFFFFD800  }
0x10c: {  	[tilespmem:s6], [sflag:$0x1] =	stream.linear.gather [hbm4b:s13+s8], $0x2800, $0x38;
	[tilespmem:$0x168A0] =	vst v63  }
0x10d: {  	_ =	swait.ge [sflag:s7], $0x2800  }
0x10e: {  	[sflag:s7] =	ssyncset.done $0x0  }
0x10f: {  	[sflag:s7] =	ssyncadd.s32 $0xFFFFD800  }
0x110: {  	[spmem:s20] =	stream.linear.scatter [tilespmem:s6], [sflag:$0x1], $0x2800, $0x38;
	[tilespmem:$0x168A0] =	vst v63  }
0x111: {  	_ =	swait.ge [sflag:s7], $0x2800  }
0x112: {  	[sflag:s7] =	ssyncset.done $0x0  }
0x113: {  	s15 =	rddreg [dreg:$0x11];
	[sflag:s7] =	ssyncadd.s32 $0xFFFFD800  }
0x114: {  	[tilespmem:s6], [sflag:$0x1] =	stream.linear.gather [hbm4b:s15+s8], $0x2800, $0x38;
	[tilespmem:$0x168A0] =	vst v63  }
0x115: {  	_ =	swait.ge [sflag:s7], $0x2800  }
0x116: {  	[sflag:s7] =	ssyncset.done $0x0  }
0x117: {  	[sflag:s7] =	ssyncadd.s32 $0xFFFFD800  }
0x118: {  	[spmem:s23] =	stream.linear.scatter [tilespmem:s6], [sflag:$0x1], $0x2800, $0x38;
	[tilespmem:$0x168A0] =	vst v63  }
0x119: {  	_ =	swait.ge [sflag:s7], $0x2800  }
0x11a: {  	[sflag:s7] =	ssyncset.done $0x0  }
0x11b: {  	s11 =	rddreg [dreg:$0x12];
	[sflag:s7] =	ssyncadd.s32 $0xFFFFD800  }
0x11c: {  	[tilespmem:s6], [sflag:$0x1] =	stream.linear.gather [hbm4b:s11+s8], $0x2800, $0x38;
	[tilespmem:$0x168A0] =	vst v63  }
0x11d: {  	_ =	swait.ge [sflag:s7], $0x2800  }
0x11e: {  	[sflag:s7] =	ssyncset.done $0x0  }
0x11f: {  	[sflag:s7] =	ssyncadd.s32 $0xFFFFD800  }
0x120: {  	[spmem:s25] =	stream.linear.scatter [tilespmem:s6], [sflag:$0x1], $0x2800, $0x38;
	[tilespmem:$0x168A0] =	vst v63  }
0x121: {  	_ =	swait.ge [sflag:s7], $0x2800  }
0x122: {  	[sflag:s7] =	ssyncset.done $0x0  }
0x123: {  	[sflag:s7] =	ssyncadd.s32 $0xFFFFD800  }
0x124: {  	s13 =	sadd.s32 $0x0, s21;
	[bflag:$0x0] =	sbarrier.arrive $0xFFFF  }
0x125: {  	[tilespmem:s30], [sflag:$0x1] =	stream.linear.gather [hbm4b:s13+s3], $0x50, $0x38;
	[tilespmem:$0x168A0] =	vst v63  }
0x126: {  	_ =	swait.ge [sflag:s7], $0x50  }
0x127: {  	[sflag:s7] =	ssyncset.done $0x0  }
0x128: {  	s15 =	sadd.s32 $0x0, s26;
	[sflag:s7] =	ssyncadd.s32 $0xFFFFFFB0  }
0x129: {  	[tilespmem:s31], [sflag:$0x1] =	stream.linear.gather [hbm4b:s15+s3], $0x50, $0x38;
	[tilespmem:$0x168A0] =	vst v63  }
0x12a: {  	_ =	swait.ge [sflag:s7], $0x50  }
0x12b: {  	[sflag:s7] =	ssyncset.done $0x0  }
0x12c: {  	[sflag:s7] =	ssyncadd.s32 $0xFFFFFFB0  }
0x12d: {  	[tilespmem:s6], [sflag:$0x1] =	stream.indirect.gather [hbm4b:s4+s0], $0x80, s30, s0, $0xb8;
	[tilespmem:$0x168A0] =	vst v63  }
0x12e: {  	_ =	swait.ge [sflag:s7], $0x2800  }
0x12f: {  	[sflag:s7] =	ssyncset.done $0x0  }
0x130: {  	[sflag:s7] =	ssyncadd.s32 $0xFFFFD800  }
0x131: {  	[spmem:s2] =	stream.indirect.scatter.add.f32 [tilespmem:s6], [sflag:$0x1], $0x80, s31, s0, $0xb8;
	[tilespmem:$0x168A0] =	vst v63  }
0x132: {  	_ =	swait.ge [sflag:s7], $0x2800  }
0x133: {  	s9 =	simm.s32 $0x14;
	s8 =	simm.s32 $0xA;
	[sflag:s7] =	ssyncset.done $0x0  }
.LBB2_3:
0x134: {  	s11 =	sadd.s32 s8, s21  }
0x135: {  	[sflag:s7] =	ssyncadd.s32 $0xFFFFD800;
	s13 =	smov.u32 s9;
	s15 =	sadd.s32 $0xA, s9  }
0x136: {  	[tilespmem:s30], [sflag:$0x1] =	stream.linear.gather [hbm4b:s11+s3], $0x50, $0x38;
	[tilespmem:$0x168A0] =	vst v63  }
0x137: {  	p1 =	seq.s32 s9, $0x9BA;
	_ =	swait.ge [sflag:s7], $0x50  }
0x138: {  	[sflag:s7] =	ssyncset.done $0x0  }
0x139: {  	s9 =	sadd.s32 s8, s26;
	s8 =	smov.u32 s13;
	[sflag:s7] =	ssyncadd.s32 $0xFFFFFFB0  }
0x13a: {  	[tilespmem:s31], [sflag:$0x1] =	stream.linear.gather [hbm4b:s9+s3], $0x50, $0x38;
	[tilespmem:$0x168A0] =	vst v63  }
0x13b: {  	_ =	swait.ge [sflag:s7], $0x50  }
0x13c: {  	[sflag:s7] =	ssyncset.done $0x0  }
0x13d: {  	[sflag:s7] =	ssyncadd.s32 $0xFFFFFFB0  }
0x13e: {  	[tilespmem:s6], [sflag:$0x1] =	stream.indirect.gather [hbm4b:s4+s0], $0x80, s30, s0, $0xb8;
	[tilespmem:$0x168A0] =	vst v63  }
0x13f: {  	_ =	swait.ge [sflag:s7], $0x2800  }
.Ltmp5:
0x140: {  	[sflag:s7] =	ssyncset.done $0x0;
	(pc) =	sbr.rel @!p1 .LBB2_3-.Ltmp5, $4  }
0x141: {  	[sflag:s7] =	ssyncadd.s32 $0xFFFFD800  }
0x142: {  	[spmem:s2] =	stream.indirect.scatter.add.f32 [tilespmem:s6], [sflag:$0x1], $0x80, s31, s0, $0xb8;
	[tilespmem:$0x168A0] =	vst v63  }
0x143: {  	_ =	swait.ge [sflag:s7], $0x2800  }
0x144: {  	s9 =	smov.u32 s15;
	[sflag:s7] =	ssyncset.done $0x0  }
0x145: {  	s9 =	sadd.s32 s8, s21;
	[sflag:s7] =	ssyncadd.s32 $0xFFFFD800  }
0x146: {  	[tilespmem:s30], [sflag:$0x1] =	stream.linear.gather [hbm4b:s9+s3], $0x50, $0x38;
	[tilespmem:$0x168A0] =	vst v63  }
0x147: {  	_ =	swait.ge [sflag:s7], $0x50  }
0x148: {  	[sflag:s7] =	ssyncset.done $0x0  }
0x149: {  	s15 =	sadd.s32 s8, s26;
	[sflag:s7] =	ssyncadd.s32 $0xFFFFFFB0  }
0x14a: {  	[tilespmem:s31], [sflag:$0x1] =	stream.linear.gather [hbm4b:s15+s3], $0x50, $0x38;
	[tilespmem:$0x168A0] =	vst v63  }
0x14b: {  	_ =	swait.ge [sflag:s7], $0x50  }
0x14c: {  	[sflag:s7] =	ssyncset.done $0x0  }
0x14d: {  	[sflag:s7] =	ssyncadd.s32 $0xFFFFFFB0  }
0x14e: {  	[tilespmem:s6], [sflag:$0x1] =	stream.indirect.gather [hbm4b:s4+s0], $0x80, s30, s0, $0xb8;
	[tilespmem:$0x168A0] =	vst v63  }
0x14f: {  	_ =	swait.ge [sflag:s7], $0x2800  }
0x150: {  	[sflag:s7] =	ssyncset.done $0x0  }
.Ltmp6:
0x151: {  	[sflag:s7] =	ssyncadd.s32 $0xFFFFD800;
	(pc) =	sbr.rel .LBB2_8-.Ltmp6, $4  }
0x152: {  	[spmem:s2] =	stream.indirect.scatter.add.f32 [tilespmem:s6], [sflag:$0x1], $0x80, s31, s0, $0xb8;
	[tilespmem:$0x168A0] =	vst v63  }
0x153: {  	_ =	swait.ge [sflag:s7], $0x2800  }
0x154: {  	[sflag:s7] =	ssyncset.done $0x0  }
0x155: {  	s8 =	rddreg [dreg:$0x4];
	[sflag:s7] =	ssyncadd.s32 $0xFFFFD800  }
.LBB2_9:
0x156: {  	_ =	sfence.sel $0x180000  }
0x157: {  	[bflag:$0x0] =	sbarrier.arrive $0xFFFF  }
0x158: {  	_ =	strace $0x9000004A  }
0x159: {  	s0 =	stileid.u32;
	[bflag:$0x2] =	sbarrier.arrive $0xFFFF  }
0x15a: {  	p0 =	sne.s32 s0, $0x0;
	s0 =	rddreg [dreg:$0x3]  }
0x15b: {  	s0 =	sadd.s32 @!p0 $0x100000, s0  }
0x15c: {  	[sflag:s0] =	ssyncadd.tile.s32 @!p0 $0x1;
	_ =	shalt  }
.Lfunc_end2:
_tile_overlayer_lowered:
.L_overlay_start_2:
0x15d: {  	(tag) =	ssettag $0x2  }
0x15e: {  	s0 =	rddreg [dreg:$0x0];
	s2 =	stileid.u32  }
0x15f: {  	s1 =	rddreg [dreg:$0x1];
	p0 =	sne.s32 s2, $0x0  }
0x160: {  	s3 =	rddreg [dreg:$0x2];
	[bflag:$0x3] =	sbarrier.arrive $0xFFFF;
	s2 =	simm.s32 @!p0 $0x1C01  }
0x161: {  	[timem:s3], [sflag:s2] =	dma.local @!p0 [hbm:s0], s1  }
0x162: {  	s0 =	simm.s32 @!p0 $0x1  }
0x163: {  	_ =	swait.ge @!p0 [sflag:s0], s1  }
0x164: {  	s1 =	ssub.s32 @!p0 $0x0, s1;
	[sflag:s0] =	ssyncset.done @!p0 $0x0  }
0x165: {  	[sflag:s0] =	ssyncadd.s32 @!p0 s1  }
0x166: {  	[bflag:$0x3] =	sbarrier.arrive $0xFFFF  }
0x167: {  	_ =	shalt  }

// kernel: kernel.14.cloned.1.call-start
scs
__scs_entry_jumppad:
0x0: {  	(pc) =	sbr.rel $0x88, $3  }
0x1: {  	(tag) =	ssettag $0x0;
	lr =	simm.s32 $0x1  }
0x2: {  	[smem:$0x3F96] =	sst lr;
	_ =	strace $0xD0000000  }
0x3: {  	_ = 	snop  }
0x4: {  	_ = 	snop  }
0x5: {  	_ = 	snop  }
0x6: {  	_ = 	snop  }
0x7: {  	_ = 	snop  }
__scs_overlays_trampoline_lowered:
0x8: {  	[smem:$0x3FA5] =	sst s0  }
0x9: {  	[smem:$0x3FA6] =	sst s1  }
0xa: {  	[smem:$0x3FA7] =	sst s2  }
0xb: {  	[smem:$0x3FA8] =	sst s3  }
0xc: {  	[smem:$0x3FA9] =	sst s4  }
0xd: {  	[smem:$0x3FAA] =	sst s5  }
0xe: {  	[smem:$0x3FAB] =	sst s6  }
0xf: {  	[smem:$0x3FAC] =	sst s7  }
0x10: {  	[smem:$0x3FAD] =	sst s8  }
0x11: {  	[smem:$0x3FAE] =	sst s9;
	s0 =	simm.s32 @!p0 $0x0  }
0x12: {  	s1 =	sld [smem:$0x3F94];
	s0 =	simm.s32 @p0 $0x1  }
0x13: {  	[smem:$0x3FAF] =	sst s0;
	s0 =	simm.s32 @!p1 $0x0  }
0x14: {  	s2 =	sld [smem:$0x3F93];
	s0 =	simm.s32 @p1 $0x1  }
0x15: {  	[smem:$0x3FB0] =	sst s0;
	s0 =	simm.s32 @!p2 $0x0  }
0x16: {  	s3 =	sld [smem:$0x3FDB];
	s0 =	simm.s32 @p2 $0x1  }
0x17: {  	s4 =	simm.s32 $0x1BF5;
	[smem:$0x3FB2] =	sst s0  }
0x18: {  	s0 =	sld [smem:$0x3F95];
	_ =	swait.ge [sflag:s4], $0x0  }
0x19: {  	s7 =	sld [smem:$0x3F96]  }
0x1a: {  	s8 =	sadd.s32 $0xFFFFE003, lr  }
0x1b: {  	s9 =	sadd.s32 $0xFFFFFEF7, lr;
	s5 =	simm.s32 $0xFFFFFFFF;
	p2 =	slt.u32 s8, $0xFFFFF086  }
0x1c: {  	p1 =	slt.u32 s9, $0xF7A;
	s5 =	simm.s32 @!p2 $0x0  }
0x1d: {  	s5 =	simm.s32 @p1 $0x1;
	p0 =	seq.s32 s7, s2  }
0x1e: {  	s7 =	smul.u32 @!p0 $0xF7A, s2;
	p2 =	seq.s32 @!p0 s5, $0x0  }
0x1f: {  	s9 =	smul.u32 $0xF7A, s1;
	s8 =	simm.s32 @!p0 $0x1BF5;
	p2 =	por !p2, p0  }
0x20: {  	[sflag:s8] =	ssyncset.s32 @!p0 $0xFFFFF086;
	s6 =	sadd.s32 @!p0 s3, s7;
	s7 =	simm.s32 @!p0 $0x108  }
0x21: {  	s3 =	sadd.s32 s3, s9;
	s6 =	sadd.s32 @!p0 $0x88, s6;
	s7 =	simm.s32 @p2 $0x1082  }
0x22: {  	[simem:s7], [sflag:s8] =	dma.local @!p0 [hbm:s6], $0xF7A  }
0x23: {  	s9 =	sor.u32 $0xD0000000, s2;
	s6 =	simm.s32 $0x108;
	_ =	swait.ge @!p0 [sflag:s8], $0x0  }
0x24: {  	s3 =	sadd.s32 $0x88, s3;
	s6 =	simm.s32 @!p1 $0x1082;
	[sflag:s4] =	ssyncset.s32 $0xFFFFF086  }
0x25: {  	[simem:s6], [sflag:s4] =	dma.local [hbm:s3], $0xF7A  }
0x26: {  	[smem:$0x3F96] =	sst s1;
	(tag) =	ssettag s2;
	_ =	strace s9  }
0x27: {  	s1 =	sld [smem:$0x3FA6]  }
0x28: {  	s2 =	sld [smem:$0x3FA7]  }
0x29: {  	s4 =	sld [smem:$0x3FA9]  }
0x2a: {  	p0 =	seq.s32 s5, $0x0;
	s5 =	sld [smem:$0x3FAA]  }
0x2b: {  	s6 =	sld [smem:$0x3FAB]  }
0x2c: {  	s7 =	sld [smem:$0x3FAC]  }
0x2d: {  	s3 =	simm.s32 $0x108;
	s8 =	sld [smem:$0x3FAD]  }
0x2e: {  	s3 =	simm.s32 @!p0 $0x1082;
	s9 =	sld [smem:$0x3FAE]  }
0x2f: {  	lr =	sadd.s32 s0, s3;
	s0 =	sld [smem:$0x3FA5]  }
0x30: {  	s3 =	sld [smem:$0x3FA8]  }
0x31: {  	[smem:$0x3FB1] =	sst s10  }
0x32: {  	s10 =	sld [smem:$0x3FAF];
	_ =	sdelay $0x3  }
0x33: {  	p0 =	seq.s32 s10, $0x1;
	s10 =	sld [smem:$0x3FB1];
	_ =	sdelay $0x3  }
0x34: {  	[smem:$0x3FB1] =	sst s10  }
0x35: {  	s10 =	sld [smem:$0x3FB0];
	_ =	sdelay $0x3  }
0x36: {  	p1 =	seq.s32 s10, $0x1;
	s10 =	sld [smem:$0x3FB1];
	_ =	sdelay $0x3  }
0x37: {  	[smem:$0x3FB1] =	sst s10  }
0x38: {  	s10 =	sld [smem:$0x3FB2]  }
0x39: {  	_ = 	snop;
	(pc) =	sbr.ind lr, $3  }
0x3a: {  	_ = 	snop  }
0x3b: {  	_ = 	snop  }
0x3c: {  	p2 =	seq.s32 s10, $0x1;
	s10 =	sld [smem:$0x3FB1]  }
0x3d: {  	_ =	shalt  }
0x3e: {  	_ =	shalt  }
0x3f: {  	_ =	shalt  }
0x40: {  	_ =	shalt  }
0x41: {  	_ =	shalt  }
0x42: {  	_ =	shalt  }
0x43: {  	_ =	shalt  }
0x44: {  	_ =	shalt  }
0x45: {  	_ =	shalt  }
0x46: {  	_ =	shalt  }
0x47: {  	_ =	shalt  }
0x48: {  	_ =	shalt  }
0x49: {  	_ =	shalt  }
0x4a: {  	_ =	shalt  }
0x4b: {  	_ =	shalt  }
0x4c: {  	_ =	shalt  }
0x4d: {  	_ =	shalt  }
0x4e: {  	_ =	shalt  }
0x4f: {  	_ =	shalt  }
0x50: {  	_ =	shalt  }
0x51: {  	_ =	shalt  }
0x52: {  	_ =	shalt  }
0x53: {  	_ =	shalt  }
0x54: {  	_ =	shalt  }
0x55: {  	_ =	shalt  }
0x56: {  	_ =	shalt  }
0x57: {  	_ =	shalt  }
0x58: {  	_ =	shalt  }
0x59: {  	_ =	shalt  }
0x5a: {  	_ =	shalt  }
0x5b: {  	_ =	shalt  }
0x5c: {  	_ =	shalt  }
0x5d: {  	_ =	shalt  }
0x5e: {  	_ =	shalt  }
0x5f: {  	_ =	shalt  }
0x60: {  	_ =	shalt  }
0x61: {  	_ =	shalt  }
0x62: {  	_ =	shalt  }
0x63: {  	_ =	shalt  }
0x64: {  	_ =	shalt  }
0x65: {  	_ =	shalt  }
0x66: {  	_ =	shalt  }
0x67: {  	_ =	shalt  }
0x68: {  	_ =	shalt  }
0x69: {  	_ =	shalt  }
0x6a: {  	_ =	shalt  }
0x6b: {  	_ =	shalt  }
0x6c: {  	_ =	shalt  }
0x6d: {  	_ =	shalt  }
0x6e: {  	_ =	shalt  }
0x6f: {  	_ =	shalt  }
0x70: {  	_ =	shalt  }
0x71: {  	_ =	shalt  }
0x72: {  	_ =	shalt  }
0x73: {  	_ =	shalt  }
0x74: {  	_ =	shalt  }
0x75: {  	_ =	shalt  }
0x76: {  	_ =	shalt  }
0x77: {  	_ =	shalt  }
0x78: {  	_ =	shalt  }
0x79: {  	_ =	shalt  }
0x7a: {  	_ =	shalt  }
0x7b: {  	_ =	shalt  }
0x7c: {  	_ =	shalt  }
0x7d: {  	_ =	shalt  }
0x7e: {  	_ =	shalt  }
0x7f: {  	_ =	shalt  }
0x80: {  	_ =	shalt  }
0x81: {  	_ =	shalt  }
0x82: {  	_ =	shalt  }
0x83: {  	_ =	shalt  }
0x84: {  	_ =	shalt  }
0x85: {  	_ =	shalt  }
0x86: {  	_ =	shalt  }
0x87: {  	_ =	shalt  }
.Lfunc_end0:
.L_simem_size_0:
called_computation.2_lowered:
.L_overlay_start_0:
0x88: {  	s2 =	sld [smem:$0x3FD9]  }
0x89: {  	s3 =	sld [smem:$0x3FFE];
	_ =	sdelay $0x1  }
0x8a: {  	s1 =	srdreg.scid  }
0x8b: {  	s0 =	sand.u32 $0x1, s1  }
0x8c: {  	s17 =	sshll.u32 s0, $0xA;
	s2 =	sadd.s32 s3, s2  }
0x8d: {  	s2 =	sadd.s32 s2, s17  }
0x8e: {  	[smem:$0x3FBD] =	sst s2  }
0x8f: {  	_ = 	snop  }
0x90: {  	s2 =	sld [smem:$0x3FD0];
	(tm) =	ssettm $0x1  }
0x91: {  	s18 =	sld [smem:$0x3FFB];
	_ =	sdelay $0x3  }
0x92: {  	_ =	strace s18  }
0x93: {  	s3 =	sld [smem:$0x3FFC];
	_ =	sdelay $0x3  }
0x94: {  	_ =	strace s3  }
0x95: {  	s3 =	sld [smem:$0x3FFD];
	_ =	sdelay $0x3  }
0x96: {  	_ =	strace s3  }
0x97: {  	_ =	strace $0x8FFFFFFF  }
0x98: {  	s19 =	sld [smem:$0x3FDB];
	_ =	sdelay $0x1  }
0x99: {  	s4 =	simm.s32 $_scs_section_size  }
0x9a: {  	s5 =	simm.s32 $_size__tile_overlayer_lowered;
	s6 =	simm.s32 $_tile_overlayer_lowered  }
0x9b: {  	s22 =	simm.s32 $0x1BFF;
	s21 =	sshll.u32 s6, $0x1;
	s3 =	sadd.s32 s4, s19  }
0x9c: {  	s7 =	simm.s32 $0x0;
	s20 =	sshll.u32 s5, $0x1;
	s5 =	sadd.s32 s21, s3  }
0x9d: {  	[timem:s7], [sflag:s22] =	dma.local [hbm:s5], s20  }
0x9e: {  	_ =	swait.ge [sflag:s22], s20  }
0x9f: {  	s4 =	ssub.s32 $0x0, s20;
	[sflag:s22] =	ssyncset.done $0x0  }
0xa0: {  	[sflag:s22] =	ssyncadd.s32 s4;
	_ =	sdelay $0x1  }
0xa1: {  	s23 =	simm.s32 $0x1B8B  }
0xa2: {  	_ =	swait.ge [sflag:s23], $0x1  }
0xa3: {  	[sflag:s23] =	ssyncset.done $0x0  }
0xa4: {  	s25 =	simm.s32 $0x1B8E;
	s24 =	sld [smem:$0x3FFE];
	[sflag:s23] =	ssyncadd.s32 $0xFFFFFFFF  }
0xa5: {  	s26 =	simm.s32 $execute0_lowered;
	[smem:$0x3FD2] =	sst s25  }
0xa6: {  	s5 =	sshll.u32 s26, $0x1;
	_ =	strace $0x8000004C;
	[dreg:$0x1] =	wrdreg $0xFFFFFFFF  }
0xa7: {  	s28 =	simm.s32 $_size_execute0_lowered;
	s3 =	sadd.s32 s3, s5;
	[dreg:$0x0] =	wrdreg $0x0  }
0xa8: {  	s5 =	sshll.u32 s28, $0x1;
	[dreg:$0x2] =	wrdreg s3  }
0xa9: {  	[dreg:$0x3] =	wrdreg s5  }
0xaa: {  	[dreg:$0x4] =	wrdreg $0xC0  }
0xab: {  	_ =	task [dreg:s7], $0x5FFFF  }
0xac: {  	[dreg:$0x1] =	wrdreg $0xFFFFFFFF  }
0xad: {  	[dreg:$0x0] =	wrdreg $0x60  }
0xae: {  	[dreg:$0x2] =	wrdreg s24  }
0xaf: {  	[dreg:$0x3] =	wrdreg s2  }
0xb0: {  	[dreg:$0x4] =	wrdreg $0x0  }
0xb1: {  	[dreg:$0x5] =	wrdreg $0x9  }
0xb2: {  	_ =	task.clear_ibuf [dreg:s7], $0x6FFFF;
	_ =	strace $0x9000004C  }
0xb3: {  	s29 =	simm.s32 $0x9;
	_ =	strace $0x8000004E  }
0xb4: {  	_ =	swait.ge [sflag:s29], $0x1  }
0xb5: {  	[sflag:s29] =	ssyncadd.s32 $0xFFFFFFFF  }
0xb6: {  	_ =	strace $0x9000004E  }
0xb7: {  	_ =	sfence  }
0xb8: {  	s30 =	sld [smem:$0x0];
	_ =	sdelay $0x2  }
0xb9: {  	s31 =	sshll.u32 s1, $0xD;
	s1 =	sshrl.u32 s1, $0x2  }
0xba: {  	s3 =	sand.u32 $0x4000, s31;
	s1 =	sadd.s32 s1, s30  }
0xbb: {  	s0 =	sor.u32 s3, s0;
	s1 =	sshll.u32 s1, $0x11  }
0xbc: {  	s0 =	sor.u32 s1, s0  }
0xbd: {  	s0 =	sadd.s32 $0x8F2B, s0  }
0xbe: {  	[sflag:s0] =	ssyncadd.remote.s32 $0x1  }
0xbf: {  	_ =	sfence.sel $0xFFFF  }
0xc0: {  	[dreg:$0x0] =	wrdreg $0xFFFFFFFF;
	(pc) =	sbr.abs _section_cstart, $3  }
0xc1: {  	[dreg:$0x1] =	wrdreg $0xFFFFFFFF  }
0xc2: {  	_ =	task.clear_ibuf [dreg:s7], $0x2FFFF;
	_ =	strace $0x9FFFFFFF  }
0xc3: {  	(tm) =	ssettm $0x7FFFFFFF  }
tec
execute0_lowered:
.L_overlay_start_1:
0x0: {  	(tag) =	ssettag $0x1  }
0x1: {  	s0 =	rddreg [dreg:$0x0]  }
0x2: {  	s1 =	rddreg [dreg:$0x1]  }
0x3: {  	s2 =	rddreg [dreg:$0x2];
	s11 =	stileid.u32  }
0x4: {  	s3 =	simm.s32 $0x0;
	s4 =	srdreg.scid;
	s6 =	smul.u32 $0x9C4, s11  }
0x5: {  	[smem:$0x7FF] =	sst s3;
	s7 =	sand.u32 $0x1, s4;
	s22 =	smul.u32 $0x280, s11  }
0x6: {  	s4 =	sadd.s32 $0x8F400, s0;
	s5 =	sadd.s32 $0x7B400, s0;
	s26 =	smul.u32 $0x28000, s11  }
0x7: {  	s12 =	sadd.s32 $0xB7400, s0;
	s11 =	smul.u32 $0x1400, s11;
	_ =	strace $0x8000004D  }
0x8: {  	s8 =	ssub.s32 $0x2, s7;
	[dreg:$0x4] =	wrdreg s12;
	p0 =	seq.s32 s7, $0x1  }
0x9: {  	s9 =	sadd.s32 s6, s0;
	s10 =	sshrl.u32 s8, $0x1;
	s0 =	sadd.s32 $0xA3400, s0  }
0xa: {  	s12 =	sshrl.u32 s26, $0x2;
	s13 =	sor.u32 $0x50, s22;
	s15 =	sadd.s32 $0xA0, s22  }
0xb: {  	s17 =	sadd.s32 $0xF0, s22;
	s18 =	sadd.s32 $0x140, s22;
	s20 =	sadd.s32 $0x190, s22  }
0xc: {  	s23 =	sadd.s32 $0x1E0, s22;
	s25 =	sadd.s32 $0x230, s22;
	[dreg:$0x7] =	wrdreg s11  }
0xd: {  	s8 =	ssub.s32 s8, s10;
	[dreg:$0x5] =	wrdreg s0;
	s14 =	sshll.u32 s13, $0x6  }
0xe: {  	s13 =	sshll.u32 s13, $0x3;
	s16 =	sshll.u32 s15, $0x6;
	s15 =	sshll.u32 s15, $0x3  }
0xf: {  	s30 =	sshll.u32 s17, $0x3;
	s0 =	sshll.u32 s17, $0x6;
	s19 =	sshll.u32 s18, $0x6  }
0x10: {  	s7 =	sshll.u32 s18, $0x3;
	s21 =	sshll.u32 s20, $0x6;
	s24 =	sshll.u32 s23, $0x6  }
0x11: {  	s22 =	sshll.u32 s23, $0x3;
	s26 =	sshll.u32 s25, $0x6;
	s28 =	sadd.s32 $0xD800, s9  }
0x12: {  	s29 =	sadd.s32 $0x3A00, s9;
	s8 =	smax.u32 s8, $0x1;
	[dreg:$0x8] =	wrdreg s13  }
0x13: {  	s18 =	sadd.s32 s19, s2;
	s23 =	sadd.s32 s24, s2;
	[dreg:$0x9] =	wrdreg s15  }
0x14: {  	s24 =	sshll.u32 s25, $0x3;
	s25 =	sadd.s32 s26, s2;
	[dreg:$0xa] =	wrdreg s30  }
0x15: {  	s26 =	sadd.s32 $0x17600, s9;
	s9 =	sadd.s32 s4, s15;
	[dreg:$0x6] =	wrdreg s8  }
0x16: {  	s17 =	sadd.s32 s4, s30;
	s19 =	sadd.s32 s4, s7;
	[dreg:$0xd] =	wrdreg s9  }
0x17: {  	s8 =	sshll.u32 s20, $0x3;
	s20 =	sadd.s32 s21, s2;
	[dreg:$0xe] =	wrdreg s17  }
0x18: {  	s21 =	sadd.s32 s6, s1;
	s1 =	sadd.s32 s4, s11;
	[dreg:$0xf] =	wrdreg s19  }
0x19: {  	s6 =	sadd.s32 s4, s13;
	[dreg:$0xb] =	wrdreg s1  }
0x1a: {  	s31 =	simm.s32 $0xA050;
	s9 =	sadd.s32 s4, s24;
	[dreg:$0xc] =	wrdreg s6  }
0x1b: {  	s10 =	sadd.s32 s12, s2;
	s17 =	sadd.s32 s5, s11;
	[dreg:$0x12] =	wrdreg s9  }
0x1c: {  	s12 =	sadd.s32 s14, s2;
	s19 =	sadd.s32 s5, s13;
	[dreg:$0x13] =	wrdreg s17  }
0x1d: {  	s14 =	sadd.s32 s16, s2;
	s13 =	sadd.s32 s5, s22;
	[dreg:$0x14] =	wrdreg s19  }
0x1e: {  	s16 =	sadd.s32 s0, s2;
	s1 =	sadd.s32 s4, s8;
	[dreg:$0x19] =	wrdreg s13  }
0x1f: {  	s0 =	simm.s32 $0x50;
	s6 =	sadd.s32 s4, s22;
	[dreg:$0x10] =	wrdreg s1  }
0x20: {  	s17 =	smov.u32 s7;
	s9 =	sadd.s32 s5, s7;
	[dreg:$0x11] =	wrdreg s6  }
.Ltmp0:
0x21: {  	s11 =	sadd.s32 s5, s8;
	[dreg:$0x17] =	wrdreg s9;
	(pc) =	sbr.rel .LBB2_1-.Ltmp0, $4  }
0x22: {  	s19 =	smov.u32 s8;
	s1 =	sadd.s32 s5, s15;
	[dreg:$0x18] =	wrdreg s11  }
0x23: {  	s7 =	simm.s32 $0x1;
	s6 =	sadd.s32 s5, s30;
	[dreg:$0x15] =	wrdreg s1  }
0x24: {  	s15 =	sadd.s32 s5, s24;
	s30 =	simm.s32 $0xA000;
	[dreg:$0x16] =	wrdreg s6  }
0x25: {  	[dreg:$0x1a] =	wrdreg s15;
	s6 =	simm.s32 $0xA0A0;
	s1 =	simm.s32 $0x0  }
.LBB2_7:
0x26: {  	s9 =	sadd.s32 s8, s29;
	[sflag:s7] =	ssyncadd.s32 $0xFFFFEC00  }
0x27: {  	[tilespmem:s30], [sflag:$0x1] =	stream.linear.gather [hbm4b:s9+s3], $0x50, $0x38;
	[tilespmem:$0xB4A0] =	vst v63  }
0x28: {  	_ =	swait.ge [sflag:s7], $0x50  }
0x29: {  	[sflag:s7] =	ssyncset.done $0x0  }
0x2a: {  	s15 =	sadd.s32 s8, s28;
	[sflag:s7] =	ssyncadd.s32 $0xFFFFFFB0  }
0x2b: {  	[tilespmem:s31], [sflag:$0x1] =	stream.linear.gather [hbm4b:s15+s3], $0x50, $0x38;
	[tilespmem:$0xB4A0] =	vst v63  }
0x2c: {  	_ =	swait.ge [sflag:s7], $0x50  }
0x2d: {  	[sflag:s7] =	ssyncset.done $0x0  }
0x2e: {  	[sflag:s7] =	ssyncadd.s32 $0xFFFFFFB0  }
0x2f: {  	[tilespmem:s6], [sflag:$0x1] =	stream.indirect.gather [hbm4b:s5+s0], $0x40, s30, s0, $0xb8;
	[tilespmem:$0xB4A0] =	vst v63  }
0x30: {  	_ =	swait.ge [sflag:s7], $0x1400  }
0x31: {  	[sflag:s7] =	ssyncset.done $0x0  }
0x32: {  	[sflag:s7] =	ssyncadd.s32 $0xFFFFEC00  }
0x33: {  	[spmem:s2] =	stream.indirect.scatter.add.f32 [tilespmem:s6], [sflag:$0x1], $0x40, s31, s0, $0xb8;
	[tilespmem:$0xB4A0] =	vst v63  }
0x34: {  	_ =	swait.ge [sflag:s7], $0x1400  }
0x35: {  	[sflag:s7] =	ssyncset.done $0x0  }
0x36: {  	s8 =	rddreg [dreg:$0x5];
	[sflag:s7] =	ssyncadd.s32 $0xFFFFEC00  }
.LBB2_8:
0x37: {  	[bflag:$0x0] =	sbarrier.arrive $0xFFFF  }
0x38: {  	[tilespmem:s6], [sflag:$0x1] =	stream.linear.gather [spmem:s10], $0x1400, $0x38;
	[tilespmem:$0xB4A0] =	vst v63  }
0x39: {  	_ =	swait.ge [sflag:s7], $0x1400  }
0x3a: {  	[sflag:s7] =	ssyncset.done $0x0;
	s9 =	rddreg [dreg:$0x7]  }
0x3b: {  	s9 =	sadd.s32 s8, s9;
	[sflag:s7] =	ssyncadd.s32 $0xFFFFEC00  }
0x3c: {  	[hbm4b:s9+s3] =	stream.linear.scatter [tilespmem:s6], [sflag:$0x1], $0x1400, $0x38;
	[tilespmem:$0xB4A0] =	vst v63  }
0x3d: {  	_ =	swait.ge [sflag:s7], $0x1400  }
0x3e: {  	[sflag:s7] =	ssyncset.done $0x0  }
0x3f: {  	[sflag:s7] =	ssyncadd.s32 $0xFFFFEC00  }
0x40: {  	[tilespmem:s6], [sflag:$0x1] =	stream.linear.gather [spmem:s12], $0x1400, $0x38;
	[tilespmem:$0xB4A0] =	vst v63  }
0x41: {  	_ =	swait.ge [sflag:s7], $0x1400  }
0x42: {  	[sflag:s7] =	ssyncset.done $0x0;
	s13 =	rddreg [dreg:$0x8]  }
0x43: {  	s9 =	sadd.s32 s8, s13;
	[sflag:s7] =	ssyncadd.s32 $0xFFFFEC00  }
0x44: {  	[hbm4b:s9+s3] =	stream.linear.scatter [tilespmem:s6], [sflag:$0x1], $0x1400, $0x38;
	[tilespmem:$0xB4A0] =	vst v63  }
0x45: {  	_ =	swait.ge [sflag:s7], $0x1400  }
0x46: {  	[sflag:s7] =	ssyncset.done $0x0  }
0x47: {  	[sflag:s7] =	ssyncadd.s32 $0xFFFFEC00  }
0x48: {  	[tilespmem:s6], [sflag:$0x1] =	stream.linear.gather [spmem:s14], $0x1400, $0x38;
	[tilespmem:$0xB4A0] =	vst v63  }
0x49: {  	_ =	swait.ge [sflag:s7], $0x1400  }
0x4a: {  	[sflag:s7] =	ssyncset.done $0x0;
	s15 =	rddreg [dreg:$0x9]  }
0x4b: {  	s9 =	sadd.s32 s8, s15;
	[sflag:s7] =	ssyncadd.s32 $0xFFFFEC00  }
0x4c: {  	[hbm4b:s9+s3] =	stream.linear.scatter [tilespmem:s6], [sflag:$0x1], $0x1400, $0x38;
	[tilespmem:$0xB4A0] =	vst v63  }
0x4d: {  	_ =	swait.ge [sflag:s7], $0x1400  }
0x4e: {  	[sflag:s7] =	ssyncset.done $0x0  }
0x4f: {  	[sflag:s7] =	ssyncadd.s32 $0xFFFFEC00  }
0x50: {  	[tilespmem:s6], [sflag:$0x1] =	stream.linear.gather [spmem:s16], $0x1400, $0x38;
	[tilespmem:$0xB4A0] =	vst v63  }
0x51: {  	_ =	swait.ge [sflag:s7], $0x1400  }
0x52: {  	[sflag:s7] =	ssyncset.done $0x0;
	s11 =	rddreg [dreg:$0xa]  }
0x53: {  	s9 =	sadd.s32 s8, s11;
	[sflag:s7] =	ssyncadd.s32 $0xFFFFEC00  }
0x54: {  	[hbm4b:s9+s3] =	stream.linear.scatter [tilespmem:s6], [sflag:$0x1], $0x1400, $0x38;
	[tilespmem:$0xB4A0] =	vst v63  }
0x55: {  	_ =	swait.ge [sflag:s7], $0x1400  }
0x56: {  	[sflag:s7] =	ssyncset.done $0x0  }
0x57: {  	[sflag:s7] =	ssyncadd.s32 $0xFFFFEC00  }
0x58: {  	[tilespmem:s6], [sflag:$0x1] =	stream.linear.gather [spmem:s18], $0x1400, $0x38;
	[tilespmem:$0xB4A0] =	vst v63  }
0x59: {  	_ =	swait.ge [sflag:s7], $0x1400  }
0x5a: {  	[sflag:s7] =	ssyncset.done $0x0  }
0x5b: {  	s13 =	sadd.s32 s8, s17;
	[sflag:s7] =	ssyncadd.s32 $0xFFFFEC00  }
0x5c: {  	[hbm4b:s13+s3] =	stream.linear.scatter [tilespmem:s6], [sflag:$0x1], $0x1400, $0x38;
	[tilespmem:$0xB4A0] =	vst v63  }
0x5d: {  	_ =	swait.ge [sflag:s7], $0x1400  }
0x5e: {  	[sflag:s7] =	ssyncset.done $0x0  }
0x5f: {  	[sflag:s7] =	ssyncadd.s32 $0xFFFFEC00  }
0x60: {  	[tilespmem:s6], [sflag:$0x1] =	stream.linear.gather [spmem:s20], $0x1400, $0x38;
	[tilespmem:$0xB4A0] =	vst v63  }
0x61: {  	_ =	swait.ge [sflag:s7], $0x1400  }
0x62: {  	[sflag:s7] =	ssyncset.done $0x0  }
0x63: {  	s15 =	sadd.s32 s8, s19;
	[sflag:s7] =	ssyncadd.s32 $0xFFFFEC00  }
0x64: {  	[hbm4b:s15+s3] =	stream.linear.scatter [tilespmem:s6], [sflag:$0x1], $0x1400, $0x38;
	[tilespmem:$0xB4A0] =	vst v63  }
0x65: {  	_ =	swait.ge [sflag:s7], $0x1400  }
0x66: {  	[sflag:s7] =	ssyncset.done $0x0  }
0x67: {  	[sflag:s7] =	ssyncadd.s32 $0xFFFFEC00  }
0x68: {  	[tilespmem:s6], [sflag:$0x1] =	stream.linear.gather [spmem:s23], $0x1400, $0x38;
	[tilespmem:$0xB4A0] =	vst v63  }
0x69: {  	_ =	swait.ge [sflag:s7], $0x1400  }
0x6a: {  	[sflag:s7] =	ssyncset.done $0x0  }
0x6b: {  	s11 =	sadd.s32 s8, s22;
	[sflag:s7] =	ssyncadd.s32 $0xFFFFEC00  }
0x6c: {  	[hbm4b:s11+s3] =	stream.linear.scatter [tilespmem:s6], [sflag:$0x1], $0x1400, $0x38;
	[tilespmem:$0xB4A0] =	vst v63  }
0x6d: {  	_ =	swait.ge [sflag:s7], $0x1400  }
0x6e: {  	[sflag:s7] =	ssyncset.done $0x0  }
0x6f: {  	[sflag:s7] =	ssyncadd.s32 $0xFFFFEC00  }
0x70: {  	[tilespmem:s6], [sflag:$0x1] =	stream.linear.gather [spmem:s25], $0x1400, $0x38;
	[tilespmem:$0xB4A0] =	vst v63  }
0x71: {  	_ =	swait.ge [sflag:s7], $0x1400  }
0x72: {  	[sflag:s7] =	ssyncset.done $0x0  }
0x73: {  	s13 =	sadd.s32 s8, s24;
	[sflag:s7] =	ssyncadd.s32 $0xFFFFEC00  }
0x74: {  	[hbm4b:s13+s3] =	stream.linear.scatter [tilespmem:s6], [sflag:$0x1], $0x1400, $0x38;
	[tilespmem:$0xB4A0] =	vst v63  }
0x75: {  	_ =	swait.ge [sflag:s7], $0x1400  }
0x76: {  	s1 =	sadd.s32 $0x1, s1;
	s15 =	rddreg [dreg:$0x6]  }
0x77: {  	p1 =	sne.s32 s1, s15  }
.Ltmp1:
0x78: {  	_ = 	snop;
	(pc) =	sbr.rel @!p1 .LBB2_9-.Ltmp1, $3  }
0x79: {  	_ =	sdelay $0x1  }
0x7a: {  	[sflag:s7] =	ssyncset.done $0x0  }
0x7b: {  	[sflag:s7] =	ssyncadd.s32 $0xFFFFEC00  }
.LBB2_1:
.Ltmp2:
0x7c: {  	(pc) =	sbr.rel @!p0 .LBB2_2-.Ltmp2, $2  }
0x7d: {  	_ =	sdelay $0x2  }
0x7e: {  	s8 =	simm.s32 $0x0  }
0x7f: {  	s9 =	rddreg [dreg:$0x13]  }
0x80: {  	[tilespmem:s6], [sflag:$0x1] =	stream.linear.gather [hbm4b:s9+s8], $0x1400, $0x38;
	[tilespmem:$0xB4A0] =	vst v63  }
0x81: {  	_ =	swait.ge [sflag:s7], $0x1400  }
0x82: {  	[sflag:s7] =	ssyncset.done $0x0  }
0x83: {  	[sflag:s7] =	ssyncadd.s32 $0xFFFFEC00  }
0x84: {  	[spmem:s10] =	stream.linear.scatter [tilespmem:s6], [sflag:$0x1], $0x1400, $0x38;
	[tilespmem:$0xB4A0] =	vst v63  }
0x85: {  	_ =	swait.ge [sflag:s7], $0x1400  }
0x86: {  	[sflag:s7] =	ssyncset.done $0x0  }
0x87: {  	s11 =	rddreg [dreg:$0x14];
	[sflag:s7] =	ssyncadd.s32 $0xFFFFEC00  }
0x88: {  	[tilespmem:s6], [sflag:$0x1] =	stream.linear.gather [hbm4b:s11+s8], $0x1400, $0x38;
	[tilespmem:$0xB4A0] =	vst v63  }
0x89: {  	_ =	swait.ge [sflag:s7], $0x1400  }
0x8a: {  	[sflag:s7] =	ssyncset.done $0x0  }
0x8b: {  	[sflag:s7] =	ssyncadd.s32 $0xFFFFEC00  }
0x8c: {  	[spmem:s12] =	stream.linear.scatter [tilespmem:s6], [sflag:$0x1], $0x1400, $0x38;
	[tilespmem:$0xB4A0] =	vst v63  }
0x8d: {  	_ =	swait.ge [sflag:s7], $0x1400  }
0x8e: {  	[sflag:s7] =	ssyncset.done $0x0  }
0x8f: {  	s13 =	rddreg [dreg:$0x15];
	[sflag:s7] =	ssyncadd.s32 $0xFFFFEC00  }
0x90: {  	[tilespmem:s6], [sflag:$0x1] =	stream.linear.gather [hbm4b:s13+s8], $0x1400, $0x38;
	[tilespmem:$0xB4A0] =	vst v63  }
0x91: {  	_ =	swait.ge [sflag:s7], $0x1400  }
0x92: {  	[sflag:s7] =	ssyncset.done $0x0  }
0x93: {  	[sflag:s7] =	ssyncadd.s32 $0xFFFFEC00  }
0x94: {  	[spmem:s14] =	stream.linear.scatter [tilespmem:s6], [sflag:$0x1], $0x1400, $0x38;
	[tilespmem:$0xB4A0] =	vst v63  }
0x95: {  	_ =	swait.ge [sflag:s7], $0x1400  }
0x96: {  	[sflag:s7] =	ssyncset.done $0x0  }
0x97: {  	s15 =	rddreg [dreg:$0x16];
	[sflag:s7] =	ssyncadd.s32 $0xFFFFEC00  }
0x98: {  	[tilespmem:s6], [sflag:$0x1] =	stream.linear.gather [hbm4b:s15+s8], $0x1400, $0x38;
	[tilespmem:$0xB4A0] =	vst v63  }
0x99: {  	_ =	swait.ge [sflag:s7], $0x1400  }
0x9a: {  	[sflag:s7] =	ssyncset.done $0x0  }
0x9b: {  	[sflag:s7] =	ssyncadd.s32 $0xFFFFEC00  }
0x9c: {  	[spmem:s16] =	stream.linear.scatter [tilespmem:s6], [sflag:$0x1], $0x1400, $0x38;
	[tilespmem:$0xB4A0] =	vst v63  }
0x9d: {  	_ =	swait.ge [sflag:s7], $0x1400  }
0x9e: {  	[sflag:s7] =	ssyncset.done $0x0  }
0x9f: {  	s11 =	rddreg [dreg:$0x17];
	[sflag:s7] =	ssyncadd.s32 $0xFFFFEC00  }
0xa0: {  	[tilespmem:s6], [sflag:$0x1] =	stream.linear.gather [hbm4b:s11+s8], $0x1400, $0x38;
	[tilespmem:$0xB4A0] =	vst v63  }
0xa1: {  	_ =	swait.ge [sflag:s7], $0x1400  }
0xa2: {  	[sflag:s7] =	ssyncset.done $0x0  }
0xa3: {  	[sflag:s7] =	ssyncadd.s32 $0xFFFFEC00  }
0xa4: {  	[spmem:s18] =	stream.linear.scatter [tilespmem:s6], [sflag:$0x1], $0x1400, $0x38;
	[tilespmem:$0xB4A0] =	vst v63  }
0xa5: {  	_ =	swait.ge [sflag:s7], $0x1400  }
0xa6: {  	[sflag:s7] =	ssyncset.done $0x0  }
0xa7: {  	s13 =	rddreg [dreg:$0x18];
	[sflag:s7] =	ssyncadd.s32 $0xFFFFEC00  }
0xa8: {  	[tilespmem:s6], [sflag:$0x1] =	stream.linear.gather [hbm4b:s13+s8], $0x1400, $0x38;
	[tilespmem:$0xB4A0] =	vst v63  }
0xa9: {  	_ =	swait.ge [sflag:s7], $0x1400  }
0xaa: {  	[sflag:s7] =	ssyncset.done $0x0  }
0xab: {  	[sflag:s7] =	ssyncadd.s32 $0xFFFFEC00  }
0xac: {  	[spmem:s20] =	stream.linear.scatter [tilespmem:s6], [sflag:$0x1], $0x1400, $0x38;
	[tilespmem:$0xB4A0] =	vst v63  }
0xad: {  	_ =	swait.ge [sflag:s7], $0x1400  }
0xae: {  	[sflag:s7] =	ssyncset.done $0x0  }
0xaf: {  	s15 =	rddreg [dreg:$0x19];
	[sflag:s7] =	ssyncadd.s32 $0xFFFFEC00  }
0xb0: {  	[tilespmem:s6], [sflag:$0x1] =	stream.linear.gather [hbm4b:s15+s8], $0x1400, $0x38;
	[tilespmem:$0xB4A0] =	vst v63  }
0xb1: {  	_ =	swait.ge [sflag:s7], $0x1400  }
0xb2: {  	[sflag:s7] =	ssyncset.done $0x0  }
0xb3: {  	[sflag:s7] =	ssyncadd.s32 $0xFFFFEC00  }
0xb4: {  	[spmem:s23] =	stream.linear.scatter [tilespmem:s6], [sflag:$0x1], $0x1400, $0x38;
	[tilespmem:$0xB4A0] =	vst v63  }
0xb5: {  	_ =	swait.ge [sflag:s7], $0x1400  }
0xb6: {  	[sflag:s7] =	ssyncset.done $0x0  }
0xb7: {  	s11 =	rddreg [dreg:$0x1a];
	[sflag:s7] =	ssyncadd.s32 $0xFFFFEC00  }
0xb8: {  	[tilespmem:s6], [sflag:$0x1] =	stream.linear.gather [hbm4b:s11+s8], $0x1400, $0x38;
	[tilespmem:$0xB4A0] =	vst v63  }
0xb9: {  	_ =	swait.ge [sflag:s7], $0x1400  }
0xba: {  	[sflag:s7] =	ssyncset.done $0x0  }
0xbb: {  	[sflag:s7] =	ssyncadd.s32 $0xFFFFEC00  }
0xbc: {  	[spmem:s25] =	stream.linear.scatter [tilespmem:s6], [sflag:$0x1], $0x1400, $0x38;
	[tilespmem:$0xB4A0] =	vst v63  }
0xbd: {  	_ =	swait.ge [sflag:s7], $0x1400  }
0xbe: {  	[sflag:s7] =	ssyncset.done $0x0  }
0xbf: {  	[sflag:s7] =	ssyncadd.s32 $0xFFFFEC00  }
0xc0: {  	s13 =	sadd.s32 $0x0, s29;
	[bflag:$0x0] =	sbarrier.arrive $0xFFFF  }
0xc1: {  	[tilespmem:s30], [sflag:$0x1] =	stream.linear.gather [hbm4b:s13+s3], $0x50, $0x38;
	[tilespmem:$0xB4A0] =	vst v63  }
0xc2: {  	_ =	swait.ge [sflag:s7], $0x50  }
0xc3: {  	[sflag:s7] =	ssyncset.done $0x0  }
0xc4: {  	s15 =	sadd.s32 $0x0, s28;
	[sflag:s7] =	ssyncadd.s32 $0xFFFFFFB0  }
0xc5: {  	[tilespmem:s31], [sflag:$0x1] =	stream.linear.gather [hbm4b:s15+s3], $0x50, $0x38;
	[tilespmem:$0xB4A0] =	vst v63  }
0xc6: {  	_ =	swait.ge [sflag:s7], $0x50  }
0xc7: {  	[sflag:s7] =	ssyncset.done $0x0  }
0xc8: {  	[sflag:s7] =	ssyncadd.s32 $0xFFFFFFB0  }
0xc9: {  	[tilespmem:s6], [sflag:$0x1] =	stream.indirect.gather [hbm4b:s5+s0], $0x40, s30, s0, $0xb8;
	[tilespmem:$0xB4A0] =	vst v63  }
0xca: {  	_ =	swait.ge [sflag:s7], $0x1400  }
0xcb: {  	[sflag:s7] =	ssyncset.done $0x0  }
0xcc: {  	[sflag:s7] =	ssyncadd.s32 $0xFFFFEC00  }
0xcd: {  	[spmem:s2] =	stream.indirect.scatter.add.f32 [tilespmem:s6], [sflag:$0x1], $0x40, s31, s0, $0xb8;
	[tilespmem:$0xB4A0] =	vst v63  }
0xce: {  	_ =	swait.ge [sflag:s7], $0x1400  }
0xcf: {  	s9 =	simm.s32 $0x14;
	s8 =	simm.s32 $0xA;
	[sflag:s7] =	ssyncset.done $0x0  }
.LBB2_6:
0xd0: {  	s11 =	sadd.s32 s8, s29  }
0xd1: {  	[sflag:s7] =	ssyncadd.s32 $0xFFFFEC00;
	s13 =	smov.u32 s9;
	s15 =	sadd.s32 $0xA, s9  }
0xd2: {  	[tilespmem:s30], [sflag:$0x1] =	stream.linear.gather [hbm4b:s11+s3], $0x50, $0x38;
	[tilespmem:$0xB4A0] =	vst v63  }
0xd3: {  	p1 =	sne.s32 s9, $0x9BA;
	_ =	swait.ge [sflag:s7], $0x50  }
0xd4: {  	[sflag:s7] =	ssyncset.done $0x0  }
0xd5: {  	s9 =	sadd.s32 s8, s28;
	s8 =	smov.u32 s13;
	[sflag:s7] =	ssyncadd.s32 $0xFFFFFFB0  }
0xd6: {  	[tilespmem:s31], [sflag:$0x1] =	stream.linear.gather [hbm4b:s9+s3], $0x50, $0x38;
	[tilespmem:$0xB4A0] =	vst v63  }
0xd7: {  	_ =	swait.ge [sflag:s7], $0x50  }
0xd8: {  	[sflag:s7] =	ssyncset.done $0x0  }
0xd9: {  	[sflag:s7] =	ssyncadd.s32 $0xFFFFFFB0  }
0xda: {  	[tilespmem:s6], [sflag:$0x1] =	stream.indirect.gather [hbm4b:s5+s0], $0x40, s30, s0, $0xb8;
	[tilespmem:$0xB4A0] =	vst v63  }
0xdb: {  	_ =	swait.ge [sflag:s7], $0x1400  }
.Ltmp3:
0xdc: {  	[sflag:s7] =	ssyncset.done $0x0;
	(pc) =	sbr.rel @p1 .LBB2_6-.Ltmp3, $4  }
0xdd: {  	[sflag:s7] =	ssyncadd.s32 $0xFFFFEC00  }
0xde: {  	[spmem:s2] =	stream.indirect.scatter.add.f32 [tilespmem:s6], [sflag:$0x1], $0x40, s31, s0, $0xb8;
	[tilespmem:$0xB4A0] =	vst v63  }
0xdf: {  	_ =	swait.ge [sflag:s7], $0x1400  }
0xe0: {  	s9 =	smov.u32 s15;
	[sflag:s7] =	ssyncset.done $0x0  }
.Ltmp4:
0xe1: {  	_ = 	snop;
	(pc) =	sbr.rel .LBB2_7-.Ltmp4, $1  }
0xe2: {  	_ =	sdelay $0x3  }
.LBB2_2:
0xe3: {  	s9 =	rddreg [dreg:$0xb]  }
0xe4: {  	[tilespmem:s6], [sflag:$0x1] =	stream.linear.gather [hbm4b:s9+s8], $0x1400, $0x38;
	[tilespmem:$0xB4A0] =	vst v63  }
0xe5: {  	_ =	swait.ge [sflag:s7], $0x1400  }
0xe6: {  	[sflag:s7] =	ssyncset.done $0x0  }
0xe7: {  	[sflag:s7] =	ssyncadd.s32 $0xFFFFEC00  }
0xe8: {  	[spmem:s10] =	stream.linear.scatter [tilespmem:s6], [sflag:$0x1], $0x1400, $0x38;
	[tilespmem:$0xB4A0] =	vst v63  }
0xe9: {  	_ =	swait.ge [sflag:s7], $0x1400  }
0xea: {  	[sflag:s7] =	ssyncset.done $0x0  }
0xeb: {  	s11 =	rddreg [dreg:$0xc];
	[sflag:s7] =	ssyncadd.s32 $0xFFFFEC00  }
0xec: {  	[tilespmem:s6], [sflag:$0x1] =	stream.linear.gather [hbm4b:s11+s8], $0x1400, $0x38;
	[tilespmem:$0xB4A0] =	vst v63  }
0xed: {  	_ =	swait.ge [sflag:s7], $0x1400  }
0xee: {  	[sflag:s7] =	ssyncset.done $0x0  }
0xef: {  	[sflag:s7] =	ssyncadd.s32 $0xFFFFEC00  }
0xf0: {  	[spmem:s12] =	stream.linear.scatter [tilespmem:s6], [sflag:$0x1], $0x1400, $0x38;
	[tilespmem:$0xB4A0] =	vst v63  }
0xf1: {  	_ =	swait.ge [sflag:s7], $0x1400  }
0xf2: {  	[sflag:s7] =	ssyncset.done $0x0  }
0xf3: {  	s13 =	rddreg [dreg:$0xd];
	[sflag:s7] =	ssyncadd.s32 $0xFFFFEC00  }
0xf4: {  	[tilespmem:s6], [sflag:$0x1] =	stream.linear.gather [hbm4b:s13+s8], $0x1400, $0x38;
	[tilespmem:$0xB4A0] =	vst v63  }
0xf5: {  	_ =	swait.ge [sflag:s7], $0x1400  }
0xf6: {  	[sflag:s7] =	ssyncset.done $0x0  }
0xf7: {  	[sflag:s7] =	ssyncadd.s32 $0xFFFFEC00  }
0xf8: {  	[spmem:s14] =	stream.linear.scatter [tilespmem:s6], [sflag:$0x1], $0x1400, $0x38;
	[tilespmem:$0xB4A0] =	vst v63  }
0xf9: {  	_ =	swait.ge [sflag:s7], $0x1400  }
0xfa: {  	[sflag:s7] =	ssyncset.done $0x0  }
0xfb: {  	s15 =	rddreg [dreg:$0xe];
	[sflag:s7] =	ssyncadd.s32 $0xFFFFEC00  }
0xfc: {  	[tilespmem:s6], [sflag:$0x1] =	stream.linear.gather [hbm4b:s15+s8], $0x1400, $0x38;
	[tilespmem:$0xB4A0] =	vst v63  }
0xfd: {  	_ =	swait.ge [sflag:s7], $0x1400  }
0xfe: {  	[sflag:s7] =	ssyncset.done $0x0  }
0xff: {  	[sflag:s7] =	ssyncadd.s32 $0xFFFFEC00  }
0x100: {  	[spmem:s16] =	stream.linear.scatter [tilespmem:s6], [sflag:$0x1], $0x1400, $0x38;
	[tilespmem:$0xB4A0] =	vst v63  }
0x101: {  	_ =	swait.ge [sflag:s7], $0x1400  }
0x102: {  	[sflag:s7] =	ssyncset.done $0x0  }
0x103: {  	s11 =	rddreg [dreg:$0xf];
	[sflag:s7] =	ssyncadd.s32 $0xFFFFEC00  }
0x104: {  	[tilespmem:s6], [sflag:$0x1] =	stream.linear.gather [hbm4b:s11+s8], $0x1400, $0x38;
	[tilespmem:$0xB4A0] =	vst v63  }
0x105: {  	_ =	swait.ge [sflag:s7], $0x1400  }
0x106: {  	[sflag:s7] =	ssyncset.done $0x0  }
0x107: {  	[sflag:s7] =	ssyncadd.s32 $0xFFFFEC00  }
0x108: {  	[spmem:s18] =	stream.linear.scatter [tilespmem:s6], [sflag:$0x1], $0x1400, $0x38;
	[tilespmem:$0xB4A0] =	vst v63  }
0x109: {  	_ =	swait.ge [sflag:s7], $0x1400  }
0x10a: {  	[sflag:s7] =	ssyncset.done $0x0  }
0x10b: {  	s13 =	rddreg [dreg:$0x10];
	[sflag:s7] =	ssyncadd.s32 $0xFFFFEC00  }
0x10c: {  	[tilespmem:s6], [sflag:$0x1] =	stream.linear.gather [hbm4b:s13+s8], $0x1400, $0x38;
	[tilespmem:$0xB4A0] =	vst v63  }
0x10d: {  	_ =	swait.ge [sflag:s7], $0x1400  }
0x10e: {  	[sflag:s7] =	ssyncset.done $0x0  }
0x10f: {  	[sflag:s7] =	ssyncadd.s32 $0xFFFFEC00  }
0x110: {  	[spmem:s20] =	stream.linear.scatter [tilespmem:s6], [sflag:$0x1], $0x1400, $0x38;
	[tilespmem:$0xB4A0] =	vst v63  }
0x111: {  	_ =	swait.ge [sflag:s7], $0x1400  }
0x112: {  	[sflag:s7] =	ssyncset.done $0x0  }
0x113: {  	s15 =	rddreg [dreg:$0x11];
	[sflag:s7] =	ssyncadd.s32 $0xFFFFEC00  }
0x114: {  	[tilespmem:s6], [sflag:$0x1] =	stream.linear.gather [hbm4b:s15+s8], $0x1400, $0x38;
	[tilespmem:$0xB4A0] =	vst v63  }
0x115: {  	_ =	swait.ge [sflag:s7], $0x1400  }
0x116: {  	[sflag:s7] =	ssyncset.done $0x0  }
0x117: {  	[sflag:s7] =	ssyncadd.s32 $0xFFFFEC00  }
0x118: {  	[spmem:s23] =	stream.linear.scatter [tilespmem:s6], [sflag:$0x1], $0x1400, $0x38;
	[tilespmem:$0xB4A0] =	vst v63  }
0x119: {  	_ =	swait.ge [sflag:s7], $0x1400  }
0x11a: {  	[sflag:s7] =	ssyncset.done $0x0  }
0x11b: {  	s11 =	rddreg [dreg:$0x12];
	[sflag:s7] =	ssyncadd.s32 $0xFFFFEC00  }
0x11c: {  	[tilespmem:s6], [sflag:$0x1] =	stream.linear.gather [hbm4b:s11+s8], $0x1400, $0x38;
	[tilespmem:$0xB4A0] =	vst v63  }
0x11d: {  	_ =	swait.ge [sflag:s7], $0x1400  }
0x11e: {  	[sflag:s7] =	ssyncset.done $0x0  }
0x11f: {  	[sflag:s7] =	ssyncadd.s32 $0xFFFFEC00  }
0x120: {  	[spmem:s25] =	stream.linear.scatter [tilespmem:s6], [sflag:$0x1], $0x1400, $0x38;
	[tilespmem:$0xB4A0] =	vst v63  }
0x121: {  	_ =	swait.ge [sflag:s7], $0x1400  }
0x122: {  	[sflag:s7] =	ssyncset.done $0x0  }
0x123: {  	[sflag:s7] =	ssyncadd.s32 $0xFFFFEC00  }
0x124: {  	s13 =	sadd.s32 $0x0, s21;
	[bflag:$0x0] =	sbarrier.arrive $0xFFFF  }
0x125: {  	[tilespmem:s30], [sflag:$0x1] =	stream.linear.gather [hbm4b:s13+s3], $0x50, $0x38;
	[tilespmem:$0xB4A0] =	vst v63  }
0x126: {  	_ =	swait.ge [sflag:s7], $0x50  }
0x127: {  	[sflag:s7] =	ssyncset.done $0x0  }
0x128: {  	s15 =	sadd.s32 $0x0, s26;
	[sflag:s7] =	ssyncadd.s32 $0xFFFFFFB0  }
0x129: {  	[tilespmem:s31], [sflag:$0x1] =	stream.linear.gather [hbm4b:s15+s3], $0x50, $0x38;
	[tilespmem:$0xB4A0] =	vst v63  }
0x12a: {  	_ =	swait.ge [sflag:s7], $0x50  }
0x12b: {  	[sflag:s7] =	ssyncset.done $0x0  }
0x12c: {  	[sflag:s7] =	ssyncadd.s32 $0xFFFFFFB0  }
0x12d: {  	[tilespmem:s6], [sflag:$0x1] =	stream.indirect.gather [hbm4b:s4+s0], $0x40, s30, s0, $0xb8;
	[tilespmem:$0xB4A0] =	vst v63  }
0x12e: {  	_ =	swait.ge [sflag:s7], $0x1400  }
0x12f: {  	[sflag:s7] =	ssyncset.done $0x0  }
0x130: {  	[sflag:s7] =	ssyncadd.s32 $0xFFFFEC00  }
0x131: {  	[spmem:s2] =	stream.indirect.scatter.add.f32 [tilespmem:s6], [sflag:$0x1], $0x40, s31, s0, $0xb8;
	[tilespmem:$0xB4A0] =	vst v63  }
0x132: {  	_ =	swait.ge [sflag:s7], $0x1400  }
0x133: {  	s9 =	simm.s32 $0x14;
	s8 =	simm.s32 $0xA;
	[sflag:s7] =	ssyncset.done $0x0  }
.LBB2_3:
0x134: {  	s11 =	sadd.s32 s8, s21  }
0x135: {  	[sflag:s7] =	ssyncadd.s32 $0xFFFFEC00;
	s13 =	smov.u32 s9;
	s15 =	sadd.s32 $0xA, s9  }
0x136: {  	[tilespmem:s30], [sflag:$0x1] =	stream.linear.gather [hbm4b:s11+s3], $0x50, $0x38;
	[tilespmem:$0xB4A0] =	vst v63  }
0x137: {  	p1 =	seq.s32 s9, $0x9BA;
	_ =	swait.ge [sflag:s7], $0x50  }
0x138: {  	[sflag:s7] =	ssyncset.done $0x0  }
0x139: {  	s9 =	sadd.s32 s8, s26;
	s8 =	smov.u32 s13;
	[sflag:s7] =	ssyncadd.s32 $0xFFFFFFB0  }
0x13a: {  	[tilespmem:s31], [sflag:$0x1] =	stream.linear.gather [hbm4b:s9+s3], $0x50, $0x38;
	[tilespmem:$0xB4A0] =	vst v63  }
0x13b: {  	_ =	swait.ge [sflag:s7], $0x50  }
0x13c: {  	[sflag:s7] =	ssyncset.done $0x0  }
0x13d: {  	[sflag:s7] =	ssyncadd.s32 $0xFFFFFFB0  }
0x13e: {  	[tilespmem:s6], [sflag:$0x1] =	stream.indirect.gather [hbm4b:s4+s0], $0x40, s30, s0, $0xb8;
	[tilespmem:$0xB4A0] =	vst v63  }
0x13f: {  	_ =	swait.ge [sflag:s7], $0x1400  }
.Ltmp5:
0x140: {  	[sflag:s7] =	ssyncset.done $0x0;
	(pc) =	sbr.rel @!p1 .LBB2_3-.Ltmp5, $4  }
0x141: {  	[sflag:s7] =	ssyncadd.s32 $0xFFFFEC00  }
0x142: {  	[spmem:s2] =	stream.indirect.scatter.add.f32 [tilespmem:s6], [sflag:$0x1], $0x40, s31, s0, $0xb8;
	[tilespmem:$0xB4A0] =	vst v63  }
0x143: {  	_ =	swait.ge [sflag:s7], $0x1400  }
0x144: {  	s9 =	smov.u32 s15;
	[sflag:s7] =	ssyncset.done $0x0  }
0x145: {  	s9 =	sadd.s32 s8, s21;
	[sflag:s7] =	ssyncadd.s32 $0xFFFFEC00  }
0x146: {  	[tilespmem:s30], [sflag:$0x1] =	stream.linear.gather [hbm4b:s9+s3], $0x50, $0x38;
	[tilespmem:$0xB4A0] =	vst v63  }
0x147: {  	_ =	swait.ge [sflag:s7], $0x50  }
0x148: {  	[sflag:s7] =	ssyncset.done $0x0  }
0x149: {  	s15 =	sadd.s32 s8, s26;
	[sflag:s7] =	ssyncadd.s32 $0xFFFFFFB0  }
0x14a: {  	[tilespmem:s31], [sflag:$0x1] =	stream.linear.gather [hbm4b:s15+s3], $0x50, $0x38;
	[tilespmem:$0xB4A0] =	vst v63  }
0x14b: {  	_ =	swait.ge [sflag:s7], $0x50  }
0x14c: {  	[sflag:s7] =	ssyncset.done $0x0  }
0x14d: {  	[sflag:s7] =	ssyncadd.s32 $0xFFFFFFB0  }
0x14e: {  	[tilespmem:s6], [sflag:$0x1] =	stream.indirect.gather [hbm4b:s4+s0], $0x40, s30, s0, $0xb8;
	[tilespmem:$0xB4A0] =	vst v63  }
0x14f: {  	_ =	swait.ge [sflag:s7], $0x1400  }
0x150: {  	[sflag:s7] =	ssyncset.done $0x0  }
.Ltmp6:
0x151: {  	[sflag:s7] =	ssyncadd.s32 $0xFFFFEC00;
	(pc) =	sbr.rel .LBB2_8-.Ltmp6, $4  }
0x152: {  	[spmem:s2] =	stream.indirect.scatter.add.f32 [tilespmem:s6], [sflag:$0x1], $0x40, s31, s0, $0xb8;
	[tilespmem:$0xB4A0] =	vst v63  }
0x153: {  	_ =	swait.ge [sflag:s7], $0x1400  }
0x154: {  	[sflag:s7] =	ssyncset.done $0x0  }
0x155: {  	s8 =	rddreg [dreg:$0x4];
	[sflag:s7] =	ssyncadd.s32 $0xFFFFEC00  }
.LBB2_9:
0x156: {  	_ =	sfence.sel $0x180000  }
0x157: {  	[bflag:$0x0] =	sbarrier.arrive $0xFFFF  }
0x158: {  	_ =	strace $0x9000004D  }
0x159: {  	s0 =	stileid.u32;
	[bflag:$0x2] =	sbarrier.arrive $0xFFFF  }
0x15a: {  	p0 =	sne.s32 s0, $0x0;
	s0 =	rddreg [dreg:$0x3]  }
0x15b: {  	s0 =	sadd.s32 @!p0 $0x100000, s0  }
0x15c: {  	[sflag:s0] =	ssyncadd.tile.s32 @!p0 $0x1;
	_ =	shalt  }
.Lfunc_end2:
_tile_overlayer_lowered:
.L_overlay_start_2:
0x15d: {  	(tag) =	ssettag $0x2  }
0x15e: {  	s0 =	rddreg [dreg:$0x0];
	s2 =	stileid.u32  }
0x15f: {  	s1 =	rddreg [dreg:$0x1];
	p0 =	sne.s32 s2, $0x0  }
0x160: {  	s3 =	rddreg [dreg:$0x2];
	[bflag:$0x3] =	sbarrier.arrive $0xFFFF;
	s2 =	simm.s32 @!p0 $0x1C01  }
0x161: {  	[timem:s3], [sflag:s2] =	dma.local @!p0 [hbm:s0], s1  }
0x162: {  	s0 =	simm.s32 @!p0 $0x1  }
0x163: {  	_ =	swait.ge @!p0 [sflag:s0], s1  }
0x164: {  	s1 =	ssub.s32 @!p0 $0x0, s1;
	[sflag:s0] =	ssyncset.done @!p0 $0x0  }
0x165: {  	[sflag:s0] =	ssyncadd.s32 @!p0 s1  }
0x166: {  	[bflag:$0x3] =	sbarrier.arrive $0xFFFF  }
0x167: {  	_ =	shalt  }

// kernel: kernel.8.cloned.1.call-start
scs
__scs_entry_jumppad:
0x0: {  	(pc) =	sbr.rel $0x88, $3  }
0x1: {  	(tag) =	ssettag $0x0;
	lr =	simm.s32 $0x1  }
0x2: {  	[smem:$0x3F96] =	sst lr;
	_ =	strace $0xD0000000  }
0x3: {  	_ = 	snop  }
0x4: {  	_ = 	snop  }
0x5: {  	_ = 	snop  }
0x6: {  	_ = 	snop  }
0x7: {  	_ = 	snop  }
__scs_overlays_trampoline_lowered:
0x8: {  	[smem:$0x3FA5] =	sst s0  }
0x9: {  	[smem:$0x3FA6] =	sst s1  }
0xa: {  	[smem:$0x3FA7] =	sst s2  }
0xb: {  	[smem:$0x3FA8] =	sst s3  }
0xc: {  	[smem:$0x3FA9] =	sst s4  }
0xd: {  	[smem:$0x3FAA] =	sst s5  }
0xe: {  	[smem:$0x3FAB] =	sst s6  }
0xf: {  	[smem:$0x3FAC] =	sst s7  }
0x10: {  	[smem:$0x3FAD] =	sst s8  }
0x11: {  	[smem:$0x3FAE] =	sst s9;
	s0 =	simm.s32 @!p0 $0x0  }
0x12: {  	s1 =	sld [smem:$0x3F94];
	s0 =	simm.s32 @p0 $0x1  }
0x13: {  	[smem:$0x3FAF] =	sst s0;
	s0 =	simm.s32 @!p1 $0x0  }
0x14: {  	s2 =	sld [smem:$0x3F93];
	s0 =	simm.s32 @p1 $0x1  }
0x15: {  	[smem:$0x3FB0] =	sst s0;
	s0 =	simm.s32 @!p2 $0x0  }
0x16: {  	s3 =	sld [smem:$0x3FDB];
	s0 =	simm.s32 @p2 $0x1  }
0x17: {  	s4 =	simm.s32 $0x1BF5;
	[smem:$0x3FB2] =	sst s0  }
0x18: {  	s0 =	sld [smem:$0x3F95];
	_ =	swait.ge [sflag:s4], $0x0  }
0x19: {  	s7 =	sld [smem:$0x3F96]  }
0x1a: {  	s8 =	sadd.s32 $0xFFFFE003, lr  }
0x1b: {  	s9 =	sadd.s32 $0xFFFFFEF7, lr;
	s5 =	simm.s32 $0xFFFFFFFF;
	p2 =	slt.u32 s8, $0xFFFFF086  }
0x1c: {  	p1 =	slt.u32 s9, $0xF7A;
	s5 =	simm.s32 @!p2 $0x0  }
0x1d: {  	s5 =	simm.s32 @p1 $0x1;
	p0 =	seq.s32 s7, s2  }
0x1e: {  	s7 =	smul.u32 @!p0 $0xF7A, s2;
	p2 =	seq.s32 @!p0 s5, $0x0  }
0x1f: {  	s9 =	smul.u32 $0xF7A, s1;
	s8 =	simm.s32 @!p0 $0x1BF5;
	p2 =	por !p2, p0  }
0x20: {  	[sflag:s8] =	ssyncset.s32 @!p0 $0xFFFFF086;
	s6 =	sadd.s32 @!p0 s3, s7;
	s7 =	simm.s32 @!p0 $0x108  }
0x21: {  	s3 =	sadd.s32 s3, s9;
	s6 =	sadd.s32 @!p0 $0x88, s6;
	s7 =	simm.s32 @p2 $0x1082  }
0x22: {  	[simem:s7], [sflag:s8] =	dma.local @!p0 [hbm:s6], $0xF7A  }
0x23: {  	s9 =	sor.u32 $0xD0000000, s2;
	s6 =	simm.s32 $0x108;
	_ =	swait.ge @!p0 [sflag:s8], $0x0  }
0x24: {  	s3 =	sadd.s32 $0x88, s3;
	s6 =	simm.s32 @!p1 $0x1082;
	[sflag:s4] =	ssyncset.s32 $0xFFFFF086  }
0x25: {  	[simem:s6], [sflag:s4] =	dma.local [hbm:s3], $0xF7A  }
0x26: {  	[smem:$0x3F96] =	sst s1;
	(tag) =	ssettag s2;
	_ =	strace s9  }
0x27: {  	s1 =	sld [smem:$0x3FA6]  }
0x28: {  	s2 =	sld [smem:$0x3FA7]  }
0x29: {  	s4 =	sld [smem:$0x3FA9]  }
0x2a: {  	p0 =	seq.s32 s5, $0x0;
	s5 =	sld [smem:$0x3FAA]  }
0x2b: {  	s6 =	sld [smem:$0x3FAB]  }
0x2c: {  	s7 =	sld [smem:$0x3FAC]  }
0x2d: {  	s3 =	simm.s32 $0x108;
	s8 =	sld [smem:$0x3FAD]  }
0x2e: {  	s3 =	simm.s32 @!p0 $0x1082;
	s9 =	sld [smem:$0x3FAE]  }
0x2f: {  	lr =	sadd.s32 s0, s3;
	s0 =	sld [smem:$0x3FA5]  }
0x30: {  	s3 =	sld [smem:$0x3FA8]  }
0x31: {  	[smem:$0x3FB1] =	sst s10  }
0x32: {  	s10 =	sld [smem:$0x3FAF];
	_ =	sdelay $0x3  }
0x33: {  	p0 =	seq.s32 s10, $0x1;
	s10 =	sld [smem:$0x3FB1];
	_ =	sdelay $0x3  }
0x34: {  	[smem:$0x3FB1] =	sst s10  }
0x35: {  	s10 =	sld [smem:$0x3FB0];
	_ =	sdelay $0x3  }
0x36: {  	p1 =	seq.s32 s10, $0x1;
	s10 =	sld [smem:$0x3FB1];
	_ =	sdelay $0x3  }
0x37: {  	[smem:$0x3FB1] =	sst s10  }
0x38: {  	s10 =	sld [smem:$0x3FB2]  }
0x39: {  	_ = 	snop;
	(pc) =	sbr.ind lr, $3  }
0x3a: {  	_ = 	snop  }
0x3b: {  	_ = 	snop  }
0x3c: {  	p2 =	seq.s32 s10, $0x1;
	s10 =	sld [smem:$0x3FB1]  }
0x3d: {  	_ =	shalt  }
0x3e: {  	_ =	shalt  }
0x3f: {  	_ =	shalt  }
0x40: {  	_ =	shalt  }
0x41: {  	_ =	shalt  }
0x42: {  	_ =	shalt  }
0x43: {  	_ =	shalt  }
0x44: {  	_ =	shalt  }
0x45: {  	_ =	shalt  }
0x46: {  	_ =	shalt  }
0x47: {  	_ =	shalt  }
0x48: {  	_ =	shalt  }
0x49: {  	_ =	shalt  }
0x4a: {  	_ =	shalt  }
0x4b: {  	_ =	shalt  }
0x4c: {  	_ =	shalt  }
0x4d: {  	_ =	shalt  }
0x4e: {  	_ =	shalt  }
0x4f: {  	_ =	shalt  }
0x50: {  	_ =	shalt  }
0x51: {  	_ =	shalt  }
0x52: {  	_ =	shalt  }
0x53: {  	_ =	shalt  }
0x54: {  	_ =	shalt  }
0x55: {  	_ =	shalt  }
0x56: {  	_ =	shalt  }
0x57: {  	_ =	shalt  }
0x58: {  	_ =	shalt  }
0x59: {  	_ =	shalt  }
0x5a: {  	_ =	shalt  }
0x5b: {  	_ =	shalt  }
0x5c: {  	_ =	shalt  }
0x5d: {  	_ =	shalt  }
0x5e: {  	_ =	shalt  }
0x5f: {  	_ =	shalt  }
0x60: {  	_ =	shalt  }
0x61: {  	_ =	shalt  }
0x62: {  	_ =	shalt  }
0x63: {  	_ =	shalt  }
0x64: {  	_ =	shalt  }
0x65: {  	_ =	shalt  }
0x66: {  	_ =	shalt  }
0x67: {  	_ =	shalt  }
0x68: {  	_ =	shalt  }
0x69: {  	_ =	shalt  }
0x6a: {  	_ =	shalt  }
0x6b: {  	_ =	shalt  }
0x6c: {  	_ =	shalt  }
0x6d: {  	_ =	shalt  }
0x6e: {  	_ =	shalt  }
0x6f: {  	_ =	shalt  }
0x70: {  	_ =	shalt  }
0x71: {  	_ =	shalt  }
0x72: {  	_ =	shalt  }
0x73: {  	_ =	shalt  }
0x74: {  	_ =	shalt  }
0x75: {  	_ =	shalt  }
0x76: {  	_ =	shalt  }
0x77: {  	_ =	shalt  }
0x78: {  	_ =	shalt  }
0x79: {  	_ =	shalt  }
0x7a: {  	_ =	shalt  }
0x7b: {  	_ =	shalt  }
0x7c: {  	_ =	shalt  }
0x7d: {  	_ =	shalt  }
0x7e: {  	_ =	shalt  }
0x7f: {  	_ =	shalt  }
0x80: {  	_ =	shalt  }
0x81: {  	_ =	shalt  }
0x82: {  	_ =	shalt  }
0x83: {  	_ =	shalt  }
0x84: {  	_ =	shalt  }
0x85: {  	_ =	shalt  }
0x86: {  	_ =	shalt  }
0x87: {  	_ =	shalt  }
.Lfunc_end0:
.L_simem_size_0:
called_computation_lowered:
.L_overlay_start_0:
0x88: {  	s2 =	sld [smem:$0x3FD9]  }
0x89: {  	s3 =	sld [smem:$0x3FFE];
	_ =	sdelay $0x1  }
0x8a: {  	s1 =	srdreg.scid  }
0x8b: {  	s0 =	sand.u32 $0x1, s1  }
0x8c: {  	s16 =	sshll.u32 s0, $0xA;
	s2 =	sadd.s32 s3, s2  }
0x8d: {  	s2 =	sadd.s32 s2, s16  }
0x8e: {  	[smem:$0x3FBD] =	sst s2  }
0x8f: {  	_ = 	snop  }
0x90: {  	(tm) =	ssettm $0x1  }
0x91: {  	s17 =	sld [smem:$0x3FFB];
	_ =	sdelay $0x3  }
0x92: {  	_ =	strace s17  }
0x93: {  	s2 =	sld [smem:$0x3FFC];
	_ =	sdelay $0x3  }
0x94: {  	_ =	strace s2  }
0x95: {  	s2 =	sld [smem:$0x3FFD];
	_ =	sdelay $0x3  }
0x96: {  	_ =	strace s2  }
0x97: {  	_ =	strace $0x8FFFFFFF  }
0x98: {  	s18 =	sld [smem:$0x3FDB];
	_ =	sdelay $0x1  }
0x99: {  	s19 =	simm.s32 $_scs_section_size  }
0x9a: {  	s4 =	simm.s32 $_size__tile_overlayer_lowered;
	s5 =	simm.s32 $_tile_overlayer_lowered  }
0x9b: {  	s22 =	simm.s32 $0x1BFF;
	s21 =	sshll.u32 s5, $0x1;
	s2 =	sadd.s32 s19, s18  }
0x9c: {  	s6 =	simm.s32 $0x0;
	s20 =	sshll.u32 s4, $0x1;
	s4 =	sadd.s32 s21, s2  }
0x9d: {  	[timem:s6], [sflag:s22] =	dma.local [hbm:s4], s20  }
0x9e: {  	_ =	swait.ge [sflag:s22], s20  }
0x9f: {  	s3 =	ssub.s32 $0x0, s20;
	[sflag:s22] =	ssyncset.done $0x0  }
0xa0: {  	[sflag:s22] =	ssyncadd.s32 s3;
	_ =	sdelay $0x1  }
0xa1: {  	s23 =	simm.s32 $0x1B8B  }
0xa2: {  	_ =	swait.ge [sflag:s23], $0x1  }
0xa3: {  	[sflag:s23] =	ssyncset.done $0x0  }
0xa4: {  	s25 =	simm.s32 $0x1B8E;
	s24 =	sld [smem:$0x3FFE];
	[sflag:s23] =	ssyncadd.s32 $0xFFFFFFFF  }
0xa5: {  	s26 =	simm.s32 $execute0_lowered;
	[smem:$0x3FD2] =	sst s25  }
0xa6: {  	s4 =	sshll.u32 s26, $0x1;
	_ =	strace $0x80000046;
	[dreg:$0x1] =	wrdreg $0xFFFFFFFF  }
0xa7: {  	s28 =	simm.s32 $_size_execute0_lowered;
	s2 =	sadd.s32 s2, s4;
	[dreg:$0x0] =	wrdreg $0x0  }
0xa8: {  	s4 =	sshll.u32 s28, $0x1;
	[dreg:$0x2] =	wrdreg s2  }
0xa9: {  	[dreg:$0x3] =	wrdreg s4  }
0xaa: {  	[dreg:$0x4] =	wrdreg $0xC0  }
0xab: {  	_ =	task [dreg:s6], $0x5FFFF  }
0xac: {  	[dreg:$0x1] =	wrdreg $0xFFFFFFFF  }
0xad: {  	[dreg:$0x0] =	wrdreg $0x60  }
0xae: {  	[dreg:$0x2] =	wrdreg s24  }
0xaf: {  	[dreg:$0x3] =	wrdreg $0x0  }
0xb0: {  	[dreg:$0x4] =	wrdreg $0x9  }
0xb1: {  	_ =	task.clear_ibuf [dreg:s6], $0x5FFFF;
	_ =	strace $0x90000046  }
0xb2: {  	s29 =	simm.s32 $0x9;
	_ =	strace $0x80000048  }
0xb3: {  	_ =	swait.ge [sflag:s29], $0x1  }
0xb4: {  	[sflag:s29] =	ssyncadd.s32 $0xFFFFFFFF  }
0xb5: {  	_ =	strace $0x90000048  }
0xb6: {  	_ =	sfence  }
0xb7: {  	s30 =	sld [smem:$0x0];
	_ =	sdelay $0x2  }
0xb8: {  	s31 =	sshll.u32 s1, $0xD;
	s1 =	sshrl.u32 s1, $0x2  }
0xb9: {  	s3 =	sand.u32 $0x4000, s31;
	s1 =	sadd.s32 s1, s30  }
0xba: {  	s0 =	sor.u32 s3, s0;
	s1 =	sshll.u32 s1, $0x11  }
0xbb: {  	s0 =	sor.u32 s1, s0  }
0xbc: {  	s0 =	sadd.s32 $0x8F2B, s0  }
0xbd: {  	[sflag:s0] =	ssyncadd.remote.s32 $0x1  }
0xbe: {  	_ =	sfence.sel $0xFFFF  }
0xbf: {  	[dreg:$0x0] =	wrdreg $0xFFFFFFFF;
	(pc) =	sbr.abs _section_cstart, $3  }
0xc0: {  	[dreg:$0x1] =	wrdreg $0xFFFFFFFF  }
0xc1: {  	_ =	task.clear_ibuf [dreg:s6], $0x2FFFF;
	_ =	strace $0x9FFFFFFF  }
0xc2: {  	(tm) =	ssettm $0x7FFFFFFF  }
0xc3: {  	_ =	shalt  }
tec
execute0_lowered:
.L_overlay_start_1:
0x0: {  	(tag) =	ssettag $0x1  }
0x1: {  	s0 =	rddreg [dreg:$0x0]  }
0x2: {  	s2 =	rddreg [dreg:$0x1];
	s21 =	stileid.u32  }
0x3: {  	s3 =	simm.s32 $0x0;
	s4 =	srdreg.scid;
	s1 =	smul.u32 $0x9C4, s21  }
0x4: {  	[smem:$0x7FF] =	sst s3;
	s13 =	smul.u32 $0x280, s21  }
0x5: {  	s6 =	sand.u32 $0x1, s4;
	s4 =	sadd.s32 $0x26400, s0;
	s22 =	smul.u32 $0xA000, s21  }
0x6: {  	s5 =	sadd.s32 $0x21400, s0;
	s21 =	smul.u32 $0x500, s21;
	_ =	strace $0x80000047  }
0x7: {  	s7 =	ssub.s32 $0x2, s6;
	p0 =	seq.s32 s6, $0x1;
	s1 =	sadd.s32 s1, s0  }
0x8: {  	s8 =	sshrl.u32 s7, $0x1;
	s23 =	sor.u32 $0x50, s13;
	s15 =	sadd.s32 $0xA0, s13  }
0x9: {  	s16 =	sadd.s32 $0xF0, s13;
	s17 =	sadd.s32 $0x140, s13;
	s18 =	sadd.s32 $0x190, s13  }
0xa: {  	s19 =	sadd.s32 $0x1E0, s13;
	s20 =	ssub.s32 s7, s8;
	s7 =	sshrl.u32 s22, $0x2  }
0xb: {  	s24 =	sshll.u32 s23, $0x4;
	s9 =	sshll.u32 s15, $0x4;
	s10 =	sshll.u32 s16, $0x4  }
0xc: {  	s11 =	sshll.u32 s17, $0x4;
	s12 =	sshll.u32 s18, $0x4;
	s25 =	sshll.u32 s19, $0x4  }
0xd: {  	s0 =	sshll.u32 s23, $0x1;
	s22 =	sadd.s32 s4, s21;
	s15 =	sshll.u32 s15, $0x1  }
0xe: {  	s16 =	sshll.u32 s16, $0x1;
	s18 =	sshll.u32 s18, $0x1;
	s19 =	sshll.u32 s19, $0x1  }
0xf: {  	s21 =	sadd.s32 s5, s21;
	s31 =	sadd.s32 $0x17600, s1;
	s6 =	smax.u32 s20, $0x1  }
0x10: {  	s7 =	sadd.s32 s7, s2;
	s8 =	sadd.s32 s24, s2;
	s9 =	sadd.s32 s9, s2  }
0x11: {  	s10 =	sadd.s32 s10, s2;
	s11 =	sadd.s32 s11, s2;
	s12 =	sadd.s32 s12, s2  }
0x12: {  	s20 =	sadd.s32 $0x230, s13;
	s13 =	sadd.s32 s25, s2;
	[dreg:$0x3] =	wrdreg s22  }
0x13: {  	s26 =	sadd.s32 s4, s0;
	s25 =	sshll.u32 s17, $0x1;
	[dreg:$0x5] =	wrdreg s21  }
0x14: {  	s0 =	sadd.s32 s5, s0;
	s22 =	sadd.s32 s4, s15;
	s23 =	sadd.s32 s5, s15  }
0x15: {  	s24 =	sadd.s32 s4, s16;
	s28 =	sadd.s32 s5, s18;
	[dreg:$0x4] =	wrdreg s26  }
0x16: {  	s29 =	sadd.s32 s4, s19;
	s30 =	sadd.s32 s5, s19;
	[dreg:$0x6] =	wrdreg s0  }
0x17: {  	s15 =	simm.s32 $0x1;
	s19 =	simm.s32 $0x0;
	[dreg:$0x7] =	wrdreg s22  }
.Ltmp0:
0x18: {  	s14 =	sshll.u32 s20, $0x4;
	[dreg:$0x8] =	wrdreg s23;
	(pc) =	sbr.rel .LBB2_1-.Ltmp0, $4  }
0x19: {  	s17 =	sshll.u32 s20, $0x1;
	[dreg:$0x9] =	wrdreg s24;
	s26 =	sadd.s32 s5, s16  }
0x1a: {  	s24 =	sadd.s32 s4, s25;
	s25 =	sadd.s32 s5, s25;
	s0 =	sadd.s32 $0xD800, s1  }
0x1b: {  	s1 =	simm.s32 $0x2850;
	s16 =	simm.s32 $0x2800;
	s14 =	sadd.s32 s14, s2  }
0x1c: {  	v0 =	vimm.f32 $0.0e+00;
	v1 =	vimm.f32 $1.000000000e+00;
	[dreg:$0xa] =	wrdreg s26;
	s26 =	sadd.s32 s4, s18;
	s18 =	simm.s32 $0x50  }
.LBB2_13:
0x1d: {  	s20 =	sadd.s32 s20, s0;
	[sflag:s15] =	ssyncadd.s32 $0xFFFFFB00  }
0x1e: {  	[tilespmem:s16], [sflag:$0x1] =	stream.linear.gather [hbm4b:s20+s3], $0x50, $0x38;
	[tilespmem:$0x2D50] =	vst v63  }
0x1f: {  	_ =	swait.ge [sflag:s15], $0x50  }
0x20: {  	[sflag:s15] =	ssyncset.done $0x0  }
0x21: {  	[sflag:s15] =	ssyncadd.s32 $0xFFFFFFB0  }
0x22: {  	[spmem:s2] =	stream.indirect.scatter.add.f32 [tilespmem:s1], [sflag:$0x1], $0x10, s16, s18, $0xb8;
	[tilespmem:$0x2D50] =	vst v63  }
0x23: {  	_ =	swait.ge [sflag:s15], $0x500  }
0x24: {  	[sflag:s15] =	ssyncset.done $0x0  }
0x25: {  	[sflag:s15] =	ssyncadd.s32 $0xFFFFFB00  }
0x26: {  	[bflag:$0x0] =	sbarrier.arrive $0xFFFF  }
0x27: {  	[tilespmem:s1], [sflag:$0x1] =	stream.linear.gather [spmem:s7], $0x500, $0x38;
	[tilespmem:$0x2D50] =	vst v63  }
0x28: {  	_ =	swait.ge [sflag:s15], $0x500  }
0x29: {  	[sflag:s15] =	ssyncset.done $0x0  }
0x2a: {  	s23 =	rddreg [dreg:$0x5];
	[sflag:s15] =	ssyncadd.s32 $0xFFFFFB00  }
0x2b: {  	[hbm4b:s23+s3] =	stream.linear.scatter [tilespmem:s1], [sflag:$0x1], $0x500, $0x38;
	[tilespmem:$0x2D50] =	vst v63  }
0x2c: {  	_ =	swait.ge [sflag:s15], $0x500  }
0x2d: {  	[sflag:s15] =	ssyncset.done $0x0  }
0x2e: {  	[sflag:s15] =	ssyncadd.s32 $0xFFFFFB00  }
0x2f: {  	[tilespmem:s1], [sflag:$0x1] =	stream.linear.gather [spmem:s8], $0x500, $0x38;
	[tilespmem:$0x2D50] =	vst v63  }
0x30: {  	_ =	swait.ge [sflag:s15], $0x500  }
0x31: {  	[sflag:s15] =	ssyncset.done $0x0  }
0x32: {  	s21 =	rddreg [dreg:$0x6];
	[sflag:s15] =	ssyncadd.s32 $0xFFFFFB00  }
0x33: {  	[hbm4b:s21+s3] =	stream.linear.scatter [tilespmem:s1], [sflag:$0x1], $0x500, $0x38;
	[tilespmem:$0x2D50] =	vst v63  }
0x34: {  	_ =	swait.ge [sflag:s15], $0x500  }
0x35: {  	[sflag:s15] =	ssyncset.done $0x0  }
0x36: {  	[sflag:s15] =	ssyncadd.s32 $0xFFFFFB00  }
0x37: {  	[tilespmem:s1], [sflag:$0x1] =	stream.linear.gather [spmem:s9], $0x500, $0x38;
	[tilespmem:$0x2D50] =	vst v63  }
0x38: {  	_ =	swait.ge [sflag:s15], $0x500  }
0x39: {  	[sflag:s15] =	ssyncset.done $0x0  }
0x3a: {  	s22 =	rddreg [dreg:$0x8];
	[sflag:s15] =	ssyncadd.s32 $0xFFFFFB00  }
0x3b: {  	[hbm4b:s22+s3] =	stream.linear.scatter [tilespmem:s1], [sflag:$0x1], $0x500, $0x38;
	[tilespmem:$0x2D50] =	vst v63  }
0x3c: {  	_ =	swait.ge [sflag:s15], $0x500  }
0x3d: {  	[sflag:s15] =	ssyncset.done $0x0  }
0x3e: {  	[sflag:s15] =	ssyncadd.s32 $0xFFFFFB00  }
0x3f: {  	[tilespmem:s1], [sflag:$0x1] =	stream.linear.gather [spmem:s10], $0x500, $0x38;
	[tilespmem:$0x2D50] =	vst v63  }
0x40: {  	_ =	swait.ge [sflag:s15], $0x500  }
0x41: {  	[sflag:s15] =	ssyncset.done $0x0  }
0x42: {  	s23 =	rddreg [dreg:$0xa];
	[sflag:s15] =	ssyncadd.s32 $0xFFFFFB00  }
0x43: {  	[hbm4b:s23+s3] =	stream.linear.scatter [tilespmem:s1], [sflag:$0x1], $0x500, $0x38;
	[tilespmem:$0x2D50] =	vst v63  }
0x44: {  	_ =	swait.ge [sflag:s15], $0x500  }
0x45: {  	[sflag:s15] =	ssyncset.done $0x0  }
0x46: {  	[sflag:s15] =	ssyncadd.s32 $0xFFFFFB00  }
0x47: {  	[tilespmem:s1], [sflag:$0x1] =	stream.linear.gather [spmem:s11], $0x500, $0x38;
	[tilespmem:$0x2D50] =	vst v63  }
0x48: {  	_ =	swait.ge [sflag:s15], $0x500  }
0x49: {  	[sflag:s15] =	ssyncset.done $0x0  }
0x4a: {  	[sflag:s15] =	ssyncadd.s32 $0xFFFFFB00  }
0x4b: {  	[hbm4b:s25+s3] =	stream.linear.scatter [tilespmem:s1], [sflag:$0x1], $0x500, $0x38;
	[tilespmem:$0x2D50] =	vst v63  }
0x4c: {  	_ =	swait.ge [sflag:s15], $0x500  }
0x4d: {  	[sflag:s15] =	ssyncset.done $0x0  }
0x4e: {  	[sflag:s15] =	ssyncadd.s32 $0xFFFFFB00  }
0x4f: {  	[tilespmem:s1], [sflag:$0x1] =	stream.linear.gather [spmem:s12], $0x500, $0x38;
	[tilespmem:$0x2D50] =	vst v63  }
0x50: {  	_ =	swait.ge [sflag:s15], $0x500  }
0x51: {  	[sflag:s15] =	ssyncset.done $0x0  }
0x52: {  	[sflag:s15] =	ssyncadd.s32 $0xFFFFFB00  }
0x53: {  	[hbm4b:s28+s3] =	stream.linear.scatter [tilespmem:s1], [sflag:$0x1], $0x500, $0x38;
	[tilespmem:$0x2D50] =	vst v63  }
0x54: {  	_ =	swait.ge [sflag:s15], $0x500  }
0x55: {  	[sflag:s15] =	ssyncset.done $0x0  }
0x56: {  	[sflag:s15] =	ssyncadd.s32 $0xFFFFFB00  }
0x57: {  	[tilespmem:s1], [sflag:$0x1] =	stream.linear.gather [spmem:s13], $0x500, $0x38;
	[tilespmem:$0x2D50] =	vst v63  }
0x58: {  	_ =	swait.ge [sflag:s15], $0x500  }
0x59: {  	[sflag:s15] =	ssyncset.done $0x0  }
0x5a: {  	[sflag:s15] =	ssyncadd.s32 $0xFFFFFB00  }
0x5b: {  	[hbm4b:s30+s3] =	stream.linear.scatter [tilespmem:s1], [sflag:$0x1], $0x500, $0x38;
	[tilespmem:$0x2D50] =	vst v63  }
0x5c: {  	_ =	swait.ge [sflag:s15], $0x500  }
0x5d: {  	[sflag:s15] =	ssyncset.done $0x0  }
0x5e: {  	s20 =	smov.u32 s5;
	[sflag:s15] =	ssyncadd.s32 $0xFFFFFB00  }
0x5f: {  	[tilespmem:s1], [sflag:$0x1] =	stream.linear.gather [spmem:s14], $0x500, $0x38;
	[tilespmem:$0x2D50] =	vst v63  }
.LBB2_14:
0x60: {  	_ =	swait.ge [sflag:s15], $0x500;
	s19 =	sadd.s32 $0x1, s19  }
0x61: {  	[sflag:s15] =	ssyncset.done $0x0;
	p1 =	sne.s32 s19, s6  }
.Ltmp1:
0x62: {  	s20 =	sadd.s32 s20, s17;
	[sflag:s15] =	ssyncadd.s32 $0xFFFFFB00;
	(pc) =	sbr.rel @!p1 .LBB2_15-.Ltmp1, $4  }
0x63: {  	[hbm4b:s20+s3] =	stream.linear.scatter [tilespmem:s1], [sflag:$0x1], $0x500, $0x38;
	[tilespmem:$0x2D50] =	vst v63  }
0x64: {  	_ =	swait.ge [sflag:s15], $0x500  }
0x65: {  	[sflag:s15] =	ssyncset.done $0x0  }
0x66: {  	[sflag:s15] =	ssyncadd.s32 $0xFFFFFB00  }
.LBB2_1:
.Ltmp2:
0x67: {  	(pc) =	sbr.rel @!p0 .LBB2_2-.Ltmp2, $2  }
0x68: {  	_ =	sdelay $0x2  }
0x69: {  	s20 =	simm.s32 $0x40;
	s21 =	simm.s32 $0x0  }
.LBB2_8:
0x6a: {  	p1 =	seq.s32 s20, $0x13C0;
	[tilespmem:s21+$0x2850] =	vst v0;
	s21 =	smov.u32 s20;
	s20 =	sadd.s32 $0x40, s20  }
.Ltmp3:
0x6b: {  	(pc) =	sbr.rel @!p1 .LBB2_8-.Ltmp3, $2  }
0x6c: {  	_ =	sdelay $0x2  }
0x6d: {  	s21 =	sshra.s32 s21, $0x2  }
0x6e: {  	[tilespmem:s21+$0x2850] =	vst v0  }
0x6f: {  	[spmem:s7] =	stream.linear.scatter [tilespmem:s1], [sflag:$0x1], $0x500, $0x38;
	[tilespmem:$0x2D50] =	vst v63  }
0x70: {  	_ =	swait.ge [sflag:s15], $0x500  }
0x71: {  	[sflag:s15] =	ssyncset.done $0x0  }
0x72: {  	[sflag:s15] =	ssyncadd.s32 $0xFFFFFB00  }
0x73: {  	[spmem:s8] =	stream.linear.scatter [tilespmem:s1], [sflag:$0x1], $0x500, $0x38;
	[tilespmem:$0x2D50] =	vst v63  }
0x74: {  	_ =	swait.ge [sflag:s15], $0x500  }
0x75: {  	[sflag:s15] =	ssyncset.done $0x0  }
0x76: {  	[sflag:s15] =	ssyncadd.s32 $0xFFFFFB00  }
0x77: {  	[spmem:s9] =	stream.linear.scatter [tilespmem:s1], [sflag:$0x1], $0x500, $0x38;
	[tilespmem:$0x2D50] =	vst v63  }
0x78: {  	_ =	swait.ge [sflag:s15], $0x500  }
0x79: {  	[sflag:s15] =	ssyncset.done $0x0  }
0x7a: {  	[sflag:s15] =	ssyncadd.s32 $0xFFFFFB00  }
0x7b: {  	[spmem:s10] =	stream.linear.scatter [tilespmem:s1], [sflag:$0x1], $0x500, $0x38;
	[tilespmem:$0x2D50] =	vst v63  }
0x7c: {  	_ =	swait.ge [sflag:s15], $0x500  }
0x7d: {  	[sflag:s15] =	ssyncset.done $0x0  }
0x7e: {  	[sflag:s15] =	ssyncadd.s32 $0xFFFFFB00  }
0x7f: {  	[spmem:s11] =	stream.linear.scatter [tilespmem:s1], [sflag:$0x1], $0x500, $0x38;
	[tilespmem:$0x2D50] =	vst v63  }
0x80: {  	_ =	swait.ge [sflag:s15], $0x500  }
0x81: {  	[sflag:s15] =	ssyncset.done $0x0  }
0x82: {  	[sflag:s15] =	ssyncadd.s32 $0xFFFFFB00  }
0x83: {  	[spmem:s12] =	stream.linear.scatter [tilespmem:s1], [sflag:$0x1], $0x500, $0x38;
	[tilespmem:$0x2D50] =	vst v63  }
0x84: {  	_ =	swait.ge [sflag:s15], $0x500  }
0x85: {  	[sflag:s15] =	ssyncset.done $0x0  }
0x86: {  	[sflag:s15] =	ssyncadd.s32 $0xFFFFFB00  }
0x87: {  	[spmem:s13] =	stream.linear.scatter [tilespmem:s1], [sflag:$0x1], $0x500, $0x38;
	[tilespmem:$0x2D50] =	vst v63  }
0x88: {  	_ =	swait.ge [sflag:s15], $0x500  }
0x89: {  	[sflag:s15] =	ssyncset.done $0x0  }
0x8a: {  	[sflag:s15] =	ssyncadd.s32 $0xFFFFFB00  }
0x8b: {  	[spmem:s14] =	stream.linear.scatter [tilespmem:s1], [sflag:$0x1], $0x500, $0x38;
	[tilespmem:$0x2D50] =	vst v63  }
0x8c: {  	_ =	swait.ge [sflag:s15], $0x500  }
0x8d: {  	[sflag:s15] =	ssyncset.done $0x0  }
0x8e: {  	[sflag:s15] =	ssyncadd.s32 $0xFFFFFB00  }
0x8f: {  	s20 =	simm.s32 $0x40;
	s21 =	simm.s32 $0x0;
	[bflag:$0x0] =	sbarrier.arrive $0xFFFF  }
.LBB2_10:
0x90: {  	p1 =	sne.s32 s20, $0x13C0;
	[tilespmem:s21+$0x2850] =	vst v1;
	s21 =	smov.u32 s20;
	s20 =	sadd.s32 $0x40, s20  }
.Ltmp4:
0x91: {  	(pc) =	sbr.rel @p1 .LBB2_10-.Ltmp4, $2  }
0x92: {  	_ =	sdelay $0x2  }
0x93: {  	s21 =	sshra.s32 s21, $0x2  }
0x94: {  	[tilespmem:s21+$0x2850] =	vst v1;
	s20 =	sadd.s32 $0x0, s0  }
0x95: {  	[tilespmem:s16], [sflag:$0x1] =	stream.linear.gather [hbm4b:s20+s3], $0x50, $0x38;
	[tilespmem:$0x2D50] =	vst v63  }
0x96: {  	_ =	swait.ge [sflag:s15], $0x50  }
0x97: {  	[sflag:s15] =	ssyncset.done $0x0  }
0x98: {  	[sflag:s15] =	ssyncadd.s32 $0xFFFFFFB0  }
0x99: {  	[spmem:s2] =	stream.indirect.scatter.add.f32 [tilespmem:s1], [sflag:$0x1], $0x10, s16, s18, $0xb8;
	[tilespmem:$0x2D50] =	vst v63  }
0x9a: {  	_ =	swait.ge [sflag:s15], $0x500  }
0x9b: {  	s21 =	simm.s32 $0x14;
	s20 =	simm.s32 $0xA;
	[sflag:s15] =	ssyncset.done $0x0  }
.LBB2_12:
0x9c: {  	s22 =	sadd.s32 s20, s0  }
0x9d: {  	[sflag:s15] =	ssyncadd.s32 $0xFFFFFB00;
	s20 =	smov.u32 s21;
	s23 =	sadd.s32 $0xA, s21  }
0x9e: {  	[tilespmem:s16], [sflag:$0x1] =	stream.linear.gather [hbm4b:s22+s3], $0x50, $0x38;
	[tilespmem:$0x2D50] =	vst v63  }
0x9f: {  	p1 =	sne.s32 s21, $0x9BA;
	_ =	swait.ge [sflag:s15], $0x50  }
.Ltmp5:
0xa0: {  	[sflag:s15] =	ssyncset.done $0x0;
	(pc) =	sbr.rel @p1 .LBB2_12-.Ltmp5, $4  }
0xa1: {  	[sflag:s15] =	ssyncadd.s32 $0xFFFFFFB0  }
0xa2: {  	[spmem:s2] =	stream.indirect.scatter.add.f32 [tilespmem:s1], [sflag:$0x1], $0x10, s16, s18, $0xb8;
	[tilespmem:$0x2D50] =	vst v63  }
0xa3: {  	_ =	swait.ge [sflag:s15], $0x500  }
0xa4: {  	s21 =	smov.u32 s23;
	[sflag:s15] =	ssyncset.done $0x0  }
.Ltmp6:
0xa5: {  	_ = 	snop;
	(pc) =	sbr.rel .LBB2_13-.Ltmp6, $1  }
0xa6: {  	_ =	sdelay $0x3  }
.LBB2_2:
0xa7: {  	p1 =	seq.s32 s20, $0x13C0;
	[tilespmem:s21+$0x2850] =	vst v0;
	s21 =	smov.u32 s20;
	s20 =	sadd.s32 $0x40, s20  }
.Ltmp7:
0xa8: {  	(pc) =	sbr.rel @!p1 .LBB2_2-.Ltmp7, $2  }
0xa9: {  	_ =	sdelay $0x2  }
0xaa: {  	s21 =	sshra.s32 s21, $0x2  }
0xab: {  	[tilespmem:s21+$0x2850] =	vst v0  }
0xac: {  	[spmem:s7] =	stream.linear.scatter [tilespmem:s1], [sflag:$0x1], $0x500, $0x38;
	[tilespmem:$0x2D50] =	vst v63  }
0xad: {  	_ =	swait.ge [sflag:s15], $0x500  }
0xae: {  	[sflag:s15] =	ssyncset.done $0x0  }
0xaf: {  	[sflag:s15] =	ssyncadd.s32 $0xFFFFFB00  }
0xb0: {  	[spmem:s8] =	stream.linear.scatter [tilespmem:s1], [sflag:$0x1], $0x500, $0x38;
	[tilespmem:$0x2D50] =	vst v63  }
0xb1: {  	_ =	swait.ge [sflag:s15], $0x500  }
0xb2: {  	[sflag:s15] =	ssyncset.done $0x0  }
0xb3: {  	[sflag:s15] =	ssyncadd.s32 $0xFFFFFB00  }
0xb4: {  	[spmem:s9] =	stream.linear.scatter [tilespmem:s1], [sflag:$0x1], $0x500, $0x38;
	[tilespmem:$0x2D50] =	vst v63  }
0xb5: {  	_ =	swait.ge [sflag:s15], $0x500  }
0xb6: {  	[sflag:s15] =	ssyncset.done $0x0  }
0xb7: {  	[sflag:s15] =	ssyncadd.s32 $0xFFFFFB00  }
0xb8: {  	[spmem:s10] =	stream.linear.scatter [tilespmem:s1], [sflag:$0x1], $0x500, $0x38;
	[tilespmem:$0x2D50] =	vst v63  }
0xb9: {  	_ =	swait.ge [sflag:s15], $0x500  }
0xba: {  	[sflag:s15] =	ssyncset.done $0x0  }
0xbb: {  	[sflag:s15] =	ssyncadd.s32 $0xFFFFFB00  }
0xbc: {  	[spmem:s11] =	stream.linear.scatter [tilespmem:s1], [sflag:$0x1], $0x500, $0x38;
	[tilespmem:$0x2D50] =	vst v63  }
0xbd: {  	_ =	swait.ge [sflag:s15], $0x500  }
0xbe: {  	[sflag:s15] =	ssyncset.done $0x0  }
0xbf: {  	[sflag:s15] =	ssyncadd.s32 $0xFFFFFB00  }
0xc0: {  	[spmem:s12] =	stream.linear.scatter [tilespmem:s1], [sflag:$0x1], $0x500, $0x38;
	[tilespmem:$0x2D50] =	vst v63  }
0xc1: {  	_ =	swait.ge [sflag:s15], $0x500  }
0xc2: {  	[sflag:s15] =	ssyncset.done $0x0  }
0xc3: {  	[sflag:s15] =	ssyncadd.s32 $0xFFFFFB00  }
0xc4: {  	[spmem:s13] =	stream.linear.scatter [tilespmem:s1], [sflag:$0x1], $0x500, $0x38;
	[tilespmem:$0x2D50] =	vst v63  }
0xc5: {  	_ =	swait.ge [sflag:s15], $0x500  }
0xc6: {  	[sflag:s15] =	ssyncset.done $0x0  }
0xc7: {  	[sflag:s15] =	ssyncadd.s32 $0xFFFFFB00  }
0xc8: {  	[spmem:s14] =	stream.linear.scatter [tilespmem:s1], [sflag:$0x1], $0x500, $0x38;
	[tilespmem:$0x2D50] =	vst v63  }
0xc9: {  	_ =	swait.ge [sflag:s15], $0x500  }
0xca: {  	[sflag:s15] =	ssyncset.done $0x0  }
0xcb: {  	[sflag:s15] =	ssyncadd.s32 $0xFFFFFB00  }
0xcc: {  	s20 =	simm.s32 $0x40;
	s21 =	simm.s32 $0x0;
	[bflag:$0x0] =	sbarrier.arrive $0xFFFF  }
.LBB2_4:
0xcd: {  	p1 =	sne.s32 s20, $0x13C0;
	[tilespmem:s21+$0x2850] =	vst v1;
	s21 =	smov.u32 s20;
	s20 =	sadd.s32 $0x40, s20  }
.Ltmp8:
0xce: {  	(pc) =	sbr.rel @p1 .LBB2_4-.Ltmp8, $2  }
0xcf: {  	_ =	sdelay $0x2  }
0xd0: {  	s21 =	sshra.s32 s21, $0x2  }
0xd1: {  	[tilespmem:s21+$0x2850] =	vst v1;
	s20 =	sadd.s32 $0x0, s31  }
0xd2: {  	[tilespmem:s16], [sflag:$0x1] =	stream.linear.gather [hbm4b:s20+s3], $0x50, $0x38;
	[tilespmem:$0x2D50] =	vst v63  }
0xd3: {  	_ =	swait.ge [sflag:s15], $0x50  }
0xd4: {  	[sflag:s15] =	ssyncset.done $0x0  }
0xd5: {  	[sflag:s15] =	ssyncadd.s32 $0xFFFFFFB0  }
0xd6: {  	[spmem:s2] =	stream.indirect.scatter.add.f32 [tilespmem:s1], [sflag:$0x1], $0x10, s16, s18, $0xb8;
	[tilespmem:$0x2D50] =	vst v63  }
0xd7: {  	_ =	swait.ge [sflag:s15], $0x500  }
0xd8: {  	s21 =	simm.s32 $0x14;
	s20 =	simm.s32 $0xA;
	[sflag:s15] =	ssyncset.done $0x0  }
.LBB2_6:
0xd9: {  	s22 =	sadd.s32 s20, s31  }
0xda: {  	[sflag:s15] =	ssyncadd.s32 $0xFFFFFB00;
	s20 =	smov.u32 s21;
	s23 =	sadd.s32 $0xA, s21  }
0xdb: {  	[tilespmem:s16], [sflag:$0x1] =	stream.linear.gather [hbm4b:s22+s3], $0x50, $0x38;
	[tilespmem:$0x2D50] =	vst v63  }
0xdc: {  	p1 =	sne.s32 s21, $0x9BA;
	_ =	swait.ge [sflag:s15], $0x50  }
.Ltmp9:
0xdd: {  	[sflag:s15] =	ssyncset.done $0x0;
	(pc) =	sbr.rel @p1 .LBB2_6-.Ltmp9, $4  }
0xde: {  	[sflag:s15] =	ssyncadd.s32 $0xFFFFFFB0  }
0xdf: {  	[spmem:s2] =	stream.indirect.scatter.add.f32 [tilespmem:s1], [sflag:$0x1], $0x10, s16, s18, $0xb8;
	[tilespmem:$0x2D50] =	vst v63  }
0xe0: {  	_ =	swait.ge [sflag:s15], $0x500  }
0xe1: {  	s21 =	smov.u32 s23;
	[sflag:s15] =	ssyncset.done $0x0  }
0xe2: {  	s20 =	sadd.s32 s20, s31;
	[sflag:s15] =	ssyncadd.s32 $0xFFFFFB00  }
0xe3: {  	[tilespmem:s16], [sflag:$0x1] =	stream.linear.gather [hbm4b:s20+s3], $0x50, $0x38;
	[tilespmem:$0x2D50] =	vst v63  }
0xe4: {  	_ =	swait.ge [sflag:s15], $0x50  }
0xe5: {  	[sflag:s15] =	ssyncset.done $0x0  }
0xe6: {  	[sflag:s15] =	ssyncadd.s32 $0xFFFFFFB0  }
0xe7: {  	[spmem:s2] =	stream.indirect.scatter.add.f32 [tilespmem:s1], [sflag:$0x1], $0x10, s16, s18, $0xb8;
	[tilespmem:$0x2D50] =	vst v63  }
0xe8: {  	_ =	swait.ge [sflag:s15], $0x500  }
0xe9: {  	[sflag:s15] =	ssyncset.done $0x0  }
0xea: {  	[sflag:s15] =	ssyncadd.s32 $0xFFFFFB00  }
0xeb: {  	[bflag:$0x0] =	sbarrier.arrive $0xFFFF  }
0xec: {  	[tilespmem:s1], [sflag:$0x1] =	stream.linear.gather [spmem:s7], $0x500, $0x38;
	[tilespmem:$0x2D50] =	vst v63  }
0xed: {  	_ =	swait.ge [sflag:s15], $0x500  }
0xee: {  	[sflag:s15] =	ssyncset.done $0x0  }
0xef: {  	s23 =	rddreg [dreg:$0x3];
	[sflag:s15] =	ssyncadd.s32 $0xFFFFFB00  }
0xf0: {  	[hbm4b:s23+s3] =	stream.linear.scatter [tilespmem:s1], [sflag:$0x1], $0x500, $0x38;
	[tilespmem:$0x2D50] =	vst v63  }
0xf1: {  	_ =	swait.ge [sflag:s15], $0x500  }
0xf2: {  	[sflag:s15] =	ssyncset.done $0x0  }
0xf3: {  	[sflag:s15] =	ssyncadd.s32 $0xFFFFFB00  }
0xf4: {  	[tilespmem:s1], [sflag:$0x1] =	stream.linear.gather [spmem:s8], $0x500, $0x38;
	[tilespmem:$0x2D50] =	vst v63  }
0xf5: {  	_ =	swait.ge [sflag:s15], $0x500  }
0xf6: {  	[sflag:s15] =	ssyncset.done $0x0  }
0xf7: {  	s21 =	rddreg [dreg:$0x4];
	[sflag:s15] =	ssyncadd.s32 $0xFFFFFB00  }
0xf8: {  	[hbm4b:s21+s3] =	stream.linear.scatter [tilespmem:s1], [sflag:$0x1], $0x500, $0x38;
	[tilespmem:$0x2D50] =	vst v63  }
0xf9: {  	_ =	swait.ge [sflag:s15], $0x500  }
0xfa: {  	[sflag:s15] =	ssyncset.done $0x0  }
0xfb: {  	[sflag:s15] =	ssyncadd.s32 $0xFFFFFB00  }
0xfc: {  	[tilespmem:s1], [sflag:$0x1] =	stream.linear.gather [spmem:s9], $0x500, $0x38;
	[tilespmem:$0x2D50] =	vst v63  }
0xfd: {  	_ =	swait.ge [sflag:s15], $0x500  }
0xfe: {  	[sflag:s15] =	ssyncset.done $0x0  }
0xff: {  	s22 =	rddreg [dreg:$0x7];
	[sflag:s15] =	ssyncadd.s32 $0xFFFFFB00  }
0x100: {  	[hbm4b:s22+s3] =	stream.linear.scatter [tilespmem:s1], [sflag:$0x1], $0x500, $0x38;
	[tilespmem:$0x2D50] =	vst v63  }
0x101: {  	_ =	swait.ge [sflag:s15], $0x500  }
0x102: {  	[sflag:s15] =	ssyncset.done $0x0  }
0x103: {  	[sflag:s15] =	ssyncadd.s32 $0xFFFFFB00  }
0x104: {  	[tilespmem:s1], [sflag:$0x1] =	stream.linear.gather [spmem:s10], $0x500, $0x38;
	[tilespmem:$0x2D50] =	vst v63  }
0x105: {  	_ =	swait.ge [sflag:s15], $0x500  }
0x106: {  	[sflag:s15] =	ssyncset.done $0x0  }
0x107: {  	s23 =	rddreg [dreg:$0x9];
	[sflag:s15] =	ssyncadd.s32 $0xFFFFFB00  }
0x108: {  	[hbm4b:s23+s3] =	stream.linear.scatter [tilespmem:s1], [sflag:$0x1], $0x500, $0x38;
	[tilespmem:$0x2D50] =	vst v63  }
0x109: {  	_ =	swait.ge [sflag:s15], $0x500  }
0x10a: {  	[sflag:s15] =	ssyncset.done $0x0  }
0x10b: {  	[sflag:s15] =	ssyncadd.s32 $0xFFFFFB00  }
0x10c: {  	[tilespmem:s1], [sflag:$0x1] =	stream.linear.gather [spmem:s11], $0x500, $0x38;
	[tilespmem:$0x2D50] =	vst v63  }
0x10d: {  	_ =	swait.ge [sflag:s15], $0x500  }
0x10e: {  	[sflag:s15] =	ssyncset.done $0x0  }
0x10f: {  	[sflag:s15] =	ssyncadd.s32 $0xFFFFFB00  }
0x110: {  	[hbm4b:s24+s3] =	stream.linear.scatter [tilespmem:s1], [sflag:$0x1], $0x500, $0x38;
	[tilespmem:$0x2D50] =	vst v63  }
0x111: {  	_ =	swait.ge [sflag:s15], $0x500  }
0x112: {  	[sflag:s15] =	ssyncset.done $0x0  }
0x113: {  	[sflag:s15] =	ssyncadd.s32 $0xFFFFFB00  }
0x114: {  	[tilespmem:s1], [sflag:$0x1] =	stream.linear.gather [spmem:s12], $0x500, $0x38;
	[tilespmem:$0x2D50] =	vst v63  }
0x115: {  	_ =	swait.ge [sflag:s15], $0x500  }
0x116: {  	[sflag:s15] =	ssyncset.done $0x0  }
0x117: {  	[sflag:s15] =	ssyncadd.s32 $0xFFFFFB00  }
0x118: {  	[hbm4b:s26+s3] =	stream.linear.scatter [tilespmem:s1], [sflag:$0x1], $0x500, $0x38;
	[tilespmem:$0x2D50] =	vst v63  }
0x119: {  	_ =	swait.ge [sflag:s15], $0x500  }
0x11a: {  	[sflag:s15] =	ssyncset.done $0x0  }
0x11b: {  	[sflag:s15] =	ssyncadd.s32 $0xFFFFFB00  }
0x11c: {  	[tilespmem:s1], [sflag:$0x1] =	stream.linear.gather [spmem:s13], $0x500, $0x38;
	[tilespmem:$0x2D50] =	vst v63  }
0x11d: {  	_ =	swait.ge [sflag:s15], $0x500  }
0x11e: {  	[sflag:s15] =	ssyncset.done $0x0  }
0x11f: {  	[sflag:s15] =	ssyncadd.s32 $0xFFFFFB00  }
0x120: {  	[hbm4b:s29+s3] =	stream.linear.scatter [tilespmem:s1], [sflag:$0x1], $0x500, $0x38;
	[tilespmem:$0x2D50] =	vst v63  }
.Ltmp10:
0x121: {  	_ = 	snop;
	(pc) =	sbr.rel .LBB2_14-.Ltmp10, $4  }
0x122: {  	_ =	swait.ge [sflag:s15], $0x500  }
0x123: {  	[sflag:s15] =	ssyncset.done $0x0  }
0x124: {  	s20 =	smov.u32 s4;
	[sflag:s15] =	ssyncadd.s32 $0xFFFFFB00  }
0x125: {  	[tilespmem:s1], [sflag:$0x1] =	stream.linear.gather [spmem:s14], $0x500, $0x38;
	[tilespmem:$0x2D50] =	vst v63  }
.LBB2_15:
0x126: {  	_ =	sfence.sel $0x180000  }
0x127: {  	[bflag:$0x0] =	sbarrier.arrive $0xFFFF  }
0x128: {  	_ =	strace $0x90000047  }
0x129: {  	s0 =	stileid.u32;
	[bflag:$0x2] =	sbarrier.arrive $0xFFFF  }
0x12a: {  	p0 =	sne.s32 s0, $0x0;
	s0 =	rddreg [dreg:$0x2]  }
0x12b: {  	s0 =	sadd.s32 @!p0 $0x100000, s0  }
0x12c: {  	[sflag:s0] =	ssyncadd.tile.s32 @!p0 $0x1;
	_ =	shalt  }
.Lfunc_end2:
_tile_overlayer_lowered:
.L_overlay_start_2:
0x12d: {  	(tag) =	ssettag $0x2  }
0x12e: {  	s0 =	rddreg [dreg:$0x0];
	s2 =	stileid.u32  }
0x12f: {  	s1 =	rddreg [dreg:$0x1];
	p0 =	sne.s32 s2, $0x0  }
0x130: {  	s3 =	rddreg [dreg:$0x2];
	[bflag:$0x3] =	sbarrier.arrive $0xFFFF;
	s2 =	simm.s32 @!p0 $0x1C01  }
0x131: {  	[timem:s3], [sflag:s2] =	dma.local @!p0 [hbm:s0], s1  }
0x132: {  	s0 =	simm.s32 @!p0 $0x1  }
0x133: {  	_ =	swait.ge @!p0 [sflag:s0], s1  }
0x134: {  	s1 =	ssub.s32 @!p0 $0x0, s1;
	[sflag:s0] =	ssyncset.done @!p0 $0x0  }
0x135: {  	[sflag:s0] =	ssyncadd.s32 @!p0 s1  }
0x136: {  	[bflag:$0x3] =	sbarrier.arrive $0xFFFF  }
0x137: {  	_ =	shalt  }

</sc_bundles>
